<compile_context>
chip_gen: v7x
topology: tpu7x:2x2x1
jax: 0.10.2.dev20260603
libtpu: 0.0.44.dev20260713+nightly
codegen_flags: <defaults>
</compile_context>

<pallas_src>
import functools

import jax
import jax.numpy as jnp
import numpy as np
from jax import lax
from jax.experimental import pallas as pl
from jax.experimental.pallas import tpu as pltpu
from jax.experimental.pallas import tpu_sc as plsc

NC = 2
NS = 16
NW = NC * NS


def _unpack_perm(ncols):
    u = np.empty(ncols, np.int32)
    for k in range(ncols // 32):
        for i in range(16):
            u[32 * k + i] = 32 * k + 2 * i
            u[32 * k + 16 + i] = 32 * k + 2 * i + 1
    return u


def _tc_linear_bf16(X, Wt):
    N, D = X.shape
    OUT = Wt.shape[1]
    B = 1000

    def body(x_ref, w_ref, o_ref):
        acc = jnp.dot(x_ref[...], w_ref[...], preferred_element_type=jnp.float32)
        o_ref[...] = acc.astype(jnp.bfloat16)

    return pl.pallas_call(
        body,
        grid=(N // B,),
        in_specs=[pl.BlockSpec((B, D), lambda i: (i, 0)),
                  pl.BlockSpec((D, OUT), lambda i: (0, 0))],
        out_specs=pl.BlockSpec((B, OUT), lambda i: (i, 0)),
        out_shape=jax.ShapeDtypeStruct((N, OUT), jnp.bfloat16),
    )(X, Wt)


def _tc_mean_scale(partials, degE, OUT):
    _, M, DA = partials.shape
    B = 2000

    def body(p_ref, de_ref, o_ref):
        s = p_ref[0] + p_ref[1]
        cnt = s[:, OUT:OUT + 1]
        o_ref[...] = (s[:, :OUT] / jnp.maximum(cnt, 1.0)
                      * de_ref[...]).astype(jnp.bfloat16)

    return pl.pallas_call(
        body,
        grid=(M // B,),
        in_specs=[pl.BlockSpec((2, B, DA), lambda i: (0, i, 0)),
                  pl.BlockSpec((B, 1), lambda i: (i, 0))],
        out_specs=pl.BlockSpec((B, OUT), lambda i: (i, 0)),
        out_shape=jax.ShapeDtypeStruct((M, OUT), jnp.bfloat16),
    )(partials, degE)


def _tc_scale(partials, degV):
    _, N, OUT = partials.shape
    B = 2000

    def body(p_ref, dv_ref, o_ref):
        o_ref[...] = (p_ref[0] + p_ref[1]) * dv_ref[...]

    return pl.pallas_call(
        body,
        grid=(N // B,),
        in_specs=[pl.BlockSpec((2, B, OUT), lambda i: (0, i, 0)),
                  pl.BlockSpec((B, 1), lambda i: (i, 0))],
        out_specs=pl.BlockSpec((B, OUT), lambda i: (i, 0)),
        out_shape=jax.ShapeDtypeStruct((N, OUT), jnp.float32),
    )(partials, degV)


def _make_sc_stage(R, nnz, chunk, width, aug):
    D = 128
    P = nnz // NW
    nchunk = P // chunk
    rz = R // NS
    mesh = plsc.VectorSubcoreMesh(core_axis_name="c", subcore_axis_name="s")

    @functools.partial(
        pl.kernel,
        out_type=jax.ShapeDtypeStruct((NC, R, width), jnp.float32),
        mesh=mesh,
        compiler_params=pltpu.CompilerParams(use_tc_tiling_on_sc=False,
                                             needs_layout_passes=False),
        scratch_types=[
            pltpu.VMEM((chunk,), jnp.int32),
            pltpu.VMEM((chunk,), jnp.int32),
            pltpu.VMEM((chunk,), jnp.int32),
            pltpu.VMEM((chunk,), jnp.int32),
            pltpu.VMEM((chunk, D), jnp.bfloat16),
            pltpu.VMEM((chunk, D), jnp.bfloat16),
            pltpu.VMEM((chunk, width), jnp.float32),
            pltpu.VMEM((chunk, width), jnp.float32),
            pltpu.VMEM_SHARED((R, width), jnp.float32),
            pltpu.SemaphoreType.DMA,
            pltpu.SemaphoreType.DMA,
            pltpu.SemaphoreType.DMA,
            pltpu.SemaphoreType.DMA,
            pltpu.SemaphoreType.DMA,
            pltpu.SemaphoreType.DMA,
            pltpu.SemaphoreType.DMA,
            pltpu.SemaphoreType.DMA,
        ],
    )
    def stage(table, gidx, sidx, zeros, out, gb0, gb1, sb0, sb1, rb0, rb1,
              rf0, rf1, acc, gsem0, gsem1, glsem0, glsem1, isem0, isem1,
              ssem0, ssem1):
        cid = lax.axis_index("c")
        sid = lax.axis_index("s")
        wid = cid * NS + sid
        pltpu.sync_copy(zeros.at[pl.ds(sid * rz, rz)], acc.at[pl.ds(sid * rz, rz)])
        base0 = wid * P
        if aug:
            pad = jnp.where(lax.iota(jnp.int32, 16) == 0, 1.0, 0.0)
            for r in range(chunk):
                rf0[r, pl.ds(D, 16)] = pad
                rf1[r, pl.ds(D, 16)] = pad
        plsc.subcore_barrier()

        def start_gidx(j, gbuf, sem):
            pltpu.async_copy(gidx.at[pl.ds(base0 + j * chunk, chunk)],
                             gbuf, sem)

        def wait_gidx(j, gbuf, sem):
            pltpu.make_async_copy(gidx.at[pl.ds(base0 + j * chunk, chunk)],
                                  gbuf, sem).wait()

        def start_sidx(j, sbuf, sem):
            pltpu.async_copy(sidx.at[pl.ds(base0 + j * chunk, chunk)],
                             sbuf, sem)

        def wait_sidx(j, sbuf, sem):
            pltpu.make_async_copy(sidx.at[pl.ds(base0 + j * chunk, chunk)],
                                  sbuf, sem).wait()

        def convert(rbuf, fbuf):
            @plsc.parallel_loop(0, chunk, step=1)
            def _(r):
                for c in range(D // 32):
                    v = rbuf[r, pl.ds(32 * c, 32)]
                    w = plsc.bitcast(v, jnp.int32)
                    lo = plsc.bitcast(w << 16, jnp.float32)
                    hi = plsc.bitcast(w & jnp.int32(-65536), jnp.float32)
                    fbuf[r, pl.ds(32 * c, 16)] = lo
                    fbuf[r, pl.ds(32 * c + 16, 16)] = hi

        def halfstep(k, j, gbuf, glsem, sbuf, isem, rbuf, gsem, fbuf, ssem):
            @pl.when(k > 0)
            def _():
                pltpu.make_async_copy(fbuf, acc.at[sbuf], ssem).wait()
            start_sidx(j, sbuf, isem)
            pltpu.make_async_copy(table.at[gbuf], rbuf, gsem).wait()
            @pl.when(j + 2 < nchunk)
            def _():
                start_gidx(j + 2, gbuf, glsem)
            convert(rbuf, fbuf)
            wait_sidx(j, sbuf, isem)
            pltpu.async_copy(fbuf, acc.at[sbuf], ssem, add=True)
            @pl.when(j + 2 < nchunk)
            def _():
                wait_gidx(j + 2, gbuf, glsem)
                pltpu.async_copy(table.at[gbuf], rbuf, gsem)

        pltpu.sync_copy(gidx.at[pl.ds(base0, chunk)], gb0)
        pltpu.sync_copy(gidx.at[pl.ds(base0 + chunk, chunk)], gb1)
        pltpu.async_copy(table.at[gb0], rb0, gsem0)
        pltpu.async_copy(table.at[gb1], rb1, gsem1)

        def body(k, carry):
            halfstep(k, 2 * k, gb0, glsem0, sb0, isem0, rb0, gsem0, rf0, ssem0)
            halfstep(k, 2 * k + 1, gb1, glsem1, sb1, isem1, rb1, gsem1,
                     rf1, ssem1)
            return carry

        npair = nchunk // 2
        lax.fori_loop(0, npair, body, 0)
        if nchunk % 2 == 1:
            halfstep(npair, nchunk - 1, gb0, glsem0, sb0, isem0, rb0, gsem0,
                     rf0, ssem0)
        pltpu.make_async_copy(rf0, acc.at[sb0], ssem0).wait()
        pltpu.make_async_copy(rf1, acc.at[sb1], ssem1).wait()
        plsc.subcore_barrier()
        pltpu.sync_copy(acc.at[pl.ds(sid * rz, rz)],
                        out.at[cid, pl.ds(sid * rz, rz)])

    return stage


def kernel(X, vertex, edges, degE, degV, W):
    N, D = X.shape
    OUT = W.shape[0]
    M = degE.shape[0]
    NNZ = vertex.shape[0]
    DA = OUT + 16

    u = _unpack_perm(OUT)
    uinv = np.argsort(u)
    Wp = W.T[:, uinv[uinv]]

    xp = _tc_linear_bf16(X, Wp)

    zA = jnp.zeros((M, DA), jnp.float32)
    pA = _make_sc_stage(M, NNZ, 80, DA, True)(xp, vertex, edges, zA)
    xe = _tc_mean_scale(pA, degE, OUT)

    zB = jnp.zeros((N, OUT), jnp.float32)
    pB = _make_sc_stage(N, NNZ, 80, OUT, False)(xe, edges, vertex, zB)
    return _tc_scale(pB, degV)

# --- scband reference (transcript-rebuilt; emitter-appended) ---
"""Pipeline reference for scband-uni-gcnconv-30253749633195 (READ-ONLY COPY).

The authoritative reference and input builder live on the scoring server;
editing this copy changes nothing except your own understanding.
"""

import jax, jax.numpy as jnp
import numpy as np

N = 10000      # number of vertices
M = 10000      # number of hyperedges
NNZ = 320000   # incidence pairs (vertex, edge)
D = 128        # in_channels
OUT = 128      # heads * out_channels = 1 * 128


def setup_inputs(seed: int = 0) -> dict:
    key = jax.random.key(seed)
    k1, k2, k3, k4, k5, k6 = jax.random.split(key, 6)
    X = jax.random.normal(k1, (N, D), dtype=jnp.float32)
    vertex = jax.random.randint(k2, (NNZ,), 0, N, dtype=jnp.int32)
    edges = jax.random.randint(k3, (NNZ,), 0, M, dtype=jnp.int32)
    degE = jax.random.uniform(k4, (M, 1), dtype=jnp.float32)
    degV = jax.random.uniform(k5, (N, 1), dtype=jnp.float32)
    # Linear weight W: (out_features, in_features), bias=False
    W = jax.random.normal(k6, (OUT, D), dtype=jnp.float32) * (1.0 / np.sqrt(D))
    return {"X": X, "vertex": vertex, "edges": edges, "degE": degE, "degV": degV, "W": W}


def reference(X, vertex, edges, degE, degV, W):
    # X = self.W(X)
    Xp = X @ W.T
    # Xve = X[vertex]  (gather)
    Xve = jnp.take(Xp, vertex, axis=0)
    # Xe = scatter(Xve, edges, reduce='mean')  (first_aggregate='mean')
    sums = jax.ops.segment_sum(Xve, edges, num_segments=M)
    cnt = jax.ops.segment_sum(jnp.ones((NNZ, 1), dtype=jnp.float32), edges, num_segments=M)
    Xe = sums / jnp.clip(cnt, 1.0)
    # Xe = Xe * degE
    Xe = Xe * degE
    # Xev = Xe[edges]  (gather)
    Xev = jnp.take(Xe, edges, axis=0)
    # Xv = scatter(Xev, vertex, reduce='sum', dim_size=N)
    Xv = jax.ops.segment_sum(Xev, vertex, num_segments=N)
    # Xv = Xv * degV
    Xv = Xv * degV
    # use_norm = False -> return directly
    return Xv

if __name__ == "__main__":
    import jax
    _d = setup_inputs()
    print(jax.jit(kernel)(*tuple(_d.values())))

</pallas_src>

<mosaic_0001>
#map = affine_map<(d0, d1) -> (0, 0)>
#map1 = affine_map<(d0, d1) -> (0)>
#map2 = affine_map<(d0, d1) -> (0, 0, 0)>
module attributes {stable_mosaic.version = 14 : i64} {
  func.func @stage(%arg0: i32, %arg1: i32, %arg2: memref<10000x128xbf16, #tpu.memory_space<hbm>>, %arg3: memref<320000xi32, #tpu.memory_space<hbm>>, %arg4: memref<320000xi32, #tpu.memory_space<hbm>>, %arg5: memref<10000x144xf32, #tpu.memory_space<hbm>>, %arg6: memref<2x10000x144xf32, #tpu.memory_space<hbm>>, %arg7: memref<80xi32, #tpu.memory_space<vmem>>, %arg8: memref<80xi32, #tpu.memory_space<vmem>>, %arg9: memref<80xi32, #tpu.memory_space<vmem>>, %arg10: memref<80xi32, #tpu.memory_space<vmem>>, %arg11: memref<80x128xbf16, #tpu.memory_space<vmem>>, %arg12: memref<80x128xbf16, #tpu.memory_space<vmem>>, %arg13: memref<80x144xf32, #tpu.memory_space<vmem>>, %arg14: memref<80x144xf32, #tpu.memory_space<vmem>>, %arg15: memref<10000x144xf32, #tpu.memory_space<vmem_shared>>, %arg16: memref<!tpu.dma_semaphore, #tpu.memory_space<semaphore_mem>>, %arg17: memref<!tpu.dma_semaphore, #tpu.memory_space<semaphore_mem>>, %arg18: memref<!tpu.dma_semaphore, #tpu.memory_space<semaphore_mem>>, %arg19: memref<!tpu.dma_semaphore, #tpu.memory_space<semaphore_mem>>, %arg20: memref<!tpu.dma_semaphore, #tpu.memory_space<semaphore_mem>>, %arg21: memref<!tpu.dma_semaphore, #tpu.memory_space<semaphore_mem>>, %arg22: memref<!tpu.dma_semaphore, #tpu.memory_space<semaphore_mem>>, %arg23: memref<!tpu.dma_semaphore, #tpu.memory_space<semaphore_mem>>) attributes {dimension_semantics = [#tpu.dimension_semantics<core_parallel>, #tpu.dimension_semantics<subcore_parallel>], iteration_bounds = array<i64: 2, 16>, scalar_prefetch = 0 : i64, scratch_operands = 17 : i64, tpu.core_type = #tpu.core_type<sc_vector_subcore>, window_params = [{transform_indices = #map}, {transform_indices = #map1}, {transform_indices = #map1}, {transform_indices = #map}, {transform_indices = #map2}]} {
    %mul3A = arith.constant 16 : i32
    %mul3A_0 = arith.muli %arg0, %mul3A : i32
    %add3A = arith.addi %mul3A_0, %arg1 : i32
    %mul3A_1 = arith.constant 625 : i32
    %mul3A_2 = arith.muli %arg1, %mul3A_1 : i32
    %mul3A_3 = arith.constant 625 : i32
    %mul3A_4 = arith.muli %arg1, %mul3A_3 : i32
    "tpu.region"() ({
      %run_scoped3A = tpu.sem_alloc : memref<!tpu.dma_semaphore, #tpu.memory_space<semaphore_mem>>
      %dma_start3A_691 = arith.constant 0 : i32
      %dma_start3A_692 = tpu.memref_slice %arg15[%mul3A_4, %dma_start3A_691] : memref<10000x144xf32, #tpu.memory_space<vmem_shared>> -> memref<625x144xf32, #tpu.memory_space<vmem_shared>>
      %dma_start3A_693 = arith.constant 0 : i32
      %dma_start3A_694 = tpu.memref_slice %arg5[%mul3A_2, %dma_start3A_693] : memref<10000x144xf32, #tpu.memory_space<hbm>> -> memref<625x144xf32, #tpu.memory_space<hbm>>
      tpu.enqueue_dma source(%dma_start3A_694 : memref<625x144xf32, #tpu.memory_space<hbm>>) target(%dma_start3A_692 : memref<625x144xf32, #tpu.memory_space<vmem_shared>>) target_semaphore(%run_scoped3A : memref<!tpu.dma_semaphore, #tpu.memory_space<semaphore_mem>>)
      %dma_wait3A_695 = arith.constant 0 : i32
      %dma_wait3A_696 = tpu.memref_slice %arg15[%mul3A_4, %dma_wait3A_695] : memref<10000x144xf32, #tpu.memory_space<vmem_shared>> -> memref<625x144xf32, #tpu.memory_space<vmem_shared>>
      %dma_wait3A_697 = arith.constant 0 : i32
      %dma_wait3A_698 = tpu.memref_slice %arg5[%mul3A_2, %dma_wait3A_697] : memref<10000x144xf32, #tpu.memory_space<hbm>> -> memref<625x144xf32, #tpu.memory_space<hbm>>
      tpu.wait_dma2 semaphore(%run_scoped3A : memref<!tpu.dma_semaphore, #tpu.memory_space<semaphore_mem>>) src(%dma_wait3A_698 : memref<625x144xf32, #tpu.memory_space<hbm>>) dst(%dma_wait3A_696 : memref<625x144xf32, #tpu.memory_space<vmem_shared>>)
      tpu.yield
    }) : () -> ()
    %mul3A_5 = arith.constant 10000 : i32
    %mul3A_6 = arith.muli %add3A, %mul3A_5 : i32
    %iota3A = tpu.iota {dimensions = array<i32: 0>} : vector<16xi32>
    %eq3A = arith.constant 0 : i32
    %eq3A_7 = vector.broadcast %eq3A : i32 to vector<16xi32>
    %eq3A_8 = arith.cmpi eq, %iota3A, %eq3A_7 : vector<16xi32>
    %jit3A = arith.constant 1.000000e+00 : f32
    %jit3A_9 = arith.constant 0.000000e+00 : f32
    %broadcast_in_dim3A = vector.broadcast %jit3A : f32 to vector<16xf32>
    %broadcast_in_dim3A_10 = vector.broadcast %jit3A_9 : f32 to vector<16xf32>
    %select_n3A = arith.select %eq3A_8, %broadcast_in_dim3A, %broadcast_in_dim3A_10 : vector<16xi1>, vector<16xf32>
    %swap3A = arith.constant 0 : i32
    %swap3A_11 = arith.index_cast %swap3A : i32 to index
    %swap3A_12 = arith.constant 128 : index
    %swap3A_13 = tpu.vector_load %arg13[%swap3A_11, %swap3A_12] {strides = array<i32>} : memref<80x144xf32, #tpu.memory_space<vmem>>, vector<16xf32>,
    tpu.vector_store %arg13[%swap3A_11, %swap3A_12], %select_n3A {strides = array<i32>} : memref<80x144xf32, #tpu.memory_space<vmem>>, vector<16xf32>,
    %swap3A_14 = arith.constant 0 : i32
    %swap3A_15 = arith.index_cast %swap3A_14 : i32 to index
    %swap3A_16 = arith.constant 128 : index
    %swap3A_17 = tpu.vector_load %arg14[%swap3A_15, %swap3A_16] {strides = array<i32>} : memref<80x144xf32, #tpu.memory_space<vmem>>, vector<16xf32>,
    tpu.vector_store %arg14[%swap3A_15, %swap3A_16], %select_n3A {strides = array<i32>} : memref<80x144xf32, #tpu.memory_space<vmem>>, vector<16xf32>,
    %swap3A_18 = arith.constant 1 : i32
    %swap3A_19 = arith.index_cast %swap3A_18 : i32 to index
    %swap3A_20 = arith.constant 128 : index
    %swap3A_21 = tpu.vector_load %arg13[%swap3A_19, %swap3A_20] {strides = array<i32>} : memref<80x144xf32, #tpu.memory_space<vmem>>, vector<16xf32>,
    tpu.vector_store %arg13[%swap3A_19, %swap3A_20], %select_n3A {strides = array<i32>} : memref<80x144xf32, #tpu.memory_space<vmem>>, vector<16xf32>,
    %swap3A_22 = arith.constant 1 : i32
    %swap3A_23 = arith.index_cast %swap3A_22 : i32 to index
    %swap3A_24 = arith.constant 128 : index
    %swap3A_25 = tpu.vector_load %arg14[%swap3A_23, %swap3A_24] {strides = array<i32>} : memref<80x144xf32, #tpu.memory_space<vmem>>, vector<16xf32>,
    tpu.vector_store %arg14[%swap3A_23, %swap3A_24], %select_n3A {strides = array<i32>} : memref<80x144xf32, #tpu.memory_space<vmem>>, vector<16xf32>,
    %swap3A_26 = arith.constant 2 : i32
    %swap3A_27 = arith.index_cast %swap3A_26 : i32 to index
    %swap3A_28 = arith.constant 128 : index
    %swap3A_29 = tpu.vector_load %arg13[%swap3A_27, %swap3A_28] {strides = array<i32>} : memref<80x144xf32, #tpu.memory_space<vmem>>, vector<16xf32>,
    tpu.vector_store %arg13[%swap3A_27, %swap3A_28], %select_n3A {strides = array<i32>} : memref<80x144xf32, #tpu.memory_space<vmem>>, vector<16xf32>,
    %swap3A_30 = arith.constant 2 : i32
    %swap3A_31 = arith.index_cast %swap3A_30 : i32 to index
    %swap3A_32 = arith.constant 128 : index
    %swap3A_33 = tpu.vector_load %arg14[%swap3A_31, %swap3A_32] {strides = array<i32>} : memref<80x144xf32, #tpu.memory_space<vmem>>, vector<16xf32>,
    tpu.vector_store %arg14[%swap3A_31, %swap3A_32], %select_n3A {strides = array<i32>} : memref<80x144xf32, #tpu.memory_space<vmem>>, vector<16xf32>,
    %swap3A_34 = arith.constant 3 : i32
    %swap3A_35 = arith.index_cast %swap3A_34 : i32 to index
    %swap3A_36 = arith.constant 128 : index
    %swap3A_37 = tpu.vector_load %arg13[%swap3A_35, %swap3A_36] {strides = array<i32>} : memref<80x144xf32, #tpu.memory_space<vmem>>, vector<16xf32>,
    tpu.vector_store %arg13[%swap3A_35, %swap3A_36], %select_n3A {strides = array<i32>} : memref<80x144xf32, #tpu.memory_space<vmem>>, vector<16xf32>,
    %swap3A_38 = arith.constant 3 : i32
    %swap3A_39 = arith.index_cast %swap3A_38 : i32 to index
    %swap3A_40 = arith.constant 128 : index
    %swap3A_41 = tpu.vector_load %arg14[%swap3A_39, %swap3A_40] {strides = array<i32>} : memref<80x144xf32, #tpu.memory_space<vmem>>, vector<16xf32>,
    tpu.vector_store %arg14[%swap3A_39, %swap3A_40], %select_n3A {strides = array<i32>} : memref<80x144xf32, #tpu.memory_space<vmem>>, vector<16xf32>,
    %swap3A_42 = arith.constant 4 : i32
    %swap3A_43 = arith.index_cast %swap3A_42 : i32 to index
    %swap3A_44 = arith.constant 128 : index
    %swap3A_45 = tpu.vector_load %arg13[%swap3A_43, %swap3A_44] {strides = array<i32>} : memref<80x144xf32, #tpu.memory_space<vmem>>, vector<16xf32>,
    tpu.vector_store %arg13[%swap3A_43, %swap3A_44], %select_n3A {strides = array<i32>} : memref<80x144xf32, #tpu.memory_space<vmem>>, vector<16xf32>,
    %swap3A_46 = arith.constant 4 : i32
    %swap3A_47 = arith.index_cast %swap3A_46 : i32 to index
    %swap3A_48 = arith.constant 128 : index
    %swap3A_49 = tpu.vector_load %arg14[%swap3A_47, %swap3A_48] {strides = array<i32>} : memref<80x144xf32, #tpu.memory_space<vmem>>, vector<16xf32>,
    tpu.vector_store %arg14[%swap3A_47, %swap3A_48], %select_n3A {strides = array<i32>} : memref<80x144xf32, #tpu.memory_space<vmem>>, vector<16xf32>,
    %swap3A_50 = arith.constant 5 : i32
    %swap3A_51 = arith.index_cast %swap3A_50 : i32 to index
    %swap3A_52 = arith.constant 128 : index
    %swap3A_53 = tpu.vector_load %arg13[%swap3A_51, %swap3A_52] {strides = array<i32>} : memref<80x144xf32, #tpu.memory_space<vmem>>, vector<16xf32>,
    tpu.vector_store %arg13[%swap3A_51, %swap3A_52], %select_n3A {strides = array<i32>} : memref<80x144xf32, #tpu.memory_space<vmem>>, vector<16xf32>,
    %swap3A_54 = arith.constant 5 : i32
    %swap3A_55 = arith.index_cast %swap3A_54 : i32 to index
    %swap3A_56 = arith.constant 128 : index
    %swap3A_57 = tpu.vector_load %arg14[%swap3A_55, %swap3A_56] {strides = array<i32>} : memref<80x144xf32, #tpu.memory_space<vmem>>, vector<16xf32>,
    tpu.vector_store %arg14[%swap3A_55, %swap3A_56], %select_n3A {strides = array<i32>} : memref<80x144xf32, #tpu.memory_space<vmem>>, vector<16xf32>,
    %swap3A_58 = arith.constant 6 : i32
    %swap3A_59 = arith.index_cast %swap3A_58 : i32 to index
    %swap3A_60 = arith.constant 128 : index
    %swap3A_61 = tpu.vector_load %arg13[%swap3A_59, %swap3A_60] {strides = array<i32>} : memref<80x144xf32, #tpu.memory_space<vmem>>, vector<16xf32>,
    tpu.vector_store %arg13[%swap3A_59, %swap3A_60], %select_n3A {strides = array<i32>} : memref<80x144xf32, #tpu.memory_space<vmem>>, vector<16xf32>,
    %swap3A_62 = arith.constant 6 : i32
    %swap3A_63 = arith.index_cast %swap3A_62 : i32 to index
    %swap3A_64 = arith.constant 128 : index
    %swap3A_65 = tpu.vector_load %arg14[%swap3A_63, %swap3A_64] {strides = array<i32>} : memref<80x144xf32, #tpu.memory_space<vmem>>, vector<16xf32>,
    tpu.vector_store %arg14[%swap3A_63, %swap3A_64], %select_n3A {strides = array<i32>} : memref<80x144xf32, #tpu.memory_space<vmem>>, vector<16xf32>,
    %swap3A_66 = arith.constant 7 : i32
    %swap3A_67 = arith.index_cast %swap3A_66 : i32 to index
    %swap3A_68 = arith.constant 128 : index
    %swap3A_69 = tpu.vector_load %arg13[%swap3A_67, %swap3A_68] {strides = array<i32>} : memref<80x144xf32, #tpu.memory_space<vmem>>, vector<16xf32>,
    tpu.vector_store %arg13[%swap3A_67, %swap3A_68], %select_n3A {strides = array<i32>} : memref<80x144xf32, #tpu.memory_space<vmem>>, vector<16xf32>,
    %swap3A_70 = arith.constant 7 : i32
    %swap3A_71 = arith.index_cast %swap3A_70 : i32 to index
    %swap3A_72 = arith.constant 128 : index
    %swap3A_73 = tpu.vector_load %arg14[%swap3A_71, %swap3A_72] {strides = array<i32>} : memref<80x144xf32, #tpu.memory_space<vmem>>, vector<16xf32>,
    tpu.vector_store %arg14[%swap3A_71, %swap3A_72], %select_n3A {strides = array<i32>} : memref<80x144xf32, #tpu.memory_space<vmem>>, vector<16xf32>,
    %swap3A_74 = arith.constant 8 : i32
    %swap3A_75 = arith.index_cast %swap3A_74 : i32 to index
    %swap3A_76 = arith.constant 128 : index
    %swap3A_77 = tpu.vector_load %arg13[%swap3A_75, %swap3A_76] {strides = array<i32>} : memref<80x144xf32, #tpu.memory_space<vmem>>, vector<16xf32>,
    tpu.vector_store %arg13[%swap3A_75, %swap3A_76], %select_n3A {strides = array<i32>} : memref<80x144xf32, #tpu.memory_space<vmem>>, vector<16xf32>,
    %swap3A_78 = arith.constant 8 : i32
    %swap3A_79 = arith.index_cast %swap3A_78 : i32 to index
    %swap3A_80 = arith.constant 128 : index
    %swap3A_81 = tpu.vector_load %arg14[%swap3A_79, %swap3A_80] {strides = array<i32>} : memref<80x144xf32, #tpu.memory_space<vmem>>, vector<16xf32>,
    tpu.vector_store %arg14[%swap3A_79, %swap3A_80], %select_n3A {strides = array<i32>} : memref<80x144xf32, #tpu.memory_space<vmem>>, vector<16xf32>,
    %swap3A_82 = arith.constant 9 : i32
    %swap3A_83 = arith.index_cast %swap3A_82 : i32 to index
    %swap3A_84 = arith.constant 128 : index
    %swap3A_85 = tpu.vector_load %arg13[%swap3A_83, %swap3A_84] {strides = array<i32>} : memref<80x144xf32, #tpu.memory_space<vmem>>, vector<16xf32>,
    tpu.vector_store %arg13[%swap3A_83, %swap3A_84], %select_n3A {strides = array<i32>} : memref<80x144xf32, #tpu.memory_space<vmem>>, vector<16xf32>,
    %swap3A_86 = arith.constant 9 : i32
    %swap3A_87 = arith.index_cast %swap3A_86 : i32 to index
    %swap3A_88 = arith.constant 128 : index
    %swap3A_89 = tpu.vector_load %arg14[%swap3A_87, %swap3A_88] {strides = array<i32>} : memref<80x144xf32, #tpu.memory_space<vmem>>, vector<16xf32>,
    tpu.vector_store %arg14[%swap3A_87, %swap3A_88], %select_n3A {strides = array<i32>} : memref<80x144xf32, #tpu.memory_space<vmem>>, vector<16xf32>,
    %swap3A_90 = arith.constant 10 : i32
    %swap3A_91 = arith.index_cast %swap3A_90 : i32 to index
    %swap3A_92 = arith.constant 128 : index
    %swap3A_93 = tpu.vector_load %arg13[%swap3A_91, %swap3A_92] {strides = array<i32>} : memref<80x144xf32, #tpu.memory_space<vmem>>, vector<16xf32>,
    tpu.vector_store %arg13[%swap3A_91, %swap3A_92], %select_n3A {strides = array<i32>} : memref<80x144xf32, #tpu.memory_space<vmem>>, vector<16xf32>,
    %swap3A_94 = arith.constant 10 : i32
    %swap3A_95 = arith.index_cast %swap3A_94 : i32 to index
    %swap3A_96 = arith.constant 128 : index
    %swap3A_97 = tpu.vector_load %arg14[%swap3A_95, %swap3A_96] {strides = array<i32>} : memref<80x144xf32, #tpu.memory_space<vmem>>, vector<16xf32>,
    tpu.vector_store %arg14[%swap3A_95, %swap3A_96], %select_n3A {strides = array<i32>} : memref<80x144xf32, #tpu.memory_space<vmem>>, vector<16xf32>,
    %swap3A_98 = arith.constant 11 : i32
    %swap3A_99 = arith.index_cast %swap3A_98 : i32 to index
    %swap3A_100 = arith.constant 128 : index
    %swap3A_101 = tpu.vector_load %arg13[%swap3A_99, %swap3A_100] {strides = array<i32>} : memref<80x144xf32, #tpu.memory_space<vmem>>, vector<16xf32>,
    tpu.vector_store %arg13[%swap3A_99, %swap3A_100], %select_n3A {strides = array<i32>} : memref<80x144xf32, #tpu.memory_space<vmem>>, vector<16xf32>,
    %swap3A_102 = arith.constant 11 : i32
    %swap3A_103 = arith.index_cast %swap3A_102 : i32 to index
    %swap3A_104 = arith.constant 128 : index
    %swap3A_105 = tpu.vector_load %arg14[%swap3A_103, %swap3A_104] {strides = array<i32>} : memref<80x144xf32, #tpu.memory_space<vmem>>, vector<16xf32>,
    tpu.vector_store %arg14[%swap3A_103, %swap3A_104], %select_n3A {strides = array<i32>} : memref<80x144xf32, #tpu.memory_space<vmem>>, vector<16xf32>,
    %swap3A_106 = arith.constant 12 : i32
    %swap3A_107 = arith.index_cast %swap3A_106 : i32 to index
    %swap3A_108 = arith.constant 128 : index
    %swap3A_109 = tpu.vector_load %arg13[%swap3A_107, %swap3A_108] {strides = array<i32>} : memref<80x144xf32, #tpu.memory_space<vmem>>, vector<16xf32>,
    tpu.vector_store %arg13[%swap3A_107, %swap3A_108], %select_n3A {strides = array<i32>} : memref<80x144xf32, #tpu.memory_space<vmem>>, vector<16xf32>,
    %swap3A_110 = arith.constant 12 : i32
    %swap3A_111 = arith.index_cast %swap3A_110 : i32 to index
    %swap3A_112 = arith.constant 128 : index
    %swap3A_113 = tpu.vector_load %arg14[%swap3A_111, %swap3A_112] {strides = array<i32>} : memref<80x144xf32, #tpu.memory_space<vmem>>, vector<16xf32>,
    tpu.vector_store %arg14[%swap3A_111, %swap3A_112], %select_n3A {strides = array<i32>} : memref<80x144xf32, #tpu.memory_space<vmem>>, vector<16xf32>,
    %swap3A_114 = arith.constant 13 : i32
    %swap3A_115 = arith.index_cast %swap3A_114 : i32 to index
    %swap3A_116 = arith.constant 128 : index
    %swap3A_117 = tpu.vector_load %arg13[%swap3A_115, %swap3A_116] {strides = array<i32>} : memref<80x144xf32, #tpu.memory_space<vmem>>, vector<16xf32>,
    tpu.vector_store %arg13[%swap3A_115, %swap3A_116], %select_n3A {strides = array<i32>} : memref<80x144xf32, #tpu.memory_space<vmem>>, vector<16xf32>,
    %swap3A_118 = arith.constant 13 : i32
    %swap3A_119 = arith.index_cast %swap3A_118 : i32 to index
    %swap3A_120 = arith.constant 128 : index
    %swap3A_121 = tpu.vector_load %arg14[%swap3A_119, %swap3A_120] {strides = array<i32>} : memref<80x144xf32, #tpu.memory_space<vmem>>, vector<16xf32>,
    tpu.vector_store %arg14[%swap3A_119, %swap3A_120], %select_n3A {strides = array<i32>} : memref<80x144xf32, #tpu.memory_space<vmem>>, vector<16xf32>,
    %swap3A_122 = arith.constant 14 : i32
    %swap3A_123 = arith.index_cast %swap3A_122 : i32 to index
    %swap3A_124 = arith.constant 128 : index
    %swap3A_125 = tpu.vector_load %arg13[%swap3A_123, %swap3A_124] {strides = array<i32>} : memref<80x144xf32, #tpu.memory_space<vmem>>, vector<16xf32>,
    tpu.vector_store %arg13[%swap3A_123, %swap3A_124], %select_n3A {strides = array<i32>} : memref<80x144xf32, #tpu.memory_space<vmem>>, vector<16xf32>,
    %swap3A_126 = arith.constant 14 : i32
    %swap3A_127 = arith.index_cast %swap3A_126 : i32 to index
    %swap3A_128 = arith.constant 128 : index
    %swap3A_129 = tpu.vector_load %arg14[%swap3A_127, %swap3A_128] {strides = array<i32>} : memref<80x144xf32, #tpu.memory_space<vmem>>, vector<16xf32>,
    tpu.vector_store %arg14[%swap3A_127, %swap3A_128], %select_n3A {strides = array<i32>} : memref<80x144xf32, #tpu.memory_space<vmem>>, vector<16xf32>,
    %swap3A_130 = arith.constant 15 : i32
    %swap3A_131 = arith.index_cast %swap3A_130 : i32 to index
    %swap3A_132 = arith.constant 128 : index
    %swap3A_133 = tpu.vector_load %arg13[%swap3A_131, %swap3A_132] {strides = array<i32>} : memref<80x144xf32, #tpu.memory_space<vmem>>, vector<16xf32>,
    tpu.vector_store %arg13[%swap3A_131, %swap3A_132], %select_n3A {strides = array<i32>} : memref<80x144xf32, #tpu.memory_space<vmem>>, vector<16xf32>,
    %swap3A_134 = arith.constant 15 : i32
    %swap3A_135 = arith.index_cast %swap3A_134 : i32 to index
    %swap3A_136 = arith.constant 128 : index
    %swap3A_137 = tpu.vector_load %arg14[%swap3A_135, %swap3A_136] {strides = array<i32>} : memref<80x144xf32, #tpu.memory_space<vmem>>, vector<16xf32>,
    tpu.vector_store %arg14[%swap3A_135, %swap3A_136], %select_n3A {strides = array<i32>} : memref<80x144xf32, #tpu.memory_space<vmem>>, vector<16xf32>,
    %swap3A_138 = arith.constant 16 : i32
    %swap3A_139 = arith.index_cast %swap3A_138 : i32 to index
    %swap3A_140 = arith.constant 128 : index
    %swap3A_141 = tpu.vector_load %arg13[%swap3A_139, %swap3A_140] {strides = array<i32>} : memref<80x144xf32, #tpu.memory_space<vmem>>, vector<16xf32>,
    tpu.vector_store %arg13[%swap3A_139, %swap3A_140], %select_n3A {strides = array<i32>} : memref<80x144xf32, #tpu.memory_space<vmem>>, vector<16xf32>,
    %swap3A_142 = arith.constant 16 : i32
    %swap3A_143 = arith.index_cast %swap3A_142 : i32 to index
    %swap3A_144 = arith.constant 128 : index
    %swap3A_145 = tpu.vector_load %arg14[%swap3A_143, %swap3A_144] {strides = array<i32>} : memref<80x144xf32, #tpu.memory_space<vmem>>, vector<16xf32>,
    tpu.vector_store %arg14[%swap3A_143, %swap3A_144], %select_n3A {strides = array<i32>} : memref<80x144xf32, #tpu.memory_space<vmem>>, vector<16xf32>,
    %swap3A_146 = arith.constant 17 : i32
    %swap3A_147 = arith.index_cast %swap3A_146 : i32 to index
    %swap3A_148 = arith.constant 128 : index
    %swap3A_149 = tpu.vector_load %arg13[%swap3A_147, %swap3A_148] {strides = array<i32>} : memref<80x144xf32, #tpu.memory_space<vmem>>, vector<16xf32>,
    tpu.vector_store %arg13[%swap3A_147, %swap3A_148], %select_n3A {strides = array<i32>} : memref<80x144xf32, #tpu.memory_space<vmem>>, vector<16xf32>,
    %swap3A_150 = arith.constant 17 : i32
    %swap3A_151 = arith.index_cast %swap3A_150 : i32 to index
    %swap3A_152 = arith.constant 128 : index
    %swap3A_153 = tpu.vector_load %arg14[%swap3A_151, %swap3A_152] {strides = array<i32>} : memref<80x144xf32, #tpu.memory_space<vmem>>, vector<16xf32>,
    tpu.vector_store %arg14[%swap3A_151, %swap3A_152], %select_n3A {strides = array<i32>} : memref<80x144xf32, #tpu.memory_space<vmem>>, vector<16xf32>,
    %swap3A_154 = arith.constant 18 : i32
    %swap3A_155 = arith.index_cast %swap3A_154 : i32 to index
    %swap3A_156 = arith.constant 128 : index
    %swap3A_157 = tpu.vector_load %arg13[%swap3A_155, %swap3A_156] {strides = array<i32>} : memref<80x144xf32, #tpu.memory_space<vmem>>, vector<16xf32>,
    tpu.vector_store %arg13[%swap3A_155, %swap3A_156], %select_n3A {strides = array<i32>} : memref<80x144xf32, #tpu.memory_space<vmem>>, vector<16xf32>,
    %swap3A_158 = arith.constant 18 : i32
    %swap3A_159 = arith.index_cast %swap3A_158 : i32 to index
    %swap3A_160 = arith.constant 128 : index
    %swap3A_161 = tpu.vector_load %arg14[%swap3A_159, %swap3A_160] {strides = array<i32>} : memref<80x144xf32, #tpu.memory_space<vmem>>, vector<16xf32>,
    tpu.vector_store %arg14[%swap3A_159, %swap3A_160], %select_n3A {strides = array<i32>} : memref<80x144xf32, #tpu.memory_space<vmem>>, vector<16xf32>,
    %swap3A_162 = arith.constant 19 : i32
    %swap3A_163 = arith.index_cast %swap3A_162 : i32 to index
    %swap3A_164 = arith.constant 128 : index
    %swap3A_165 = tpu.vector_load %arg13[%swap3A_163, %swap3A_164] {strides = array<i32>} : memref<80x144xf32, #tpu.memory_space<vmem>>, vector<16xf32>,
    tpu.vector_store %arg13[%swap3A_163, %swap3A_164], %select_n3A {strides = array<i32>} : memref<80x144xf32, #tpu.memory_space<vmem>>, vector<16xf32>,
    %swap3A_166 = arith.constant 19 : i32
    %swap3A_167 = arith.index_cast %swap3A_166 : i32 to index
    %swap3A_168 = arith.constant 128 : index
    %swap3A_169 = tpu.vector_load %arg14[%swap3A_167, %swap3A_168] {strides = array<i32>} : memref<80x144xf32, #tpu.memory_space<vmem>>, vector<16xf32>,
    tpu.vector_store %arg14[%swap3A_167, %swap3A_168], %select_n3A {strides = array<i32>} : memref<80x144xf32, #tpu.memory_space<vmem>>, vector<16xf32>,
    %swap3A_170 = arith.constant 20 : i32
    %swap3A_171 = arith.index_cast %swap3A_170 : i32 to index
    %swap3A_172 = arith.constant 128 : index
    %swap3A_173 = tpu.vector_load %arg13[%swap3A_171, %swap3A_172] {strides = array<i32>} : memref<80x144xf32, #tpu.memory_space<vmem>>, vector<16xf32>,
    tpu.vector_store %arg13[%swap3A_171, %swap3A_172], %select_n3A {strides = array<i32>} : memref<80x144xf32, #tpu.memory_space<vmem>>, vector<16xf32>,
    %swap3A_174 = arith.constant 20 : i32
    %swap3A_175 = arith.index_cast %swap3A_174 : i32 to index
    %swap3A_176 = arith.constant 128 : index
    %swap3A_177 = tpu.vector_load %arg14[%swap3A_175, %swap3A_176] {strides = array<i32>} : memref<80x144xf32, #tpu.memory_space<vmem>>, vector<16xf32>,
    tpu.vector_store %arg14[%swap3A_175, %swap3A_176], %select_n3A {strides = array<i32>} : memref<80x144xf32, #tpu.memory_space<vmem>>, vector<16xf32>,
    %swap3A_178 = arith.constant 21 : i32
    %swap3A_179 = arith.index_cast %swap3A_178 : i32 to index
    %swap3A_180 = arith.constant 128 : index
    %swap3A_181 = tpu.vector_load %arg13[%swap3A_179, %swap3A_180] {strides = array<i32>} : memref<80x144xf32, #tpu.memory_space<vmem>>, vector<16xf32>,
    tpu.vector_store %arg13[%swap3A_179, %swap3A_180], %select_n3A {strides = array<i32>} : memref<80x144xf32, #tpu.memory_space<vmem>>, vector<16xf32>,
    %swap3A_182 = arith.constant 21 : i32
    %swap3A_183 = arith.index_cast %swap3A_182 : i32 to index
    %swap3A_184 = arith.constant 128 : index
    %swap3A_185 = tpu.vector_load %arg14[%swap3A_183, %swap3A_184] {strides = array<i32>} : memref<80x144xf32, #tpu.memory_space<vmem>>, vector<16xf32>,
    tpu.vector_store %arg14[%swap3A_183, %swap3A_184], %select_n3A {strides = array<i32>} : memref<80x144xf32, #tpu.memory_space<vmem>>, vector<16xf32>,
    %swap3A_186 = arith.constant 22 : i32
    %swap3A_187 = arith.index_cast %swap3A_186 : i32 to index
    %swap3A_188 = arith.constant 128 : index
    %swap3A_189 = tpu.vector_load %arg13[%swap3A_187, %swap3A_188] {strides = array<i32>} : memref<80x144xf32, #tpu.memory_space<vmem>>, vector<16xf32>,
    tpu.vector_store %arg13[%swap3A_187, %swap3A_188], %select_n3A {strides = array<i32>} : memref<80x144xf32, #tpu.memory_space<vmem>>, vector<16xf32>,
    %swap3A_190 = arith.constant 22 : i32
    %swap3A_191 = arith.index_cast %swap3A_190 : i32 to index
    %swap3A_192 = arith.constant 128 : index
    %swap3A_193 = tpu.vector_load %arg14[%swap3A_191, %swap3A_192] {strides = array<i32>} : memref<80x144xf32, #tpu.memory_space<vmem>>, vector<16xf32>,
    tpu.vector_store %arg14[%swap3A_191, %swap3A_192], %select_n3A {strides = array<i32>} : memref<80x144xf32, #tpu.memory_space<vmem>>, vector<16xf32>,
    %swap3A_194 = arith.constant 23 : i32
    %swap3A_195 = arith.index_cast %swap3A_194 : i32 to index
    %swap3A_196 = arith.constant 128 : index
    %swap3A_197 = tpu.vector_load %arg13[%swap3A_195, %swap3A_196] {strides = array<i32>} : memref<80x144xf32, #tpu.memory_space<vmem>>, vector<16xf32>,
    tpu.vector_store %arg13[%swap3A_195, %swap3A_196], %select_n3A {strides = array<i32>} : memref<80x144xf32, #tpu.memory_space<vmem>>, vector<16xf32>,
    %swap3A_198 = arith.constant 23 : i32
    %swap3A_199 = arith.index_cast %swap3A_198 : i32 to index
    %swap3A_200 = arith.constant 128 : index
    %swap3A_201 = tpu.vector_load %arg14[%swap3A_199, %swap3A_200] {strides = array<i32>} : memref<80x144xf32, #tpu.memory_space<vmem>>, vector<16xf32>,
    tpu.vector_store %arg14[%swap3A_199, %swap3A_200], %select_n3A {strides = array<i32>} : memref<80x144xf32, #tpu.memory_space<vmem>>, vector<16xf32>,
    %swap3A_202 = arith.constant 24 : i32
    %swap3A_203 = arith.index_cast %swap3A_202 : i32 to index
    %swap3A_204 = arith.constant 128 : index
    %swap3A_205 = tpu.vector_load %arg13[%swap3A_203, %swap3A_204] {strides = array<i32>} : memref<80x144xf32, #tpu.memory_space<vmem>>, vector<16xf32>,
    tpu.vector_store %arg13[%swap3A_203, %swap3A_204], %select_n3A {strides = array<i32>} : memref<80x144xf32, #tpu.memory_space<vmem>>, vector<16xf32>,
    %swap3A_206 = arith.constant 24 : i32
    %swap3A_207 = arith.index_cast %swap3A_206 : i32 to index
    %swap3A_208 = arith.constant 128 : index
    %swap3A_209 = tpu.vector_load %arg14[%swap3A_207, %swap3A_208] {strides = array<i32>} : memref<80x144xf32, #tpu.memory_space<vmem>>, vector<16xf32>,
    tpu.vector_store %arg14[%swap3A_207, %swap3A_208], %select_n3A {strides = array<i32>} : memref<80x144xf32, #tpu.memory_space<vmem>>, vector<16xf32>,
    %swap3A_210 = arith.constant 25 : i32
    %swap3A_211 = arith.index_cast %swap3A_210 : i32 to index
    %swap3A_212 = arith.constant 128 : index
    %swap3A_213 = tpu.vector_load %arg13[%swap3A_211, %swap3A_212] {strides = array<i32>} : memref<80x144xf32, #tpu.memory_space<vmem>>, vector<16xf32>,
    tpu.vector_store %arg13[%swap3A_211, %swap3A_212], %select_n3A {strides = array<i32>} : memref<80x144xf32, #tpu.memory_space<vmem>>, vector<16xf32>,
    %swap3A_214 = arith.constant 25 : i32
    %swap3A_215 = arith.index_cast %swap3A_214 : i32 to index
    %swap3A_216 = arith.constant 128 : index
    %swap3A_217 = tpu.vector_load %arg14[%swap3A_215, %swap3A_216] {strides = array<i32>} : memref<80x144xf32, #tpu.memory_space<vmem>>, vector<16xf32>,
    tpu.vector_store %arg14[%swap3A_215, %swap3A_216], %select_n3A {strides = array<i32>} : memref<80x144xf32, #tpu.memory_space<vmem>>, vector<16xf32>,
    %swap3A_218 = arith.constant 26 : i32
    %swap3A_219 = arith.index_cast %swap3A_218 : i32 to index
    %swap3A_220 = arith.constant 128 : index
    %swap3A_221 = tpu.vector_load %arg13[%swap3A_219, %swap3A_220] {strides = array<i32>} : memref<80x144xf32, #tpu.memory_space<vmem>>, vector<16xf32>,
    tpu.vector_store %arg13[%swap3A_219, %swap3A_220], %select_n3A {strides = array<i32>} : memref<80x144xf32, #tpu.memory_space<vmem>>, vector<16xf32>,
    %swap3A_222 = arith.constant 26 : i32
    %swap3A_223 = arith.index_cast %swap3A_222 : i32 to index
    %swap3A_224 = arith.constant 128 : index
    %swap3A_225 = tpu.vector_load %arg14[%swap3A_223, %swap3A_224] {strides = array<i32>} : memref<80x144xf32, #tpu.memory_space<vmem>>, vector<16xf32>,
    tpu.vector_store %arg14[%swap3A_223, %swap3A_224], %select_n3A {strides = array<i32>} : memref<80x144xf32, #tpu.memory_space<vmem>>, vector<16xf32>,
    %swap3A_226 = arith.constant 27 : i32
    %swap3A_227 = arith.index_cast %swap3A_226 : i32 to index
    %swap3A_228 = arith.constant 128 : index
    %swap3A_229 = tpu.vector_load %arg13[%swap3A_227, %swap3A_228] {strides = array<i32>} : memref<80x144xf32, #tpu.memory_space<vmem>>, vector<16xf32>,
    tpu.vector_store %arg13[%swap3A_227, %swap3A_228], %select_n3A {strides = array<i32>} : memref<80x144xf32, #tpu.memory_space<vmem>>, vector<16xf32>,
    %swap3A_230 = arith.constant 27 : i32
    %swap3A_231 = arith.index_cast %swap3A_230 : i32 to index
    %swap3A_232 = arith.constant 128 : index
    %swap3A_233 = tpu.vector_load %arg14[%swap3A_231, %swap3A_232] {strides = array<i32>} : memref<80x144xf32, #tpu.memory_space<vmem>>, vector<16xf32>,
    tpu.vector_store %arg14[%swap3A_231, %swap3A_232], %select_n3A {strides = array<i32>} : memref<80x144xf32, #tpu.memory_space<vmem>>, vector<16xf32>,
    %swap3A_234 = arith.constant 28 : i32
    %swap3A_235 = arith.index_cast %swap3A_234 : i32 to index
    %swap3A_236 = arith.constant 128 : index
    %swap3A_237 = tpu.vector_load %arg13[%swap3A_235, %swap3A_236] {strides = array<i32>} : memref<80x144xf32, #tpu.memory_space<vmem>>, vector<16xf32>,
    tpu.vector_store %arg13[%swap3A_235, %swap3A_236], %select_n3A {strides = array<i32>} : memref<80x144xf32, #tpu.memory_space<vmem>>, vector<16xf32>,
    %swap3A_238 = arith.constant 28 : i32
    %swap3A_239 = arith.index_cast %swap3A_238 : i32 to index
    %swap3A_240 = arith.constant 128 : index
    %swap3A_241 = tpu.vector_load %arg14[%swap3A_239, %swap3A_240] {strides = array<i32>} : memref<80x144xf32, #tpu.memory_space<vmem>>, vector<16xf32>,
    tpu.vector_store %arg14[%swap3A_239, %swap3A_240], %select_n3A {strides = array<i32>} : memref<80x144xf32, #tpu.memory_space<vmem>>, vector<16xf32>,
    %swap3A_242 = arith.constant 29 : i32
    %swap3A_243 = arith.index_cast %swap3A_242 : i32 to index
    %swap3A_244 = arith.constant 128 : index
    %swap3A_245 = tpu.vector_load %arg13[%swap3A_243, %swap3A_244] {strides = array<i32>} : memref<80x144xf32, #tpu.memory_space<vmem>>, vector<16xf32>,
    tpu.vector_store %arg13[%swap3A_243, %swap3A_244], %select_n3A {strides = array<i32>} : memref<80x144xf32, #tpu.memory_space<vmem>>, vector<16xf32>,
    %swap3A_246 = arith.constant 29 : i32
    %swap3A_247 = arith.index_cast %swap3A_246 : i32 to index
    %swap3A_248 = arith.constant 128 : index
    %swap3A_249 = tpu.vector_load %arg14[%swap3A_247, %swap3A_248] {strides = array<i32>} : memref<80x144xf32, #tpu.memory_space<vmem>>, vector<16xf32>,
    tpu.vector_store %arg14[%swap3A_247, %swap3A_248], %select_n3A {strides = array<i32>} : memref<80x144xf32, #tpu.memory_space<vmem>>, vector<16xf32>,
    %swap3A_250 = arith.constant 30 : i32
    %swap3A_251 = arith.index_cast %swap3A_250 : i32 to index
    %swap3A_252 = arith.constant 128 : index
    %swap3A_253 = tpu.vector_load %arg13[%swap3A_251, %swap3A_252] {strides = array<i32>} : memref<80x144xf32, #tpu.memory_space<vmem>>, vector<16xf32>,
    tpu.vector_store %arg13[%swap3A_251, %swap3A_252], %select_n3A {strides = array<i32>} : memref<80x144xf32, #tpu.memory_space<vmem>>, vector<16xf32>,
    %swap3A_254 = arith.constant 30 : i32
    %swap3A_255 = arith.index_cast %swap3A_254 : i32 to index
    %swap3A_256 = arith.constant 128 : index
    %swap3A_257 = tpu.vector_load %arg14[%swap3A_255, %swap3A_256] {strides = array<i32>} : memref<80x144xf32, #tpu.memory_space<vmem>>, vector<16xf32>,
    tpu.vector_store %arg14[%swap3A_255, %swap3A_256], %select_n3A {strides = array<i32>} : memref<80x144xf32, #tpu.memory_space<vmem>>, vector<16xf32>,
    %swap3A_258 = arith.constant 31 : i32
    %swap3A_259 = arith.index_cast %swap3A_258 : i32 to index
    %swap3A_260 = arith.constant 128 : index
    %swap3A_261 = tpu.vector_load %arg13[%swap3A_259, %swap3A_260] {strides = array<i32>} : memref<80x144xf32, #tpu.memory_space<vmem>>, vector<16xf32>,
    tpu.vector_store %arg13[%swap3A_259, %swap3A_260], %select_n3A {strides = array<i32>} : memref<80x144xf32, #tpu.memory_space<vmem>>, vector<16xf32>,
    %swap3A_262 = arith.constant 31 : i32
    %swap3A_263 = arith.index_cast %swap3A_262 : i32 to index
    %swap3A_264 = arith.constant 128 : index
    %swap3A_265 = tpu.vector_load %arg14[%swap3A_263, %swap3A_264] {strides = array<i32>} : memref<80x144xf32, #tpu.memory_space<vmem>>, vector<16xf32>,
    tpu.vector_store %arg14[%swap3A_263, %swap3A_264], %select_n3A {strides = array<i32>} : memref<80x144xf32, #tpu.memory_space<vmem>>, vector<16xf32>,
    %swap3A_266 = arith.constant 32 : i32
    %swap3A_267 = arith.index_cast %swap3A_266 : i32 to index
    %swap3A_268 = arith.constant 128 : index
    %swap3A_269 = tpu.vector_load %arg13[%swap3A_267, %swap3A_268] {strides = array<i32>} : memref<80x144xf32, #tpu.memory_space<vmem>>, vector<16xf32>,
    tpu.vector_store %arg13[%swap3A_267, %swap3A_268], %select_n3A {strides = array<i32>} : memref<80x144xf32, #tpu.memory_space<vmem>>, vector<16xf32>,
    %swap3A_270 = arith.constant 32 : i32
    %swap3A_271 = arith.index_cast %swap3A_270 : i32 to index
    %swap3A_272 = arith.constant 128 : index
    %swap3A_273 = tpu.vector_load %arg14[%swap3A_271, %swap3A_272] {strides = array<i32>} : memref<80x144xf32, #tpu.memory_space<vmem>>, vector<16xf32>,
    tpu.vector_store %arg14[%swap3A_271, %swap3A_272], %select_n3A {strides = array<i32>} : memref<80x144xf32, #tpu.memory_space<vmem>>, vector<16xf32>,
    %swap3A_274 = arith.constant 33 : i32
    %swap3A_275 = arith.index_cast %swap3A_274 : i32 to index
    %swap3A_276 = arith.constant 128 : index
    %swap3A_277 = tpu.vector_load %arg13[%swap3A_275, %swap3A_276] {strides = array<i32>} : memref<80x144xf32, #tpu.memory_space<vmem>>, vector<16xf32>,
    tpu.vector_store %arg13[%swap3A_275, %swap3A_276], %select_n3A {strides = array<i32>} : memref<80x144xf32, #tpu.memory_space<vmem>>, vector<16xf32>,
    %swap3A_278 = arith.constant 33 : i32
    %swap3A_279 = arith.index_cast %swap3A_278 : i32 to index
    %swap3A_280 = arith.constant 128 : index
    %swap3A_281 = tpu.vector_load %arg14[%swap3A_279, %swap3A_280] {strides = array<i32>} : memref<80x144xf32, #tpu.memory_space<vmem>>, vector<16xf32>,
    tpu.vector_store %arg14[%swap3A_279, %swap3A_280], %select_n3A {strides = array<i32>} : memref<80x144xf32, #tpu.memory_space<vmem>>, vector<16xf32>,
    %swap3A_282 = arith.constant 34 : i32
    %swap3A_283 = arith.index_cast %swap3A_282 : i32 to index
    %swap3A_284 = arith.constant 128 : index
    %swap3A_285 = tpu.vector_load %arg13[%swap3A_283, %swap3A_284] {strides = array<i32>} : memref<80x144xf32, #tpu.memory_space<vmem>>, vector<16xf32>,
    tpu.vector_store %arg13[%swap3A_283, %swap3A_284], %select_n3A {strides = array<i32>} : memref<80x144xf32, #tpu.memory_space<vmem>>, vector<16xf32>,
    %swap3A_286 = arith.constant 34 : i32
    %swap3A_287 = arith.index_cast %swap3A_286 : i32 to index
    %swap3A_288 = arith.constant 128 : index
    %swap3A_289 = tpu.vector_load %arg14[%swap3A_287, %swap3A_288] {strides = array<i32>} : memref<80x144xf32, #tpu.memory_space<vmem>>, vector<16xf32>,
    tpu.vector_store %arg14[%swap3A_287, %swap3A_288], %select_n3A {strides = array<i32>} : memref<80x144xf32, #tpu.memory_space<vmem>>, vector<16xf32>,
    %swap3A_290 = arith.constant 35 : i32
    %swap3A_291 = arith.index_cast %swap3A_290 : i32 to index
    %swap3A_292 = arith.constant 128 : index
    %swap3A_293 = tpu.vector_load %arg13[%swap3A_291, %swap3A_292] {strides = array<i32>} : memref<80x144xf32, #tpu.memory_space<vmem>>, vector<16xf32>,
    tpu.vector_store %arg13[%swap3A_291, %swap3A_292], %select_n3A {strides = array<i32>} : memref<80x144xf32, #tpu.memory_space<vmem>>, vector<16xf32>,
    %swap3A_294 = arith.constant 35 : i32
    %swap3A_295 = arith.index_cast %swap3A_294 : i32 to index
    %swap3A_296 = arith.constant 128 : index
    %swap3A_297 = tpu.vector_load %arg14[%swap3A_295, %swap3A_296] {strides = array<i32>} : memref<80x144xf32, #tpu.memory_space<vmem>>, vector<16xf32>,
    tpu.vector_store %arg14[%swap3A_295, %swap3A_296], %select_n3A {strides = array<i32>} : memref<80x144xf32, #tpu.memory_space<vmem>>, vector<16xf32>,
    %swap3A_298 = arith.constant 36 : i32
    %swap3A_299 = arith.index_cast %swap3A_298 : i32 to index
    %swap3A_300 = arith.constant 128 : index
    %swap3A_301 = tpu.vector_load %arg13[%swap3A_299, %swap3A_300] {strides = array<i32>} : memref<80x144xf32, #tpu.memory_space<vmem>>, vector<16xf32>,
    tpu.vector_store %arg13[%swap3A_299, %swap3A_300], %select_n3A {strides = array<i32>} : memref<80x144xf32, #tpu.memory_space<vmem>>, vector<16xf32>,
    %swap3A_302 = arith.constant 36 : i32
    %swap3A_303 = arith.index_cast %swap3A_302 : i32 to index
    %swap3A_304 = arith.constant 128 : index
    %swap3A_305 = tpu.vector_load %arg14[%swap3A_303, %swap3A_304] {strides = array<i32>} : memref<80x144xf32, #tpu.memory_space<vmem>>, vector<16xf32>,
    tpu.vector_store %arg14[%swap3A_303, %swap3A_304], %select_n3A {strides = array<i32>} : memref<80x144xf32, #tpu.memory_space<vmem>>, vector<16xf32>,
    %swap3A_306 = arith.constant 37 : i32
    %swap3A_307 = arith.index_cast %swap3A_306 : i32 to index
    %swap3A_308 = arith.constant 128 : index
    %swap3A_309 = tpu.vector_load %arg13[%swap3A_307, %swap3A_308] {strides = array<i32>} : memref<80x144xf32, #tpu.memory_space<vmem>>, vector<16xf32>,
    tpu.vector_store %arg13[%swap3A_307, %swap3A_308], %select_n3A {strides = array<i32>} : memref<80x144xf32, #tpu.memory_space<vmem>>, vector<16xf32>,
    %swap3A_310 = arith.constant 37 : i32
    %swap3A_311 = arith.index_cast %swap3A_310 : i32 to index
    %swap3A_312 = arith.constant 128 : index
    %swap3A_313 = tpu.vector_load %arg14[%swap3A_311, %swap3A_312] {strides = array<i32>} : memref<80x144xf32, #tpu.memory_space<vmem>>, vector<16xf32>,
    tpu.vector_store %arg14[%swap3A_311, %swap3A_312], %select_n3A {strides = array<i32>} : memref<80x144xf32, #tpu.memory_space<vmem>>, vector<16xf32>,
    %swap3A_314 = arith.constant 38 : i32
    %swap3A_315 = arith.index_cast %swap3A_314 : i32 to index
    %swap3A_316 = arith.constant 128 : index
    %swap3A_317 = tpu.vector_load %arg13[%swap3A_315, %swap3A_316] {strides = array<i32>} : memref<80x144xf32, #tpu.memory_space<vmem>>, vector<16xf32>,
    tpu.vector_store %arg13[%swap3A_315, %swap3A_316], %select_n3A {strides = array<i32>} : memref<80x144xf32, #tpu.memory_space<vmem>>, vector<16xf32>,
    %swap3A_318 = arith.constant 38 : i32
    %swap3A_319 = arith.index_cast %swap3A_318 : i32 to index
    %swap3A_320 = arith.constant 128 : index
    %swap3A_321 = tpu.vector_load %arg14[%swap3A_319, %swap3A_320] {strides = array<i32>} : memref<80x144xf32, #tpu.memory_space<vmem>>, vector<16xf32>,
    tpu.vector_store %arg14[%swap3A_319, %swap3A_320], %select_n3A {strides = array<i32>} : memref<80x144xf32, #tpu.memory_space<vmem>>, vector<16xf32>,
    %swap3A_322 = arith.constant 39 : i32
    %swap3A_323 = arith.index_cast %swap3A_322 : i32 to index
    %swap3A_324 = arith.constant 128 : index
    %swap3A_325 = tpu.vector_load %arg13[%swap3A_323, %swap3A_324] {strides = array<i32>} : memref<80x144xf32, #tpu.memory_space<vmem>>, vector<16xf32>,
    tpu.vector_store %arg13[%swap3A_323, %swap3A_324], %select_n3A {strides = array<i32>} : memref<80x144xf32, #tpu.memory_space<vmem>>, vector<16xf32>,
    %swap3A_326 = arith.constant 39 : i32
    %swap3A_327 = arith.index_cast %swap3A_326 : i32 to index
    %swap3A_328 = arith.constant 128 : index
    %swap3A_329 = tpu.vector_load %arg14[%swap3A_327, %swap3A_328] {strides = array<i32>} : memref<80x144xf32, #tpu.memory_space<vmem>>, vector<16xf32>,
    tpu.vector_store %arg14[%swap3A_327, %swap3A_328], %select_n3A {strides = array<i32>} : memref<80x144xf32, #tpu.memory_space<vmem>>, vector<16xf32>,
    %swap3A_330 = arith.constant 40 : i32
    %swap3A_331 = arith.index_cast %swap3A_330 : i32 to index
    %swap3A_332 = arith.constant 128 : index
    %swap3A_333 = tpu.vector_load %arg13[%swap3A_331, %swap3A_332] {strides = array<i32>} : memref<80x144xf32, #tpu.memory_space<vmem>>, vector<16xf32>,
    tpu.vector_store %arg13[%swap3A_331, %swap3A_332], %select_n3A {strides = array<i32>} : memref<80x144xf32, #tpu.memory_space<vmem>>, vector<16xf32>,
    %swap3A_334 = arith.constant 40 : i32
    %swap3A_335 = arith.index_cast %swap3A_334 : i32 to index
    %swap3A_336 = arith.constant 128 : index
    %swap3A_337 = tpu.vector_load %arg14[%swap3A_335, %swap3A_336] {strides = array<i32>} : memref<80x144xf32, #tpu.memory_space<vmem>>, vector<16xf32>,
    tpu.vector_store %arg14[%swap3A_335, %swap3A_336], %select_n3A {strides = array<i32>} : memref<80x144xf32, #tpu.memory_space<vmem>>, vector<16xf32>,
    %swap3A_338 = arith.constant 41 : i32
    %swap3A_339 = arith.index_cast %swap3A_338 : i32 to index
    %swap3A_340 = arith.constant 128 : index
    %swap3A_341 = tpu.vector_load %arg13[%swap3A_339, %swap3A_340] {strides = array<i32>} : memref<80x144xf32, #tpu.memory_space<vmem>>, vector<16xf32>,
    tpu.vector_store %arg13[%swap3A_339, %swap3A_340], %select_n3A {strides = array<i32>} : memref<80x144xf32, #tpu.memory_space<vmem>>, vector<16xf32>,
    %swap3A_342 = arith.constant 41 : i32
    %swap3A_343 = arith.index_cast %swap3A_342 : i32 to index
    %swap3A_344 = arith.constant 128 : index
    %swap3A_345 = tpu.vector_load %arg14[%swap3A_343, %swap3A_344] {strides = array<i32>} : memref<80x144xf32, #tpu.memory_space<vmem>>, vector<16xf32>,
    tpu.vector_store %arg14[%swap3A_343, %swap3A_344], %select_n3A {strides = array<i32>} : memref<80x144xf32, #tpu.memory_space<vmem>>, vector<16xf32>,
    %swap3A_346 = arith.constant 42 : i32
    %swap3A_347 = arith.index_cast %swap3A_346 : i32 to index
    %swap3A_348 = arith.constant 128 : index
    %swap3A_349 = tpu.vector_load %arg13[%swap3A_347, %swap3A_348] {strides = array<i32>} : memref<80x144xf32, #tpu.memory_space<vmem>>, vector<16xf32>,
    tpu.vector_store %arg13[%swap3A_347, %swap3A_348], %select_n3A {strides = array<i32>} : memref<80x144xf32, #tpu.memory_space<vmem>>, vector<16xf32>,
    %swap3A_350 = arith.constant 42 : i32
    %swap3A_351 = arith.index_cast %swap3A_350 : i32 to index
    %swap3A_352 = arith.constant 128 : index
    %swap3A_353 = tpu.vector_load %arg14[%swap3A_351, %swap3A_352] {strides = array<i32>} : memref<80x144xf32, #tpu.memory_space<vmem>>, vector<16xf32>,
    tpu.vector_store %arg14[%swap3A_351, %swap3A_352], %select_n3A {strides = array<i32>} : memref<80x144xf32, #tpu.memory_space<vmem>>, vector<16xf32>,
    %swap3A_354 = arith.constant 43 : i32
    %swap3A_355 = arith.index_cast %swap3A_354 : i32 to index
    %swap3A_356 = arith.constant 128 : index
    %swap3A_357 = tpu.vector_load %arg13[%swap3A_355, %swap3A_356] {strides = array<i32>} : memref<80x144xf32, #tpu.memory_space<vmem>>, vector<16xf32>,
    tpu.vector_store %arg13[%swap3A_355, %swap3A_356], %select_n3A {strides = array<i32>} : memref<80x144xf32, #tpu.memory_space<vmem>>, vector<16xf32>,
    %swap3A_358 = arith.constant 43 : i32
    %swap3A_359 = arith.index_cast %swap3A_358 : i32 to index
    %swap3A_360 = arith.constant 128 : index
    %swap3A_361 = tpu.vector_load %arg14[%swap3A_359, %swap3A_360] {strides = array<i32>} : memref<80x144xf32, #tpu.memory_space<vmem>>, vector<16xf32>,
    tpu.vector_store %arg14[%swap3A_359, %swap3A_360], %select_n3A {strides = array<i32>} : memref<80x144xf32, #tpu.memory_space<vmem>>, vector<16xf32>,
    %swap3A_362 = arith.constant 44 : i32
    %swap3A_363 = arith.index_cast %swap3A_362 : i32 to index
    %swap3A_364 = arith.constant 128 : index
    %swap3A_365 = tpu.vector_load %arg13[%swap3A_363, %swap3A_364] {strides = array<i32>} : memref<80x144xf32, #tpu.memory_space<vmem>>, vector<16xf32>,
    tpu.vector_store %arg13[%swap3A_363, %swap3A_364], %select_n3A {strides = array<i32>} : memref<80x144xf32, #tpu.memory_space<vmem>>, vector<16xf32>,
    %swap3A_366 = arith.constant 44 : i32
    %swap3A_367 = arith.index_cast %swap3A_366 : i32 to index
    %swap3A_368 = arith.constant 128 : index
    %swap3A_369 = tpu.vector_load %arg14[%swap3A_367, %swap3A_368] {strides = array<i32>} : memref<80x144xf32, #tpu.memory_space<vmem>>, vector<16xf32>,
    tpu.vector_store %arg14[%swap3A_367, %swap3A_368], %select_n3A {strides = array<i32>} : memref<80x144xf32, #tpu.memory_space<vmem>>, vector<16xf32>,
    %swap3A_370 = arith.constant 45 : i32
    %swap3A_371 = arith.index_cast %swap3A_370 : i32 to index
    %swap3A_372 = arith.constant 128 : index
    %swap3A_373 = tpu.vector_load %arg13[%swap3A_371, %swap3A_372] {strides = array<i32>} : memref<80x144xf32, #tpu.memory_space<vmem>>, vector<16xf32>,
    tpu.vector_store %arg13[%swap3A_371, %swap3A_372], %select_n3A {strides = array<i32>} : memref<80x144xf32, #tpu.memory_space<vmem>>, vector<16xf32>,
    %swap3A_374 = arith.constant 45 : i32
    %swap3A_375 = arith.index_cast %swap3A_374 : i32 to index
    %swap3A_376 = arith.constant 128 : index
    %swap3A_377 = tpu.vector_load %arg14[%swap3A_375, %swap3A_376] {strides = array<i32>} : memref<80x144xf32, #tpu.memory_space<vmem>>, vector<16xf32>,
    tpu.vector_store %arg14[%swap3A_375, %swap3A_376], %select_n3A {strides = array<i32>} : memref<80x144xf32, #tpu.memory_space<vmem>>, vector<16xf32>,
    %swap3A_378 = arith.constant 46 : i32
    %swap3A_379 = arith.index_cast %swap3A_378 : i32 to index
    %swap3A_380 = arith.constant 128 : index
    %swap3A_381 = tpu.vector_load %arg13[%swap3A_379, %swap3A_380] {strides = array<i32>} : memref<80x144xf32, #tpu.memory_space<vmem>>, vector<16xf32>,
    tpu.vector_store %arg13[%swap3A_379, %swap3A_380], %select_n3A {strides = array<i32>} : memref<80x144xf32, #tpu.memory_space<vmem>>, vector<16xf32>,
    %swap3A_382 = arith.constant 46 : i32
    %swap3A_383 = arith.index_cast %swap3A_382 : i32 to index
    %swap3A_384 = arith.constant 128 : index
    %swap3A_385 = tpu.vector_load %arg14[%swap3A_383, %swap3A_384] {strides = array<i32>} : memref<80x144xf32, #tpu.memory_space<vmem>>, vector<16xf32>,
    tpu.vector_store %arg14[%swap3A_383, %swap3A_384], %select_n3A {strides = array<i32>} : memref<80x144xf32, #tpu.memory_space<vmem>>, vector<16xf32>,
    %swap3A_386 = arith.constant 47 : i32
    %swap3A_387 = arith.index_cast %swap3A_386 : i32 to index
    %swap3A_388 = arith.constant 128 : index
    %swap3A_389 = tpu.vector_load %arg13[%swap3A_387, %swap3A_388] {strides = array<i32>} : memref<80x144xf32, #tpu.memory_space<vmem>>, vector<16xf32>,
    tpu.vector_store %arg13[%swap3A_387, %swap3A_388], %select_n3A {strides = array<i32>} : memref<80x144xf32, #tpu.memory_space<vmem>>, vector<16xf32>,
    %swap3A_390 = arith.constant 47 : i32
    %swap3A_391 = arith.index_cast %swap3A_390 : i32 to index
    %swap3A_392 = arith.constant 128 : index
    %swap3A_393 = tpu.vector_load %arg14[%swap3A_391, %swap3A_392] {strides = array<i32>} : memref<80x144xf32, #tpu.memory_space<vmem>>, vector<16xf32>,
    tpu.vector_store %arg14[%swap3A_391, %swap3A_392], %select_n3A {strides = array<i32>} : memref<80x144xf32, #tpu.memory_space<vmem>>, vector<16xf32>,
    %swap3A_394 = arith.constant 48 : i32
    %swap3A_395 = arith.index_cast %swap3A_394 : i32 to index
    %swap3A_396 = arith.constant 128 : index
    %swap3A_397 = tpu.vector_load %arg13[%swap3A_395, %swap3A_396] {strides = array<i32>} : memref<80x144xf32, #tpu.memory_space<vmem>>, vector<16xf32>,
    tpu.vector_store %arg13[%swap3A_395, %swap3A_396], %select_n3A {strides = array<i32>} : memref<80x144xf32, #tpu.memory_space<vmem>>, vector<16xf32>,
    %swap3A_398 = arith.constant 48 : i32
    %swap3A_399 = arith.index_cast %swap3A_398 : i32 to index
    %swap3A_400 = arith.constant 128 : index
    %swap3A_401 = tpu.vector_load %arg14[%swap3A_399, %swap3A_400] {strides = array<i32>} : memref<80x144xf32, #tpu.memory_space<vmem>>, vector<16xf32>,
    tpu.vector_store %arg14[%swap3A_399, %swap3A_400], %select_n3A {strides = array<i32>} : memref<80x144xf32, #tpu.memory_space<vmem>>, vector<16xf32>,
    %swap3A_402 = arith.constant 49 : i32
    %swap3A_403 = arith.index_cast %swap3A_402 : i32 to index
    %swap3A_404 = arith.constant 128 : index
    %swap3A_405 = tpu.vector_load %arg13[%swap3A_403, %swap3A_404] {strides = array<i32>} : memref<80x144xf32, #tpu.memory_space<vmem>>, vector<16xf32>,
    tpu.vector_store %arg13[%swap3A_403, %swap3A_404], %select_n3A {strides = array<i32>} : memref<80x144xf32, #tpu.memory_space<vmem>>, vector<16xf32>,
    %swap3A_406 = arith.constant 49 : i32
    %swap3A_407 = arith.index_cast %swap3A_406 : i32 to index
    %swap3A_408 = arith.constant 128 : index
    %swap3A_409 = tpu.vector_load %arg14[%swap3A_407, %swap3A_408] {strides = array<i32>} : memref<80x144xf32, #tpu.memory_space<vmem>>, vector<16xf32>,
    tpu.vector_store %arg14[%swap3A_407, %swap3A_408], %select_n3A {strides = array<i32>} : memref<80x144xf32, #tpu.memory_space<vmem>>, vector<16xf32>,
    %swap3A_410 = arith.constant 50 : i32
    %swap3A_411 = arith.index_cast %swap3A_410 : i32 to index
    %swap3A_412 = arith.constant 128 : index
    %swap3A_413 = tpu.vector_load %arg13[%swap3A_411, %swap3A_412] {strides = array<i32>} : memref<80x144xf32, #tpu.memory_space<vmem>>, vector<16xf32>,
    tpu.vector_store %arg13[%swap3A_411, %swap3A_412], %select_n3A {strides = array<i32>} : memref<80x144xf32, #tpu.memory_space<vmem>>, vector<16xf32>,
    %swap3A_414 = arith.constant 50 : i32
    %swap3A_415 = arith.index_cast %swap3A_414 : i32 to index
    %swap3A_416 = arith.constant 128 : index
    %swap3A_417 = tpu.vector_load %arg14[%swap3A_415, %swap3A_416] {strides = array<i32>} : memref<80x144xf32, #tpu.memory_space<vmem>>, vector<16xf32>,
    tpu.vector_store %arg14[%swap3A_415, %swap3A_416], %select_n3A {strides = array<i32>} : memref<80x144xf32, #tpu.memory_space<vmem>>, vector<16xf32>,
    %swap3A_418 = arith.constant 51 : i32
    %swap3A_419 = arith.index_cast %swap3A_418 : i32 to index
    %swap3A_420 = arith.constant 128 : index
    %swap3A_421 = tpu.vector_load %arg13[%swap3A_419, %swap3A_420] {strides = array<i32>} : memref<80x144xf32, #tpu.memory_space<vmem>>, vector<16xf32>,
    tpu.vector_store %arg13[%swap3A_419, %swap3A_420], %select_n3A {strides = array<i32>} : memref<80x144xf32, #tpu.memory_space<vmem>>, vector<16xf32>,
    %swap3A_422 = arith.constant 51 : i32
    %swap3A_423 = arith.index_cast %swap3A_422 : i32 to index
    %swap3A_424 = arith.constant 128 : index
    %swap3A_425 = tpu.vector_load %arg14[%swap3A_423, %swap3A_424] {strides = array<i32>} : memref<80x144xf32, #tpu.memory_space<vmem>>, vector<16xf32>,
    tpu.vector_store %arg14[%swap3A_423, %swap3A_424], %select_n3A {strides = array<i32>} : memref<80x144xf32, #tpu.memory_space<vmem>>, vector<16xf32>,
    %swap3A_426 = arith.constant 52 : i32
    %swap3A_427 = arith.index_cast %swap3A_426 : i32 to index
    %swap3A_428 = arith.constant 128 : index
    %swap3A_429 = tpu.vector_load %arg13[%swap3A_427, %swap3A_428] {strides = array<i32>} : memref<80x144xf32, #tpu.memory_space<vmem>>, vector<16xf32>,
    tpu.vector_store %arg13[%swap3A_427, %swap3A_428], %select_n3A {strides = array<i32>} : memref<80x144xf32, #tpu.memory_space<vmem>>, vector<16xf32>,
    %swap3A_430 = arith.constant 52 : i32
    %swap3A_431 = arith.index_cast %swap3A_430 : i32 to index
    %swap3A_432 = arith.constant 128 : index
    %swap3A_433 = tpu.vector_load %arg14[%swap3A_431, %swap3A_432] {strides = array<i32>} : memref<80x144xf32, #tpu.memory_space<vmem>>, vector<16xf32>,
    tpu.vector_store %arg14[%swap3A_431, %swap3A_432], %select_n3A {strides = array<i32>} : memref<80x144xf32, #tpu.memory_space<vmem>>, vector<16xf32>,
    %swap3A_434 = arith.constant 53 : i32
    %swap3A_435 = arith.index_cast %swap3A_434 : i32 to index
    %swap3A_436 = arith.constant 128 : index
    %swap3A_437 = tpu.vector_load %arg13[%swap3A_435, %swap3A_436] {strides = array<i32>} : memref<80x144xf32, #tpu.memory_space<vmem>>, vector<16xf32>,
    tpu.vector_store %arg13[%swap3A_435, %swap3A_436], %select_n3A {strides = array<i32>} : memref<80x144xf32, #tpu.memory_space<vmem>>, vector<16xf32>,
    %swap3A_438 = arith.constant 53 : i32
    %swap3A_439 = arith.index_cast %swap3A_438 : i32 to index
    %swap3A_440 = arith.constant 128 : index
    %swap3A_441 = tpu.vector_load %arg14[%swap3A_439, %swap3A_440] {strides = array<i32>} : memref<80x144xf32, #tpu.memory_space<vmem>>, vector<16xf32>,
    tpu.vector_store %arg14[%swap3A_439, %swap3A_440], %select_n3A {strides = array<i32>} : memref<80x144xf32, #tpu.memory_space<vmem>>, vector<16xf32>,
    %swap3A_442 = arith.constant 54 : i32
    %swap3A_443 = arith.index_cast %swap3A_442 : i32 to index
    %swap3A_444 = arith.constant 128 : index
    %swap3A_445 = tpu.vector_load %arg13[%swap3A_443, %swap3A_444] {strides = array<i32>} : memref<80x144xf32, #tpu.memory_space<vmem>>, vector<16xf32>,
    tpu.vector_store %arg13[%swap3A_443, %swap3A_444], %select_n3A {strides = array<i32>} : memref<80x144xf32, #tpu.memory_space<vmem>>, vector<16xf32>,
    %swap3A_446 = arith.constant 54 : i32
    %swap3A_447 = arith.index_cast %swap3A_446 : i32 to index
    %swap3A_448 = arith.constant 128 : index
    %swap3A_449 = tpu.vector_load %arg14[%swap3A_447, %swap3A_448] {strides = array<i32>} : memref<80x144xf32, #tpu.memory_space<vmem>>, vector<16xf32>,
    tpu.vector_store %arg14[%swap3A_447, %swap3A_448], %select_n3A {strides = array<i32>} : memref<80x144xf32, #tpu.memory_space<vmem>>, vector<16xf32>,
    %swap3A_450 = arith.constant 55 : i32
    %swap3A_451 = arith.index_cast %swap3A_450 : i32 to index
    %swap3A_452 = arith.constant 128 : index
    %swap3A_453 = tpu.vector_load %arg13[%swap3A_451, %swap3A_452] {strides = array<i32>} : memref<80x144xf32, #tpu.memory_space<vmem>>, vector<16xf32>,
    tpu.vector_store %arg13[%swap3A_451, %swap3A_452], %select_n3A {strides = array<i32>} : memref<80x144xf32, #tpu.memory_space<vmem>>, vector<16xf32>,
    %swap3A_454 = arith.constant 55 : i32
    %swap3A_455 = arith.index_cast %swap3A_454 : i32 to index
    %swap3A_456 = arith.constant 128 : index
    %swap3A_457 = tpu.vector_load %arg14[%swap3A_455, %swap3A_456] {strides = array<i32>} : memref<80x144xf32, #tpu.memory_space<vmem>>, vector<16xf32>,
    tpu.vector_store %arg14[%swap3A_455, %swap3A_456], %select_n3A {strides = array<i32>} : memref<80x144xf32, #tpu.memory_space<vmem>>, vector<16xf32>,
    %swap3A_458 = arith.constant 56 : i32
    %swap3A_459 = arith.index_cast %swap3A_458 : i32 to index
    %swap3A_460 = arith.constant 128 : index
    %swap3A_461 = tpu.vector_load %arg13[%swap3A_459, %swap3A_460] {strides = array<i32>} : memref<80x144xf32, #tpu.memory_space<vmem>>, vector<16xf32>,
    tpu.vector_store %arg13[%swap3A_459, %swap3A_460], %select_n3A {strides = array<i32>} : memref<80x144xf32, #tpu.memory_space<vmem>>, vector<16xf32>,
    %swap3A_462 = arith.constant 56 : i32
    %swap3A_463 = arith.index_cast %swap3A_462 : i32 to index
    %swap3A_464 = arith.constant 128 : index
    %swap3A_465 = tpu.vector_load %arg14[%swap3A_463, %swap3A_464] {strides = array<i32>} : memref<80x144xf32, #tpu.memory_space<vmem>>, vector<16xf32>,
    tpu.vector_store %arg14[%swap3A_463, %swap3A_464], %select_n3A {strides = array<i32>} : memref<80x144xf32, #tpu.memory_space<vmem>>, vector<16xf32>,
    %swap3A_466 = arith.constant 57 : i32
    %swap3A_467 = arith.index_cast %swap3A_466 : i32 to index
    %swap3A_468 = arith.constant 128 : index
    %swap3A_469 = tpu.vector_load %arg13[%swap3A_467, %swap3A_468] {strides = array<i32>} : memref<80x144xf32, #tpu.memory_space<vmem>>, vector<16xf32>,
    tpu.vector_store %arg13[%swap3A_467, %swap3A_468], %select_n3A {strides = array<i32>} : memref<80x144xf32, #tpu.memory_space<vmem>>, vector<16xf32>,
    %swap3A_470 = arith.constant 57 : i32
    %swap3A_471 = arith.index_cast %swap3A_470 : i32 to index
    %swap3A_472 = arith.constant 128 : index
    %swap3A_473 = tpu.vector_load %arg14[%swap3A_471, %swap3A_472] {strides = array<i32>} : memref<80x144xf32, #tpu.memory_space<vmem>>, vector<16xf32>,
    tpu.vector_store %arg14[%swap3A_471, %swap3A_472], %select_n3A {strides = array<i32>} : memref<80x144xf32, #tpu.memory_space<vmem>>, vector<16xf32>,
    %swap3A_474 = arith.constant 58 : i32
    %swap3A_475 = arith.index_cast %swap3A_474 : i32 to index
    %swap3A_476 = arith.constant 128 : index
    %swap3A_477 = tpu.vector_load %arg13[%swap3A_475, %swap3A_476] {strides = array<i32>} : memref<80x144xf32, #tpu.memory_space<vmem>>, vector<16xf32>,
    tpu.vector_store %arg13[%swap3A_475, %swap3A_476], %select_n3A {strides = array<i32>} : memref<80x144xf32, #tpu.memory_space<vmem>>, vector<16xf32>,
    %swap3A_478 = arith.constant 58 : i32
    %swap3A_479 = arith.index_cast %swap3A_478 : i32 to index
    %swap3A_480 = arith.constant 128 : index
    %swap3A_481 = tpu.vector_load %arg14[%swap3A_479, %swap3A_480] {strides = array<i32>} : memref<80x144xf32, #tpu.memory_space<vmem>>, vector<16xf32>,
    tpu.vector_store %arg14[%swap3A_479, %swap3A_480], %select_n3A {strides = array<i32>} : memref<80x144xf32, #tpu.memory_space<vmem>>, vector<16xf32>,
    %swap3A_482 = arith.constant 59 : i32
    %swap3A_483 = arith.index_cast %swap3A_482 : i32 to index
    %swap3A_484 = arith.constant 128 : index
    %swap3A_485 = tpu.vector_load %arg13[%swap3A_483, %swap3A_484] {strides = array<i32>} : memref<80x144xf32, #tpu.memory_space<vmem>>, vector<16xf32>,
    tpu.vector_store %arg13[%swap3A_483, %swap3A_484], %select_n3A {strides = array<i32>} : memref<80x144xf32, #tpu.memory_space<vmem>>, vector<16xf32>,
    %swap3A_486 = arith.constant 59 : i32
    %swap3A_487 = arith.index_cast %swap3A_486 : i32 to index
    %swap3A_488 = arith.constant 128 : index
    %swap3A_489 = tpu.vector_load %arg14[%swap3A_487, %swap3A_488] {strides = array<i32>} : memref<80x144xf32, #tpu.memory_space<vmem>>, vector<16xf32>,
    tpu.vector_store %arg14[%swap3A_487, %swap3A_488], %select_n3A {strides = array<i32>} : memref<80x144xf32, #tpu.memory_space<vmem>>, vector<16xf32>,
    %swap3A_490 = arith.constant 60 : i32
    %swap3A_491 = arith.index_cast %swap3A_490 : i32 to index
    %swap3A_492 = arith.constant 128 : index
    %swap3A_493 = tpu.vector_load %arg13[%swap3A_491, %swap3A_492] {strides = array<i32>} : memref<80x144xf32, #tpu.memory_space<vmem>>, vector<16xf32>,
    tpu.vector_store %arg13[%swap3A_491, %swap3A_492], %select_n3A {strides = array<i32>} : memref<80x144xf32, #tpu.memory_space<vmem>>, vector<16xf32>,
    %swap3A_494 = arith.constant 60 : i32
    %swap3A_495 = arith.index_cast %swap3A_494 : i32 to index
    %swap3A_496 = arith.constant 128 : index
    %swap3A_497 = tpu.vector_load %arg14[%swap3A_495, %swap3A_496] {strides = array<i32>} : memref<80x144xf32, #tpu.memory_space<vmem>>, vector<16xf32>,
    tpu.vector_store %arg14[%swap3A_495, %swap3A_496], %select_n3A {strides = array<i32>} : memref<80x144xf32, #tpu.memory_space<vmem>>, vector<16xf32>,
    %swap3A_498 = arith.constant 61 : i32
    %swap3A_499 = arith.index_cast %swap3A_498 : i32 to index
    %swap3A_500 = arith.constant 128 : index
    %swap3A_501 = tpu.vector_load %arg13[%swap3A_499, %swap3A_500] {strides = array<i32>} : memref<80x144xf32, #tpu.memory_space<vmem>>, vector<16xf32>,
    tpu.vector_store %arg13[%swap3A_499, %swap3A_500], %select_n3A {strides = array<i32>} : memref<80x144xf32, #tpu.memory_space<vmem>>, vector<16xf32>,
    %swap3A_502 = arith.constant 61 : i32
    %swap3A_503 = arith.index_cast %swap3A_502 : i32 to index
    %swap3A_504 = arith.constant 128 : index
    %swap3A_505 = tpu.vector_load %arg14[%swap3A_503, %swap3A_504] {strides = array<i32>} : memref<80x144xf32, #tpu.memory_space<vmem>>, vector<16xf32>,
    tpu.vector_store %arg14[%swap3A_503, %swap3A_504], %select_n3A {strides = array<i32>} : memref<80x144xf32, #tpu.memory_space<vmem>>, vector<16xf32>,
    %swap3A_506 = arith.constant 62 : i32
    %swap3A_507 = arith.index_cast %swap3A_506 : i32 to index
    %swap3A_508 = arith.constant 128 : index
    %swap3A_509 = tpu.vector_load %arg13[%swap3A_507, %swap3A_508] {strides = array<i32>} : memref<80x144xf32, #tpu.memory_space<vmem>>, vector<16xf32>,
    tpu.vector_store %arg13[%swap3A_507, %swap3A_508], %select_n3A {strides = array<i32>} : memref<80x144xf32, #tpu.memory_space<vmem>>, vector<16xf32>,
    %swap3A_510 = arith.constant 62 : i32
    %swap3A_511 = arith.index_cast %swap3A_510 : i32 to index
    %swap3A_512 = arith.constant 128 : index
    %swap3A_513 = tpu.vector_load %arg14[%swap3A_511, %swap3A_512] {strides = array<i32>} : memref<80x144xf32, #tpu.memory_space<vmem>>, vector<16xf32>,
    tpu.vector_store %arg14[%swap3A_511, %swap3A_512], %select_n3A {strides = array<i32>} : memref<80x144xf32, #tpu.memory_space<vmem>>, vector<16xf32>,
    %swap3A_514 = arith.constant 63 : i32
    %swap3A_515 = arith.index_cast %swap3A_514 : i32 to index
    %swap3A_516 = arith.constant 128 : index
    %swap3A_517 = tpu.vector_load %arg13[%swap3A_515, %swap3A_516] {strides = array<i32>} : memref<80x144xf32, #tpu.memory_space<vmem>>, vector<16xf32>,
    tpu.vector_store %arg13[%swap3A_515, %swap3A_516], %select_n3A {strides = array<i32>} : memref<80x144xf32, #tpu.memory_space<vmem>>, vector<16xf32>,
    %swap3A_518 = arith.constant 63 : i32
    %swap3A_519 = arith.index_cast %swap3A_518 : i32 to index
    %swap3A_520 = arith.constant 128 : index
    %swap3A_521 = tpu.vector_load %arg14[%swap3A_519, %swap3A_520] {strides = array<i32>} : memref<80x144xf32, #tpu.memory_space<vmem>>, vector<16xf32>,
    tpu.vector_store %arg14[%swap3A_519, %swap3A_520], %select_n3A {strides = array<i32>} : memref<80x144xf32, #tpu.memory_space<vmem>>, vector<16xf32>,
    %swap3A_522 = arith.constant 64 : i32
    %swap3A_523 = arith.index_cast %swap3A_522 : i32 to index
    %swap3A_524 = arith.constant 128 : index
    %swap3A_525 = tpu.vector_load %arg13[%swap3A_523, %swap3A_524] {strides = array<i32>} : memref<80x144xf32, #tpu.memory_space<vmem>>, vector<16xf32>,
    tpu.vector_store %arg13[%swap3A_523, %swap3A_524], %select_n3A {strides = array<i32>} : memref<80x144xf32, #tpu.memory_space<vmem>>, vector<16xf32>,
    %swap3A_526 = arith.constant 64 : i32
    %swap3A_527 = arith.index_cast %swap3A_526 : i32 to index
    %swap3A_528 = arith.constant 128 : index
    %swap3A_529 = tpu.vector_load %arg14[%swap3A_527, %swap3A_528] {strides = array<i32>} : memref<80x144xf32, #tpu.memory_space<vmem>>, vector<16xf32>,
    tpu.vector_store %arg14[%swap3A_527, %swap3A_528], %select_n3A {strides = array<i32>} : memref<80x144xf32, #tpu.memory_space<vmem>>, vector<16xf32>,
    %swap3A_530 = arith.constant 65 : i32
    %swap3A_531 = arith.index_cast %swap3A_530 : i32 to index
    %swap3A_532 = arith.constant 128 : index
    %swap3A_533 = tpu.vector_load %arg13[%swap3A_531, %swap3A_532] {strides = array<i32>} : memref<80x144xf32, #tpu.memory_space<vmem>>, vector<16xf32>,
    tpu.vector_store %arg13[%swap3A_531, %swap3A_532], %select_n3A {strides = array<i32>} : memref<80x144xf32, #tpu.memory_space<vmem>>, vector<16xf32>,
    %swap3A_534 = arith.constant 65 : i32
    %swap3A_535 = arith.index_cast %swap3A_534 : i32 to index
    %swap3A_536 = arith.constant 128 : index
    %swap3A_537 = tpu.vector_load %arg14[%swap3A_535, %swap3A_536] {strides = array<i32>} : memref<80x144xf32, #tpu.memory_space<vmem>>, vector<16xf32>,
    tpu.vector_store %arg14[%swap3A_535, %swap3A_536], %select_n3A {strides = array<i32>} : memref<80x144xf32, #tpu.memory_space<vmem>>, vector<16xf32>,
    %swap3A_538 = arith.constant 66 : i32
    %swap3A_539 = arith.index_cast %swap3A_538 : i32 to index
    %swap3A_540 = arith.constant 128 : index
    %swap3A_541 = tpu.vector_load %arg13[%swap3A_539, %swap3A_540] {strides = array<i32>} : memref<80x144xf32, #tpu.memory_space<vmem>>, vector<16xf32>,
    tpu.vector_store %arg13[%swap3A_539, %swap3A_540], %select_n3A {strides = array<i32>} : memref<80x144xf32, #tpu.memory_space<vmem>>, vector<16xf32>,
    %swap3A_542 = arith.constant 66 : i32
    %swap3A_543 = arith.index_cast %swap3A_542 : i32 to index
    %swap3A_544 = arith.constant 128 : index
    %swap3A_545 = tpu.vector_load %arg14[%swap3A_543, %swap3A_544] {strides = array<i32>} : memref<80x144xf32, #tpu.memory_space<vmem>>, vector<16xf32>,
    tpu.vector_store %arg14[%swap3A_543, %swap3A_544], %select_n3A {strides = array<i32>} : memref<80x144xf32, #tpu.memory_space<vmem>>, vector<16xf32>,
    %swap3A_546 = arith.constant 67 : i32
    %swap3A_547 = arith.index_cast %swap3A_546 : i32 to index
    %swap3A_548 = arith.constant 128 : index
    %swap3A_549 = tpu.vector_load %arg13[%swap3A_547, %swap3A_548] {strides = array<i32>} : memref<80x144xf32, #tpu.memory_space<vmem>>, vector<16xf32>,
    tpu.vector_store %arg13[%swap3A_547, %swap3A_548], %select_n3A {strides = array<i32>} : memref<80x144xf32, #tpu.memory_space<vmem>>, vector<16xf32>,
    %swap3A_550 = arith.constant 67 : i32
    %swap3A_551 = arith.index_cast %swap3A_550 : i32 to index
    %swap3A_552 = arith.constant 128 : index
    %swap3A_553 = tpu.vector_load %arg14[%swap3A_551, %swap3A_552] {strides = array<i32>} : memref<80x144xf32, #tpu.memory_space<vmem>>, vector<16xf32>,
    tpu.vector_store %arg14[%swap3A_551, %swap3A_552], %select_n3A {strides = array<i32>} : memref<80x144xf32, #tpu.memory_space<vmem>>, vector<16xf32>,
    %swap3A_554 = arith.constant 68 : i32
    %swap3A_555 = arith.index_cast %swap3A_554 : i32 to index
    %swap3A_556 = arith.constant 128 : index
    %swap3A_557 = tpu.vector_load %arg13[%swap3A_555, %swap3A_556] {strides = array<i32>} : memref<80x144xf32, #tpu.memory_space<vmem>>, vector<16xf32>,
    tpu.vector_store %arg13[%swap3A_555, %swap3A_556], %select_n3A {strides = array<i32>} : memref<80x144xf32, #tpu.memory_space<vmem>>, vector<16xf32>,
    %swap3A_558 = arith.constant 68 : i32
    %swap3A_559 = arith.index_cast %swap3A_558 : i32 to index
    %swap3A_560 = arith.constant 128 : index
    %swap3A_561 = tpu.vector_load %arg14[%swap3A_559, %swap3A_560] {strides = array<i32>} : memref<80x144xf32, #tpu.memory_space<vmem>>, vector<16xf32>,
    tpu.vector_store %arg14[%swap3A_559, %swap3A_560], %select_n3A {strides = array<i32>} : memref<80x144xf32, #tpu.memory_space<vmem>>, vector<16xf32>,
    %swap3A_562 = arith.constant 69 : i32
    %swap3A_563 = arith.index_cast %swap3A_562 : i32 to index
    %swap3A_564 = arith.constant 128 : index
    %swap3A_565 = tpu.vector_load %arg13[%swap3A_563, %swap3A_564] {strides = array<i32>} : memref<80x144xf32, #tpu.memory_space<vmem>>, vector<16xf32>,
    tpu.vector_store %arg13[%swap3A_563, %swap3A_564], %select_n3A {strides = array<i32>} : memref<80x144xf32, #tpu.memory_space<vmem>>, vector<16xf32>,
    %swap3A_566 = arith.constant 69 : i32
    %swap3A_567 = arith.index_cast %swap3A_566 : i32 to index
    %swap3A_568 = arith.constant 128 : index
    %swap3A_569 = tpu.vector_load %arg14[%swap3A_567, %swap3A_568] {strides = array<i32>} : memref<80x144xf32, #tpu.memory_space<vmem>>, vector<16xf32>,
    tpu.vector_store %arg14[%swap3A_567, %swap3A_568], %select_n3A {strides = array<i32>} : memref<80x144xf32, #tpu.memory_space<vmem>>, vector<16xf32>,
    %swap3A_570 = arith.constant 70 : i32
    %swap3A_571 = arith.index_cast %swap3A_570 : i32 to index
    %swap3A_572 = arith.constant 128 : index
    %swap3A_573 = tpu.vector_load %arg13[%swap3A_571, %swap3A_572] {strides = array<i32>} : memref<80x144xf32, #tpu.memory_space<vmem>>, vector<16xf32>,
    tpu.vector_store %arg13[%swap3A_571, %swap3A_572], %select_n3A {strides = array<i32>} : memref<80x144xf32, #tpu.memory_space<vmem>>, vector<16xf32>,
    %swap3A_574 = arith.constant 70 : i32
    %swap3A_575 = arith.index_cast %swap3A_574 : i32 to index
    %swap3A_576 = arith.constant 128 : index
    %swap3A_577 = tpu.vector_load %arg14[%swap3A_575, %swap3A_576] {strides = array<i32>} : memref<80x144xf32, #tpu.memory_space<vmem>>, vector<16xf32>,
    tpu.vector_store %arg14[%swap3A_575, %swap3A_576], %select_n3A {strides = array<i32>} : memref<80x144xf32, #tpu.memory_space<vmem>>, vector<16xf32>,
    %swap3A_578 = arith.constant 71 : i32
    %swap3A_579 = arith.index_cast %swap3A_578 : i32 to index
    %swap3A_580 = arith.constant 128 : index
    %swap3A_581 = tpu.vector_load %arg13[%swap3A_579, %swap3A_580] {strides = array<i32>} : memref<80x144xf32, #tpu.memory_space<vmem>>, vector<16xf32>,
    tpu.vector_store %arg13[%swap3A_579, %swap3A_580], %select_n3A {strides = array<i32>} : memref<80x144xf32, #tpu.memory_space<vmem>>, vector<16xf32>,
    %swap3A_582 = arith.constant 71 : i32
    %swap3A_583 = arith.index_cast %swap3A_582 : i32 to index
    %swap3A_584 = arith.constant 128 : index
    %swap3A_585 = tpu.vector_load %arg14[%swap3A_583, %swap3A_584] {strides = array<i32>} : memref<80x144xf32, #tpu.memory_space<vmem>>, vector<16xf32>,
    tpu.vector_store %arg14[%swap3A_583, %swap3A_584], %select_n3A {strides = array<i32>} : memref<80x144xf32, #tpu.memory_space<vmem>>, vector<16xf32>,
    %swap3A_586 = arith.constant 72 : i32
    %swap3A_587 = arith.index_cast %swap3A_586 : i32 to index
    %swap3A_588 = arith.constant 128 : index
    %swap3A_589 = tpu.vector_load %arg13[%swap3A_587, %swap3A_588] {strides = array<i32>} : memref<80x144xf32, #tpu.memory_space<vmem>>, vector<16xf32>,
    tpu.vector_store %arg13[%swap3A_587, %swap3A_588], %select_n3A {strides = array<i32>} : memref<80x144xf32, #tpu.memory_space<vmem>>, vector<16xf32>,
    %swap3A_590 = arith.constant 72 : i32
    %swap3A_591 = arith.index_cast %swap3A_590 : i32 to index
    %swap3A_592 = arith.constant 128 : index
    %swap3A_593 = tpu.vector_load %arg14[%swap3A_591, %swap3A_592] {strides = array<i32>} : memref<80x144xf32, #tpu.memory_space<vmem>>, vector<16xf32>,
    tpu.vector_store %arg14[%swap3A_591, %swap3A_592], %select_n3A {strides = array<i32>} : memref<80x144xf32, #tpu.memory_space<vmem>>, vector<16xf32>,
    %swap3A_594 = arith.constant 73 : i32
    %swap3A_595 = arith.index_cast %swap3A_594 : i32 to index
    %swap3A_596 = arith.constant 128 : index
    %swap3A_597 = tpu.vector_load %arg13[%swap3A_595, %swap3A_596] {strides = array<i32>} : memref<80x144xf32, #tpu.memory_space<vmem>>, vector<16xf32>,
    tpu.vector_store %arg13[%swap3A_595, %swap3A_596], %select_n3A {strides = array<i32>} : memref<80x144xf32, #tpu.memory_space<vmem>>, vector<16xf32>,
    %swap3A_598 = arith.constant 73 : i32
    %swap3A_599 = arith.index_cast %swap3A_598 : i32 to index
    %swap3A_600 = arith.constant 128 : index
    %swap3A_601 = tpu.vector_load %arg14[%swap3A_599, %swap3A_600] {strides = array<i32>} : memref<80x144xf32, #tpu.memory_space<vmem>>, vector<16xf32>,
    tpu.vector_store %arg14[%swap3A_599, %swap3A_600], %select_n3A {strides = array<i32>} : memref<80x144xf32, #tpu.memory_space<vmem>>, vector<16xf32>,
    %swap3A_602 = arith.constant 74 : i32
    %swap3A_603 = arith.index_cast %swap3A_602 : i32 to index
    %swap3A_604 = arith.constant 128 : index
    %swap3A_605 = tpu.vector_load %arg13[%swap3A_603, %swap3A_604] {strides = array<i32>} : memref<80x144xf32, #tpu.memory_space<vmem>>, vector<16xf32>,
    tpu.vector_store %arg13[%swap3A_603, %swap3A_604], %select_n3A {strides = array<i32>} : memref<80x144xf32, #tpu.memory_space<vmem>>, vector<16xf32>,
    %swap3A_606 = arith.constant 74 : i32
    %swap3A_607 = arith.index_cast %swap3A_606 : i32 to index
    %swap3A_608 = arith.constant 128 : index
    %swap3A_609 = tpu.vector_load %arg14[%swap3A_607, %swap3A_608] {strides = array<i32>} : memref<80x144xf32, #tpu.memory_space<vmem>>, vector<16xf32>,
    tpu.vector_store %arg14[%swap3A_607, %swap3A_608], %select_n3A {strides = array<i32>} : memref<80x144xf32, #tpu.memory_space<vmem>>, vector<16xf32>,
    %swap3A_610 = arith.constant 75 : i32
    %swap3A_611 = arith.index_cast %swap3A_610 : i32 to index
    %swap3A_612 = arith.constant 128 : index
    %swap3A_613 = tpu.vector_load %arg13[%swap3A_611, %swap3A_612] {strides = array<i32>} : memref<80x144xf32, #tpu.memory_space<vmem>>, vector<16xf32>,
    tpu.vector_store %arg13[%swap3A_611, %swap3A_612], %select_n3A {strides = array<i32>} : memref<80x144xf32, #tpu.memory_space<vmem>>, vector<16xf32>,
    %swap3A_614 = arith.constant 75 : i32
    %swap3A_615 = arith.index_cast %swap3A_614 : i32 to index
    %swap3A_616 = arith.constant 128 : index
    %swap3A_617 = tpu.vector_load %arg14[%swap3A_615, %swap3A_616] {strides = array<i32>} : memref<80x144xf32, #tpu.memory_space<vmem>>, vector<16xf32>,
    tpu.vector_store %arg14[%swap3A_615, %swap3A_616], %select_n3A {strides = array<i32>} : memref<80x144xf32, #tpu.memory_space<vmem>>, vector<16xf32>,
    %swap3A_618 = arith.constant 76 : i32
    %swap3A_619 = arith.index_cast %swap3A_618 : i32 to index
    %swap3A_620 = arith.constant 128 : index
    %swap3A_621 = tpu.vector_load %arg13[%swap3A_619, %swap3A_620] {strides = array<i32>} : memref<80x144xf32, #tpu.memory_space<vmem>>, vector<16xf32>,
    tpu.vector_store %arg13[%swap3A_619, %swap3A_620], %select_n3A {strides = array<i32>} : memref<80x144xf32, #tpu.memory_space<vmem>>, vector<16xf32>,
    %swap3A_622 = arith.constant 76 : i32
    %swap3A_623 = arith.index_cast %swap3A_622 : i32 to index
    %swap3A_624 = arith.constant 128 : index
    %swap3A_625 = tpu.vector_load %arg14[%swap3A_623, %swap3A_624] {strides = array<i32>} : memref<80x144xf32, #tpu.memory_space<vmem>>, vector<16xf32>,
    tpu.vector_store %arg14[%swap3A_623, %swap3A_624], %select_n3A {strides = array<i32>} : memref<80x144xf32, #tpu.memory_space<vmem>>, vector<16xf32>,
    %swap3A_626 = arith.constant 77 : i32
    %swap3A_627 = arith.index_cast %swap3A_626 : i32 to index
    %swap3A_628 = arith.constant 128 : index
    %swap3A_629 = tpu.vector_load %arg13[%swap3A_627, %swap3A_628] {strides = array<i32>} : memref<80x144xf32, #tpu.memory_space<vmem>>, vector<16xf32>,
    tpu.vector_store %arg13[%swap3A_627, %swap3A_628], %select_n3A {strides = array<i32>} : memref<80x144xf32, #tpu.memory_space<vmem>>, vector<16xf32>,
    %swap3A_630 = arith.constant 77 : i32
    %swap3A_631 = arith.index_cast %swap3A_630 : i32 to index
    %swap3A_632 = arith.constant 128 : index
    %swap3A_633 = tpu.vector_load %arg14[%swap3A_631, %swap3A_632] {strides = array<i32>} : memref<80x144xf32, #tpu.memory_space<vmem>>, vector<16xf32>,
    tpu.vector_store %arg14[%swap3A_631, %swap3A_632], %select_n3A {strides = array<i32>} : memref<80x144xf32, #tpu.memory_space<vmem>>, vector<16xf32>,
    %swap3A_634 = arith.constant 78 : i32
    %swap3A_635 = arith.index_cast %swap3A_634 : i32 to index
    %swap3A_636 = arith.constant 128 : index
    %swap3A_637 = tpu.vector_load %arg13[%swap3A_635, %swap3A_636] {strides = array<i32>} : memref<80x144xf32, #tpu.memory_space<vmem>>, vector<16xf32>,
    tpu.vector_store %arg13[%swap3A_635, %swap3A_636], %select_n3A {strides = array<i32>} : memref<80x144xf32, #tpu.memory_space<vmem>>, vector<16xf32>,
    %swap3A_638 = arith.constant 78 : i32
    %swap3A_639 = arith.index_cast %swap3A_638 : i32 to index
    %swap3A_640 = arith.constant 128 : index
    %swap3A_641 = tpu.vector_load %arg14[%swap3A_639, %swap3A_640] {strides = array<i32>} : memref<80x144xf32, #tpu.memory_space<vmem>>, vector<16xf32>,
    tpu.vector_store %arg14[%swap3A_639, %swap3A_640], %select_n3A {strides = array<i32>} : memref<80x144xf32, #tpu.memory_space<vmem>>, vector<16xf32>,
    %swap3A_642 = arith.constant 79 : i32
    %swap3A_643 = arith.index_cast %swap3A_642 : i32 to index
    %swap3A_644 = arith.constant 128 : index
    %swap3A_645 = tpu.vector_load %arg13[%swap3A_643, %swap3A_644] {strides = array<i32>} : memref<80x144xf32, #tpu.memory_space<vmem>>, vector<16xf32>,
    tpu.vector_store %arg13[%swap3A_643, %swap3A_644], %select_n3A {strides = array<i32>} : memref<80x144xf32, #tpu.memory_space<vmem>>, vector<16xf32>,
    %swap3A_646 = arith.constant 79 : i32
    %swap3A_647 = arith.index_cast %swap3A_646 : i32 to index
    %swap3A_648 = arith.constant 128 : index
    %swap3A_649 = tpu.vector_load %arg14[%swap3A_647, %swap3A_648] {strides = array<i32>} : memref<80x144xf32, #tpu.memory_space<vmem>>, vector<16xf32>,
    tpu.vector_store %arg14[%swap3A_647, %swap3A_648], %select_n3A {strides = array<i32>} : memref<80x144xf32, #tpu.memory_space<vmem>>, vector<16xf32>,
    %barrier3A = arith.constant 0 : index
    tpu.barrier barrier_id(%barrier3A)
    "tpu.region"() ({
      %run_scoped3A = tpu.sem_alloc : memref<!tpu.dma_semaphore, #tpu.memory_space<semaphore_mem>>
      %dma_start3A_691 = tpu.memref_slice %arg3[%mul3A_6] : memref<320000xi32, #tpu.memory_space<hbm>> -> memref<80xi32, #tpu.memory_space<hbm>>
      %dma_start3A_692 = tpu.memref_slice %arg3[%mul3A_6] : memref<320000xi32, #tpu.memory_space<hbm>> -> memref<80xi32, #tpu.memory_space<hbm>>
      tpu.enqueue_dma source(%dma_start3A_692 : memref<80xi32, #tpu.memory_space<hbm>>) target(%arg7 : memref<80xi32, #tpu.memory_space<vmem>>) target_semaphore(%run_scoped3A : memref<!tpu.dma_semaphore, #tpu.memory_space<semaphore_mem>>)
      %dma_wait3A_693 = tpu.memref_slice %arg3[%mul3A_6] : memref<320000xi32, #tpu.memory_space<hbm>> -> memref<80xi32, #tpu.memory_space<hbm>>
      %dma_wait3A_694 = tpu.memref_slice %arg3[%mul3A_6] : memref<320000xi32, #tpu.memory_space<hbm>> -> memref<80xi32, #tpu.memory_space<hbm>>
      tpu.wait_dma2 semaphore(%run_scoped3A : memref<!tpu.dma_semaphore, #tpu.memory_space<semaphore_mem>>) src(%dma_wait3A_694 : memref<80xi32, #tpu.memory_space<hbm>>) dst(%arg7 : memref<80xi32, #tpu.memory_space<vmem>>)
      tpu.yield
    }) : () -> ()
    %add3A_650 = arith.constant 80 : i32
    %add3A_651 = arith.addi %mul3A_6, %add3A_650 : i32
    "tpu.region"() ({
      %run_scoped3A = tpu.sem_alloc : memref<!tpu.dma_semaphore, #tpu.memory_space<semaphore_mem>>
      %dma_start3A_691 = tpu.memref_slice %arg3[%add3A_651] : memref<320000xi32, #tpu.memory_space<hbm>> -> memref<80xi32, #tpu.memory_space<hbm>>
      %dma_start3A_692 = tpu.memref_slice %arg3[%add3A_651] : memref<320000xi32, #tpu.memory_space<hbm>> -> memref<80xi32, #tpu.memory_space<hbm>>
      tpu.enqueue_dma source(%dma_start3A_692 : memref<80xi32, #tpu.memory_space<hbm>>) target(%arg8 : memref<80xi32, #tpu.memory_space<vmem>>) target_semaphore(%run_scoped3A : memref<!tpu.dma_semaphore, #tpu.memory_space<semaphore_mem>>)
      %dma_wait3A_693 = tpu.memref_slice %arg3[%add3A_651] : memref<320000xi32, #tpu.memory_space<hbm>> -> memref<80xi32, #tpu.memory_space<hbm>>
      %dma_wait3A_694 = tpu.memref_slice %arg3[%add3A_651] : memref<320000xi32, #tpu.memory_space<hbm>> -> memref<80xi32, #tpu.memory_space<hbm>>
      tpu.wait_dma2 semaphore(%run_scoped3A : memref<!tpu.dma_semaphore, #tpu.memory_space<semaphore_mem>>) src(%dma_wait3A_694 : memref<80xi32, #tpu.memory_space<hbm>>) dst(%arg8 : memref<80xi32, #tpu.memory_space<vmem>>)
      tpu.yield
    }) : () -> ()
    %dma_start3A = arith.constant 0 : i32
    %dma_start3A_652 = arith.constant 0 : i32
    %dma_start3A_653 = tpu.memref_slice %arg2[%dma_start3A, %dma_start3A_652] : memref<10000x128xbf16, #tpu.memory_space<hbm>> -> memref<10000x128xbf16, #tpu.memory_space<hbm>>
    tpu.enqueue_indirect_dma source(%dma_start3A_653 : memref<10000x128xbf16, #tpu.memory_space<hbm>>) target(%arg11 : memref<80x128xbf16, #tpu.memory_space<vmem>>) offsets(%arg7 : memref<80xi32, #tpu.memory_space<vmem>>) semaphore(%arg16 : memref<!tpu.dma_semaphore, #tpu.memory_space<semaphore_mem>>)
    %dma_start3A_654 = arith.constant 0 : i32
    %dma_start3A_655 = arith.constant 0 : i32
    %dma_start3A_656 = tpu.memref_slice %arg2[%dma_start3A_654, %dma_start3A_655] : memref<10000x128xbf16, #tpu.memory_space<hbm>> -> memref<10000x128xbf16, #tpu.memory_space<hbm>>
    tpu.enqueue_indirect_dma source(%dma_start3A_656 : memref<10000x128xbf16, #tpu.memory_space<hbm>>) target(%arg12 : memref<80x128xbf16, #tpu.memory_space<vmem>>) offsets(%arg8 : memref<80xi32, #tpu.memory_space<vmem>>) semaphore(%arg17 : memref<!tpu.dma_semaphore, #tpu.memory_space<semaphore_mem>>)
    %scan3A = arith.constant 0 : i32
    %scan3A_657 = arith.constant 0 : i32
    %scan3A_658 = arith.constant 62 : i32
    %scan3A_659 = arith.addi %scan3A_657, %scan3A_658 : i32
    %scan3A_660 = arith.constant 1 : i32
    scf.for %scan3A_691 = %scan3A_657 to %scan3A_659 step %scan3A_660  : i32 {
      %mul3A_692 = arith.constant 2 : i32
      %mul3A_693 = arith.muli %mul3A_692, %scan3A_691 : i32
      %gt3A = arith.constant 0 : i32
      %gt3A_694 = arith.cmpi sgt, %scan3A_691, %gt3A : i32
      %convert_element_type3A = arith.extui %gt3A_694 : i1 to i32
      %cond3A = arith.constant 0 : i32
      %cond3A_695 = arith.cmpi ne, %convert_element_type3A, %cond3A : i32
      scf.if %cond3A_695 {
        %dma_wait3A_770 = arith.constant 0 : i32
        %dma_wait3A_771 = arith.constant 0 : i32
        %dma_wait3A_772 = tpu.memref_slice %arg15[%dma_wait3A_770, %dma_wait3A_771] : memref<10000x144xf32, #tpu.memory_space<vmem_shared>> -> memref<10000x144xf32, #tpu.memory_space<vmem_shared>>
        tpu.wait_indirect_dma semaphore(%arg22 : memref<!tpu.dma_semaphore, #tpu.memory_space<semaphore_mem>>) src(%arg13 : memref<80x144xf32, #tpu.memory_space<vmem>>) dst(%dma_wait3A_772 : memref<10000x144xf32, #tpu.memory_space<vmem_shared>>)
      } else {
      }
      %mul3A_696 = arith.constant 80 : i32
      %mul3A_697 = arith.muli %mul3A_693, %mul3A_696 : i32
      %add3A_698 = arith.addi %mul3A_6, %mul3A_697 : i32
      %dma_start3A_699 = tpu.memref_slice %arg4[%add3A_698] : memref<320000xi32, #tpu.memory_space<hbm>> -> memref<80xi32, #tpu.memory_space<hbm>>
      %dma_start3A_700 = tpu.memref_slice %arg4[%add3A_698] : memref<320000xi32, #tpu.memory_space<hbm>> -> memref<80xi32, #tpu.memory_space<hbm>>
      tpu.enqueue_dma source(%dma_start3A_700 : memref<80xi32, #tpu.memory_space<hbm>>) target(%arg9 : memref<80xi32, #tpu.memory_space<vmem>>) target_semaphore(%arg20 : memref<!tpu.dma_semaphore, #tpu.memory_space<semaphore_mem>>)
      %dma_wait3A_701 = arith.constant 0 : i32
      %dma_wait3A_702 = arith.constant 0 : i32
      %dma_wait3A_703 = tpu.memref_slice %arg2[%dma_wait3A_701, %dma_wait3A_702] : memref<10000x128xbf16, #tpu.memory_space<hbm>> -> memref<10000x128xbf16, #tpu.memory_space<hbm>>
      tpu.wait_indirect_dma semaphore(%arg16 : memref<!tpu.dma_semaphore, #tpu.memory_space<semaphore_mem>>) src(%dma_wait3A_703 : memref<10000x128xbf16, #tpu.memory_space<hbm>>) dst(%arg11 : memref<80x128xbf16, #tpu.memory_space<vmem>>)
      %add3A_704 = arith.constant 2 : i32
      %add3A_705 = arith.addi %mul3A_693, %add3A_704 : i32
      %lt3A = arith.constant 125 : i32
      %lt3A_706 = arith.cmpi slt, %add3A_705, %lt3A : i32
      %convert_element_type3A_707 = arith.extui %lt3A_706 : i1 to i32
      %cond3A_708 = arith.constant 0 : i32
      %cond3A_709 = arith.cmpi ne, %convert_element_type3A_707, %cond3A_708 : i32
      scf.if %cond3A_709 {
        %add3A_770 = arith.constant 2 : i32
        %add3A_771 = arith.addi %mul3A_693, %add3A_770 : i32
        %mul3A_772 = arith.constant 80 : i32
        %mul3A_773 = arith.muli %add3A_771, %mul3A_772 : i32
        %add3A_774 = arith.addi %mul3A_6, %mul3A_773 : i32
        %dma_start3A_775 = tpu.memref_slice %arg3[%add3A_774] : memref<320000xi32, #tpu.memory_space<hbm>> -> memref<80xi32, #tpu.memory_space<hbm>>
        %dma_start3A_776 = tpu.memref_slice %arg3[%add3A_774] : memref<320000xi32, #tpu.memory_space<hbm>> -> memref<80xi32, #tpu.memory_space<hbm>>
        tpu.enqueue_dma source(%dma_start3A_776 : memref<80xi32, #tpu.memory_space<hbm>>) target(%arg7 : memref<80xi32, #tpu.memory_space<vmem>>) target_semaphore(%arg18 : memref<!tpu.dma_semaphore, #tpu.memory_space<semaphore_mem>>)
      } else {
      }
      %parallel_loop3A_710 = arith.constant 0 : i32
      %parallel_loop3A_711 = arith.constant 80 : i32
      %parallel_loop3A_712 = arith.constant 1 : i32
      scf.for %parallel_loop3A_770 = %parallel_loop3A_710 to %parallel_loop3A_711 step %parallel_loop3A_712  : i32 {
        %parallel_loop3A_771 = arith.index_cast %parallel_loop3A_770 : i32 to index
        %parallel_loop3A_772 = arith.constant 0 : index
        %parallel_loop3A_773 = tpu.vector_load %arg11[%parallel_loop3A_771, %parallel_loop3A_772] {strides = array<i32>} : memref<80x128xbf16, #tpu.memory_space<vmem>>, vector<32xbf16>,
        %parallel_loop3A_774 = vector.bitcast %parallel_loop3A_773 : vector<32xbf16> to vector<16xi32>
        %parallel_loop3A_775 = arith.constant 16 : i32
        %parallel_loop3A_776 = vector.broadcast %parallel_loop3A_775 : i32 to vector<16xi32>
        %parallel_loop3A_777 = arith.shli %parallel_loop3A_774, %parallel_loop3A_776 : vector<16xi32>
        %parallel_loop3A_778 = vector.bitcast %parallel_loop3A_777 : vector<16xi32> to vector<16xf32>
        %parallel_loop3A_779 = arith.constant -65536 : i32
        %parallel_loop3A_780 = vector.broadcast %parallel_loop3A_779 : i32 to vector<16xi32>
        %parallel_loop3A_781 = arith.andi %parallel_loop3A_774, %parallel_loop3A_780 : vector<16xi32>
        %parallel_loop3A_782 = vector.bitcast %parallel_loop3A_781 : vector<16xi32> to vector<16xf32>
        %parallel_loop3A_783 = arith.index_cast %parallel_loop3A_770 : i32 to index
        %parallel_loop3A_784 = arith.constant 0 : index
        %parallel_loop3A_785 = tpu.vector_load %arg13[%parallel_loop3A_783, %parallel_loop3A_784] {strides = array<i32>} : memref<80x144xf32, #tpu.memory_space<vmem>>, vector<16xf32>,
        tpu.vector_store %arg13[%parallel_loop3A_783, %parallel_loop3A_784], %parallel_loop3A_778 {strides = array<i32>} : memref<80x144xf32, #tpu.memory_space<vmem>>, vector<16xf32>,
        %parallel_loop3A_786 = arith.index_cast %parallel_loop3A_770 : i32 to index
        %parallel_loop3A_787 = arith.constant 16 : index
        %parallel_loop3A_788 = tpu.vector_load %arg13[%parallel_loop3A_786, %parallel_loop3A_787] {strides = array<i32>} : memref<80x144xf32, #tpu.memory_space<vmem>>, vector<16xf32>,
        tpu.vector_store %arg13[%parallel_loop3A_786, %parallel_loop3A_787], %parallel_loop3A_782 {strides = array<i32>} : memref<80x144xf32, #tpu.memory_space<vmem>>, vector<16xf32>,
        %parallel_loop3A_789 = arith.index_cast %parallel_loop3A_770 : i32 to index
        %parallel_loop3A_790 = arith.constant 32 : index
        %parallel_loop3A_791 = tpu.vector_load %arg11[%parallel_loop3A_789, %parallel_loop3A_790] {strides = array<i32>} : memref<80x128xbf16, #tpu.memory_space<vmem>>, vector<32xbf16>,
        %parallel_loop3A_792 = vector.bitcast %parallel_loop3A_791 : vector<32xbf16> to vector<16xi32>
        %parallel_loop3A_793 = arith.constant 16 : i32
        %parallel_loop3A_794 = vector.broadcast %parallel_loop3A_793 : i32 to vector<16xi32>
        %parallel_loop3A_795 = arith.shli %parallel_loop3A_792, %parallel_loop3A_794 : vector<16xi32>
        %parallel_loop3A_796 = vector.bitcast %parallel_loop3A_795 : vector<16xi32> to vector<16xf32>
        %parallel_loop3A_797 = arith.constant -65536 : i32
        %parallel_loop3A_798 = vector.broadcast %parallel_loop3A_797 : i32 to vector<16xi32>
        %parallel_loop3A_799 = arith.andi %parallel_loop3A_792, %parallel_loop3A_798 : vector<16xi32>
        %parallel_loop3A_800 = vector.bitcast %parallel_loop3A_799 : vector<16xi32> to vector<16xf32>
        %parallel_loop3A_801 = arith.index_cast %parallel_loop3A_770 : i32 to index
        %parallel_loop3A_802 = arith.constant 32 : index
        %parallel_loop3A_803 = tpu.vector_load %arg13[%parallel_loop3A_801, %parallel_loop3A_802] {strides = array<i32>} : memref<80x144xf32, #tpu.memory_space<vmem>>, vector<16xf32>,
        tpu.vector_store %arg13[%parallel_loop3A_801, %parallel_loop3A_802], %parallel_loop3A_796 {strides = array<i32>} : memref<80x144xf32, #tpu.memory_space<vmem>>, vector<16xf32>,
        %parallel_loop3A_804 = arith.index_cast %parallel_loop3A_770 : i32 to index
        %parallel_loop3A_805 = arith.constant 48 : index
        %parallel_loop3A_806 = tpu.vector_load %arg13[%parallel_loop3A_804, %parallel_loop3A_805] {strides = array<i32>} : memref<80x144xf32, #tpu.memory_space<vmem>>, vector<16xf32>,
        tpu.vector_store %arg13[%parallel_loop3A_804, %parallel_loop3A_805], %parallel_loop3A_800 {strides = array<i32>} : memref<80x144xf32, #tpu.memory_space<vmem>>, vector<16xf32>,
        %parallel_loop3A_807 = arith.index_cast %parallel_loop3A_770 : i32 to index
        %parallel_loop3A_808 = arith.constant 64 : index
        %parallel_loop3A_809 = tpu.vector_load %arg11[%parallel_loop3A_807, %parallel_loop3A_808] {strides = array<i32>} : memref<80x128xbf16, #tpu.memory_space<vmem>>, vector<32xbf16>,
        %parallel_loop3A_810 = vector.bitcast %parallel_loop3A_809 : vector<32xbf16> to vector<16xi32>
        %parallel_loop3A_811 = arith.constant 16 : i32
        %parallel_loop3A_812 = vector.broadcast %parallel_loop3A_811 : i32 to vector<16xi32>
        %parallel_loop3A_813 = arith.shli %parallel_loop3A_810, %parallel_loop3A_812 : vector<16xi32>
        %parallel_loop3A_814 = vector.bitcast %parallel_loop3A_813 : vector<16xi32> to vector<16xf32>
        %parallel_loop3A_815 = arith.constant -65536 : i32
        %parallel_loop3A_816 = vector.broadcast %parallel_loop3A_815 : i32 to vector<16xi32>
        %parallel_loop3A_817 = arith.andi %parallel_loop3A_810, %parallel_loop3A_816 : vector<16xi32>
        %parallel_loop3A_818 = vector.bitcast %parallel_loop3A_817 : vector<16xi32> to vector<16xf32>
        %parallel_loop3A_819 = arith.index_cast %parallel_loop3A_770 : i32 to index
        %parallel_loop3A_820 = arith.constant 64 : index
        %parallel_loop3A_821 = tpu.vector_load %arg13[%parallel_loop3A_819, %parallel_loop3A_820] {strides = array<i32>} : memref<80x144xf32, #tpu.memory_space<vmem>>, vector<16xf32>,
        tpu.vector_store %arg13[%parallel_loop3A_819, %parallel_loop3A_820], %parallel_loop3A_814 {strides = array<i32>} : memref<80x144xf32, #tpu.memory_space<vmem>>, vector<16xf32>,
        %parallel_loop3A_822 = arith.index_cast %parallel_loop3A_770 : i32 to index
        %parallel_loop3A_823 = arith.constant 80 : index
        %parallel_loop3A_824 = tpu.vector_load %arg13[%parallel_loop3A_822, %parallel_loop3A_823] {strides = array<i32>} : memref<80x144xf32, #tpu.memory_space<vmem>>, vector<16xf32>,
        tpu.vector_store %arg13[%parallel_loop3A_822, %parallel_loop3A_823], %parallel_loop3A_818 {strides = array<i32>} : memref<80x144xf32, #tpu.memory_space<vmem>>, vector<16xf32>,
        %parallel_loop3A_825 = arith.index_cast %parallel_loop3A_770 : i32 to index
        %parallel_loop3A_826 = arith.constant 96 : index
        %parallel_loop3A_827 = tpu.vector_load %arg11[%parallel_loop3A_825, %parallel_loop3A_826] {strides = array<i32>} : memref<80x128xbf16, #tpu.memory_space<vmem>>, vector<32xbf16>,
        %parallel_loop3A_828 = vector.bitcast %parallel_loop3A_827 : vector<32xbf16> to vector<16xi32>
        %parallel_loop3A_829 = arith.constant 16 : i32
        %parallel_loop3A_830 = vector.broadcast %parallel_loop3A_829 : i32 to vector<16xi32>
        %parallel_loop3A_831 = arith.shli %parallel_loop3A_828, %parallel_loop3A_830 : vector<16xi32>
        %parallel_loop3A_832 = vector.bitcast %parallel_loop3A_831 : vector<16xi32> to vector<16xf32>
        %parallel_loop3A_833 = arith.constant -65536 : i32
        %parallel_loop3A_834 = vector.broadcast %parallel_loop3A_833 : i32 to vector<16xi32>
        %parallel_loop3A_835 = arith.andi %parallel_loop3A_828, %parallel_loop3A_834 : vector<16xi32>
        %parallel_loop3A_836 = vector.bitcast %parallel_loop3A_835 : vector<16xi32> to vector<16xf32>
        %parallel_loop3A_837 = arith.index_cast %parallel_loop3A_770 : i32 to index
        %parallel_loop3A_838 = arith.constant 96 : index
        %parallel_loop3A_839 = tpu.vector_load %arg13[%parallel_loop3A_837, %parallel_loop3A_838] {strides = array<i32>} : memref<80x144xf32, #tpu.memory_space<vmem>>, vector<16xf32>,
        tpu.vector_store %arg13[%parallel_loop3A_837, %parallel_loop3A_838], %parallel_loop3A_832 {strides = array<i32>} : memref<80x144xf32, #tpu.memory_space<vmem>>, vector<16xf32>,
        %parallel_loop3A_840 = arith.index_cast %parallel_loop3A_770 : i32 to index
        %parallel_loop3A_841 = arith.constant 112 : index
        %parallel_loop3A_842 = tpu.vector_load %arg13[%parallel_loop3A_840, %parallel_loop3A_841] {strides = array<i32>} : memref<80x144xf32, #tpu.memory_space<vmem>>, vector<16xf32>,
        tpu.vector_store %arg13[%parallel_loop3A_840, %parallel_loop3A_841], %parallel_loop3A_836 {strides = array<i32>} : memref<80x144xf32, #tpu.memory_space<vmem>>, vector<16xf32>,
      } {sc.loop_unroll_factor = 1 : i64, sc.parallel_access}
      %mul3A_713 = arith.constant 80 : i32
      %mul3A_714 = arith.muli %mul3A_693, %mul3A_713 : i32
      %add3A_715 = arith.addi %mul3A_6, %mul3A_714 : i32
      %dma_wait3A_716 = tpu.memref_slice %arg4[%add3A_715] : memref<320000xi32, #tpu.memory_space<hbm>> -> memref<80xi32, #tpu.memory_space<hbm>>
      %dma_wait3A_717 = tpu.memref_slice %arg4[%add3A_715] : memref<320000xi32, #tpu.memory_space<hbm>> -> memref<80xi32, #tpu.memory_space<hbm>>
      tpu.wait_dma2 semaphore(%arg20 : memref<!tpu.dma_semaphore, #tpu.memory_space<semaphore_mem>>) src(%dma_wait3A_717 : memref<80xi32, #tpu.memory_space<hbm>>) dst(%arg9 : memref<80xi32, #tpu.memory_space<vmem>>)
      %dma_start3A_718 = arith.constant 0 : i32
      %dma_start3A_719 = arith.constant 0 : i32
      %dma_start3A_720 = tpu.memref_slice %arg15[%dma_start3A_718, %dma_start3A_719] : memref<10000x144xf32, #tpu.memory_space<vmem_shared>> -> memref<10000x144xf32, #tpu.memory_space<vmem_shared>>
      tpu.enqueue_indirect_dma source(%arg13 : memref<80x144xf32, #tpu.memory_space<vmem>>) target(%dma_start3A_720 : memref<10000x144xf32, #tpu.memory_space<vmem_shared>>) offsets(%arg9 : memref<80xi32, #tpu.memory_space<vmem>>) semaphore(%arg22 : memref<!tpu.dma_semaphore, #tpu.memory_space<semaphore_mem>>) {add = true}
      %add3A_721 = arith.constant 2 : i32
      %add3A_722 = arith.addi %mul3A_693, %add3A_721 : i32
      %lt3A_723 = arith.constant 125 : i32
      %lt3A_724 = arith.cmpi slt, %add3A_722, %lt3A_723 : i32
      %convert_element_type3A_725 = arith.extui %lt3A_724 : i1 to i32
      %cond3A_726 = arith.constant 0 : i32
      %cond3A_727 = arith.cmpi ne, %convert_element_type3A_725, %cond3A_726 : i32
      scf.if %cond3A_727 {
        %add3A_770 = arith.constant 2 : i32
        %add3A_771 = arith.addi %mul3A_693, %add3A_770 : i32
        %mul3A_772 = arith.constant 80 : i32
        %mul3A_773 = arith.muli %add3A_771, %mul3A_772 : i32
        %add3A_774 = arith.addi %mul3A_6, %mul3A_773 : i32
        %dma_wait3A_775 = tpu.memref_slice %arg3[%add3A_774] : memref<320000xi32, #tpu.memory_space<hbm>> -> memref<80xi32, #tpu.memory_space<hbm>>
        %dma_wait3A_776 = tpu.memref_slice %arg3[%add3A_774] : memref<320000xi32, #tpu.memory_space<hbm>> -> memref<80xi32, #tpu.memory_space<hbm>>
        tpu.wait_dma2 semaphore(%arg18 : memref<!tpu.dma_semaphore, #tpu.memory_space<semaphore_mem>>) src(%dma_wait3A_776 : memref<80xi32, #tpu.memory_space<hbm>>) dst(%arg7 : memref<80xi32, #tpu.memory_space<vmem>>)
        %dma_start3A_777 = arith.constant 0 : i32
        %dma_start3A_778 = arith.constant 0 : i32
        %dma_start3A_779 = tpu.memref_slice %arg2[%dma_start3A_777, %dma_start3A_778] : memref<10000x128xbf16, #tpu.memory_space<hbm>> -> memref<10000x128xbf16, #tpu.memory_space<hbm>>
        tpu.enqueue_indirect_dma source(%dma_start3A_779 : memref<10000x128xbf16, #tpu.memory_space<hbm>>) target(%arg11 : memref<80x128xbf16, #tpu.memory_space<vmem>>) offsets(%arg7 : memref<80xi32, #tpu.memory_space<vmem>>) semaphore(%arg16 : memref<!tpu.dma_semaphore, #tpu.memory_space<semaphore_mem>>)
      } else {
      }
      %mul3A_728 = arith.constant 2 : i32
      %mul3A_729 = arith.muli %mul3A_728, %scan3A_691 : i32
      %add3A_730 = arith.constant 1 : i32
      %add3A_731 = arith.addi %mul3A_729, %add3A_730 : i32
      %gt3A_732 = arith.constant 0 : i32
      %gt3A_733 = arith.cmpi sgt, %scan3A_691, %gt3A_732 : i32
      %convert_element_type3A_734 = arith.extui %gt3A_733 : i1 to i32
      %cond3A_735 = arith.constant 0 : i32
      %cond3A_736 = arith.cmpi ne, %convert_element_type3A_734, %cond3A_735 : i32
      scf.if %cond3A_736 {
        %dma_wait3A_770 = arith.constant 0 : i32
        %dma_wait3A_771 = arith.constant 0 : i32
        %dma_wait3A_772 = tpu.memref_slice %arg15[%dma_wait3A_770, %dma_wait3A_771] : memref<10000x144xf32, #tpu.memory_space<vmem_shared>> -> memref<10000x144xf32, #tpu.memory_space<vmem_shared>>
        tpu.wait_indirect_dma semaphore(%arg23 : memref<!tpu.dma_semaphore, #tpu.memory_space<semaphore_mem>>) src(%arg14 : memref<80x144xf32, #tpu.memory_space<vmem>>) dst(%dma_wait3A_772 : memref<10000x144xf32, #tpu.memory_space<vmem_shared>>)
      } else {
      }
      %mul3A_737 = arith.constant 80 : i32
      %mul3A_738 = arith.muli %add3A_731, %mul3A_737 : i32
      %add3A_739 = arith.addi %mul3A_6, %mul3A_738 : i32
      %dma_start3A_740 = tpu.memref_slice %arg4[%add3A_739] : memref<320000xi32, #tpu.memory_space<hbm>> -> memref<80xi32, #tpu.memory_space<hbm>>
      %dma_start3A_741 = tpu.memref_slice %arg4[%add3A_739] : memref<320000xi32, #tpu.memory_space<hbm>> -> memref<80xi32, #tpu.memory_space<hbm>>
      tpu.enqueue_dma source(%dma_start3A_741 : memref<80xi32, #tpu.memory_space<hbm>>) target(%arg10 : memref<80xi32, #tpu.memory_space<vmem>>) target_semaphore(%arg21 : memref<!tpu.dma_semaphore, #tpu.memory_space<semaphore_mem>>)
      %dma_wait3A_742 = arith.constant 0 : i32
      %dma_wait3A_743 = arith.constant 0 : i32
      %dma_wait3A_744 = tpu.memref_slice %arg2[%dma_wait3A_742, %dma_wait3A_743] : memref<10000x128xbf16, #tpu.memory_space<hbm>> -> memref<10000x128xbf16, #tpu.memory_space<hbm>>
      tpu.wait_indirect_dma semaphore(%arg17 : memref<!tpu.dma_semaphore, #tpu.memory_space<semaphore_mem>>) src(%dma_wait3A_744 : memref<10000x128xbf16, #tpu.memory_space<hbm>>) dst(%arg12 : memref<80x128xbf16, #tpu.memory_space<vmem>>)
      %add3A_745 = arith.constant 2 : i32
      %add3A_746 = arith.addi %add3A_731, %add3A_745 : i32
      %lt3A_747 = arith.constant 125 : i32
      %lt3A_748 = arith.cmpi slt, %add3A_746, %lt3A_747 : i32
      %convert_element_type3A_749 = arith.extui %lt3A_748 : i1 to i32
      %cond3A_750 = arith.constant 0 : i32
      %cond3A_751 = arith.cmpi ne, %convert_element_type3A_749, %cond3A_750 : i32
      scf.if %cond3A_751 {
        %add3A_770 = arith.constant 2 : i32
        %add3A_771 = arith.addi %add3A_731, %add3A_770 : i32
        %mul3A_772 = arith.constant 80 : i32
        %mul3A_773 = arith.muli %add3A_771, %mul3A_772 : i32
        %add3A_774 = arith.addi %mul3A_6, %mul3A_773 : i32
        %dma_start3A_775 = tpu.memref_slice %arg3[%add3A_774] : memref<320000xi32, #tpu.memory_space<hbm>> -> memref<80xi32, #tpu.memory_space<hbm>>
        %dma_start3A_776 = tpu.memref_slice %arg3[%add3A_774] : memref<320000xi32, #tpu.memory_space<hbm>> -> memref<80xi32, #tpu.memory_space<hbm>>
        tpu.enqueue_dma source(%dma_start3A_776 : memref<80xi32, #tpu.memory_space<hbm>>) target(%arg8 : memref<80xi32, #tpu.memory_space<vmem>>) target_semaphore(%arg19 : memref<!tpu.dma_semaphore, #tpu.memory_space<semaphore_mem>>)
      } else {
      }
      %parallel_loop3A_752 = arith.constant 0 : i32
      %parallel_loop3A_753 = arith.constant 80 : i32
      %parallel_loop3A_754 = arith.constant 1 : i32
      scf.for %parallel_loop3A_770 = %parallel_loop3A_752 to %parallel_loop3A_753 step %parallel_loop3A_754  : i32 {
        %parallel_loop3A_771 = arith.index_cast %parallel_loop3A_770 : i32 to index
        %parallel_loop3A_772 = arith.constant 0 : index
        %parallel_loop3A_773 = tpu.vector_load %arg12[%parallel_loop3A_771, %parallel_loop3A_772] {strides = array<i32>} : memref<80x128xbf16, #tpu.memory_space<vmem>>, vector<32xbf16>,
        %parallel_loop3A_774 = vector.bitcast %parallel_loop3A_773 : vector<32xbf16> to vector<16xi32>
        %parallel_loop3A_775 = arith.constant 16 : i32
        %parallel_loop3A_776 = vector.broadcast %parallel_loop3A_775 : i32 to vector<16xi32>
        %parallel_loop3A_777 = arith.shli %parallel_loop3A_774, %parallel_loop3A_776 : vector<16xi32>
        %parallel_loop3A_778 = vector.bitcast %parallel_loop3A_777 : vector<16xi32> to vector<16xf32>
        %parallel_loop3A_779 = arith.constant -65536 : i32
        %parallel_loop3A_780 = vector.broadcast %parallel_loop3A_779 : i32 to vector<16xi32>
        %parallel_loop3A_781 = arith.andi %parallel_loop3A_774, %parallel_loop3A_780 : vector<16xi32>
        %parallel_loop3A_782 = vector.bitcast %parallel_loop3A_781 : vector<16xi32> to vector<16xf32>
        %parallel_loop3A_783 = arith.index_cast %parallel_loop3A_770 : i32 to index
        %parallel_loop3A_784 = arith.constant 0 : index
        %parallel_loop3A_785 = tpu.vector_load %arg14[%parallel_loop3A_783, %parallel_loop3A_784] {strides = array<i32>} : memref<80x144xf32, #tpu.memory_space<vmem>>, vector<16xf32>,
        tpu.vector_store %arg14[%parallel_loop3A_783, %parallel_loop3A_784], %parallel_loop3A_778 {strides = array<i32>} : memref<80x144xf32, #tpu.memory_space<vmem>>, vector<16xf32>,
        %parallel_loop3A_786 = arith.index_cast %parallel_loop3A_770 : i32 to index
        %parallel_loop3A_787 = arith.constant 16 : index
        %parallel_loop3A_788 = tpu.vector_load %arg14[%parallel_loop3A_786, %parallel_loop3A_787] {strides = array<i32>} : memref<80x144xf32, #tpu.memory_space<vmem>>, vector<16xf32>,
        tpu.vector_store %arg14[%parallel_loop3A_786, %parallel_loop3A_787], %parallel_loop3A_782 {strides = array<i32>} : memref<80x144xf32, #tpu.memory_space<vmem>>, vector<16xf32>,
        %parallel_loop3A_789 = arith.index_cast %parallel_loop3A_770 : i32 to index
        %parallel_loop3A_790 = arith.constant 32 : index
        %parallel_loop3A_791 = tpu.vector_load %arg12[%parallel_loop3A_789, %parallel_loop3A_790] {strides = array<i32>} : memref<80x128xbf16, #tpu.memory_space<vmem>>, vector<32xbf16>,
        %parallel_loop3A_792 = vector.bitcast %parallel_loop3A_791 : vector<32xbf16> to vector<16xi32>
        %parallel_loop3A_793 = arith.constant 16 : i32
        %parallel_loop3A_794 = vector.broadcast %parallel_loop3A_793 : i32 to vector<16xi32>
        %parallel_loop3A_795 = arith.shli %parallel_loop3A_792, %parallel_loop3A_794 : vector<16xi32>
        %parallel_loop3A_796 = vector.bitcast %parallel_loop3A_795 : vector<16xi32> to vector<16xf32>
        %parallel_loop3A_797 = arith.constant -65536 : i32
        %parallel_loop3A_798 = vector.broadcast %parallel_loop3A_797 : i32 to vector<16xi32>
        %parallel_loop3A_799 = arith.andi %parallel_loop3A_792, %parallel_loop3A_798 : vector<16xi32>
        %parallel_loop3A_800 = vector.bitcast %parallel_loop3A_799 : vector<16xi32> to vector<16xf32>
        %parallel_loop3A_801 = arith.index_cast %parallel_loop3A_770 : i32 to index
        %parallel_loop3A_802 = arith.constant 32 : index
        %parallel_loop3A_803 = tpu.vector_load %arg14[%parallel_loop3A_801, %parallel_loop3A_802] {strides = array<i32>} : memref<80x144xf32, #tpu.memory_space<vmem>>, vector<16xf32>,
        tpu.vector_store %arg14[%parallel_loop3A_801, %parallel_loop3A_802], %parallel_loop3A_796 {strides = array<i32>} : memref<80x144xf32, #tpu.memory_space<vmem>>, vector<16xf32>,
        %parallel_loop3A_804 = arith.index_cast %parallel_loop3A_770 : i32 to index
        %parallel_loop3A_805 = arith.constant 48 : index
        %parallel_loop3A_806 = tpu.vector_load %arg14[%parallel_loop3A_804, %parallel_loop3A_805] {strides = array<i32>} : memref<80x144xf32, #tpu.memory_space<vmem>>, vector<16xf32>,
        tpu.vector_store %arg14[%parallel_loop3A_804, %parallel_loop3A_805], %parallel_loop3A_800 {strides = array<i32>} : memref<80x144xf32, #tpu.memory_space<vmem>>, vector<16xf32>,
        %parallel_loop3A_807 = arith.index_cast %parallel_loop3A_770 : i32 to index
        %parallel_loop3A_808 = arith.constant 64 : index
        %parallel_loop3A_809 = tpu.vector_load %arg12[%parallel_loop3A_807, %parallel_loop3A_808] {strides = array<i32>} : memref<80x128xbf16, #tpu.memory_space<vmem>>, vector<32xbf16>,
        %parallel_loop3A_810 = vector.bitcast %parallel_loop3A_809 : vector<32xbf16> to vector<16xi32>
        %parallel_loop3A_811 = arith.constant 16 : i32
        %parallel_loop3A_812 = vector.broadcast %parallel_loop3A_811 : i32 to vector<16xi32>
        %parallel_loop3A_813 = arith.shli %parallel_loop3A_810, %parallel_loop3A_812 : vector<16xi32>
        %parallel_loop3A_814 = vector.bitcast %parallel_loop3A_813 : vector<16xi32> to vector<16xf32>
        %parallel_loop3A_815 = arith.constant -65536 : i32
        %parallel_loop3A_816 = vector.broadcast %parallel_loop3A_815 : i32 to vector<16xi32>
        %parallel_loop3A_817 = arith.andi %parallel_loop3A_810, %parallel_loop3A_816 : vector<16xi32>
        %parallel_loop3A_818 = vector.bitcast %parallel_loop3A_817 : vector<16xi32> to vector<16xf32>
        %parallel_loop3A_819 = arith.index_cast %parallel_loop3A_770 : i32 to index
        %parallel_loop3A_820 = arith.constant 64 : index
        %parallel_loop3A_821 = tpu.vector_load %arg14[%parallel_loop3A_819, %parallel_loop3A_820] {strides = array<i32>} : memref<80x144xf32, #tpu.memory_space<vmem>>, vector<16xf32>,
        tpu.vector_store %arg14[%parallel_loop3A_819, %parallel_loop3A_820], %parallel_loop3A_814 {strides = array<i32>} : memref<80x144xf32, #tpu.memory_space<vmem>>, vector<16xf32>,
        %parallel_loop3A_822 = arith.index_cast %parallel_loop3A_770 : i32 to index
        %parallel_loop3A_823 = arith.constant 80 : index
        %parallel_loop3A_824 = tpu.vector_load %arg14[%parallel_loop3A_822, %parallel_loop3A_823] {strides = array<i32>} : memref<80x144xf32, #tpu.memory_space<vmem>>, vector<16xf32>,
        tpu.vector_store %arg14[%parallel_loop3A_822, %parallel_loop3A_823], %parallel_loop3A_818 {strides = array<i32>} : memref<80x144xf32, #tpu.memory_space<vmem>>, vector<16xf32>,
        %parallel_loop3A_825 = arith.index_cast %parallel_loop3A_770 : i32 to index
        %parallel_loop3A_826 = arith.constant 96 : index
        %parallel_loop3A_827 = tpu.vector_load %arg12[%parallel_loop3A_825, %parallel_loop3A_826] {strides = array<i32>} : memref<80x128xbf16, #tpu.memory_space<vmem>>, vector<32xbf16>,
        %parallel_loop3A_828 = vector.bitcast %parallel_loop3A_827 : vector<32xbf16> to vector<16xi32>
        %parallel_loop3A_829 = arith.constant 16 : i32
        %parallel_loop3A_830 = vector.broadcast %parallel_loop3A_829 : i32 to vector<16xi32>
        %parallel_loop3A_831 = arith.shli %parallel_loop3A_828, %parallel_loop3A_830 : vector<16xi32>
        %parallel_loop3A_832 = vector.bitcast %parallel_loop3A_831 : vector<16xi32> to vector<16xf32>
        %parallel_loop3A_833 = arith.constant -65536 : i32
        %parallel_loop3A_834 = vector.broadcast %parallel_loop3A_833 : i32 to vector<16xi32>
        %parallel_loop3A_835 = arith.andi %parallel_loop3A_828, %parallel_loop3A_834 : vector<16xi32>
        %parallel_loop3A_836 = vector.bitcast %parallel_loop3A_835 : vector<16xi32> to vector<16xf32>
        %parallel_loop3A_837 = arith.index_cast %parallel_loop3A_770 : i32 to index
        %parallel_loop3A_838 = arith.constant 96 : index
        %parallel_loop3A_839 = tpu.vector_load %arg14[%parallel_loop3A_837, %parallel_loop3A_838] {strides = array<i32>} : memref<80x144xf32, #tpu.memory_space<vmem>>, vector<16xf32>,
        tpu.vector_store %arg14[%parallel_loop3A_837, %parallel_loop3A_838], %parallel_loop3A_832 {strides = array<i32>} : memref<80x144xf32, #tpu.memory_space<vmem>>, vector<16xf32>,
        %parallel_loop3A_840 = arith.index_cast %parallel_loop3A_770 : i32 to index
        %parallel_loop3A_841 = arith.constant 112 : index
        %parallel_loop3A_842 = tpu.vector_load %arg14[%parallel_loop3A_840, %parallel_loop3A_841] {strides = array<i32>} : memref<80x144xf32, #tpu.memory_space<vmem>>, vector<16xf32>,
        tpu.vector_store %arg14[%parallel_loop3A_840, %parallel_loop3A_841], %parallel_loop3A_836 {strides = array<i32>} : memref<80x144xf32, #tpu.memory_space<vmem>>, vector<16xf32>,
      } {sc.loop_unroll_factor = 1 : i64, sc.parallel_access}
      %mul3A_755 = arith.constant 80 : i32
      %mul3A_756 = arith.muli %add3A_731, %mul3A_755 : i32
      %add3A_757 = arith.addi %mul3A_6, %mul3A_756 : i32
      %dma_wait3A_758 = tpu.memref_slice %arg4[%add3A_757] : memref<320000xi32, #tpu.memory_space<hbm>> -> memref<80xi32, #tpu.memory_space<hbm>>
      %dma_wait3A_759 = tpu.memref_slice %arg4[%add3A_757] : memref<320000xi32, #tpu.memory_space<hbm>> -> memref<80xi32, #tpu.memory_space<hbm>>
      tpu.wait_dma2 semaphore(%arg21 : memref<!tpu.dma_semaphore, #tpu.memory_space<semaphore_mem>>) src(%dma_wait3A_759 : memref<80xi32, #tpu.memory_space<hbm>>) dst(%arg10 : memref<80xi32, #tpu.memory_space<vmem>>)
      %dma_start3A_760 = arith.constant 0 : i32
      %dma_start3A_761 = arith.constant 0 : i32
      %dma_start3A_762 = tpu.memref_slice %arg15[%dma_start3A_760, %dma_start3A_761] : memref<10000x144xf32, #tpu.memory_space<vmem_shared>> -> memref<10000x144xf32, #tpu.memory_space<vmem_shared>>
      tpu.enqueue_indirect_dma source(%arg14 : memref<80x144xf32, #tpu.memory_space<vmem>>) target(%dma_start3A_762 : memref<10000x144xf32, #tpu.memory_space<vmem_shared>>) offsets(%arg10 : memref<80xi32, #tpu.memory_space<vmem>>) semaphore(%arg23 : memref<!tpu.dma_semaphore, #tpu.memory_space<semaphore_mem>>) {add = true}
      %add3A_763 = arith.constant 2 : i32
      %add3A_764 = arith.addi %add3A_731, %add3A_763 : i32
      %lt3A_765 = arith.constant 125 : i32
      %lt3A_766 = arith.cmpi slt, %add3A_764, %lt3A_765 : i32
      %convert_element_type3A_767 = arith.extui %lt3A_766 : i1 to i32
      %cond3A_768 = arith.constant 0 : i32
      %cond3A_769 = arith.cmpi ne, %convert_element_type3A_767, %cond3A_768 : i32
      scf.if %cond3A_769 {
        %add3A_770 = arith.constant 2 : i32
        %add3A_771 = arith.addi %add3A_731, %add3A_770 : i32
        %mul3A_772 = arith.constant 80 : i32
        %mul3A_773 = arith.muli %add3A_771, %mul3A_772 : i32
        %add3A_774 = arith.addi %mul3A_6, %mul3A_773 : i32
        %dma_wait3A_775 = tpu.memref_slice %arg3[%add3A_774] : memref<320000xi32, #tpu.memory_space<hbm>> -> memref<80xi32, #tpu.memory_space<hbm>>
        %dma_wait3A_776 = tpu.memref_slice %arg3[%add3A_774] : memref<320000xi32, #tpu.memory_space<hbm>> -> memref<80xi32, #tpu.memory_space<hbm>>
        tpu.wait_dma2 semaphore(%arg19 : memref<!tpu.dma_semaphore, #tpu.memory_space<semaphore_mem>>) src(%dma_wait3A_776 : memref<80xi32, #tpu.memory_space<hbm>>) dst(%arg8 : memref<80xi32, #tpu.memory_space<vmem>>)
        %dma_start3A_777 = arith.constant 0 : i32
        %dma_start3A_778 = arith.constant 0 : i32
        %dma_start3A_779 = tpu.memref_slice %arg2[%dma_start3A_777, %dma_start3A_778] : memref<10000x128xbf16, #tpu.memory_space<hbm>> -> memref<10000x128xbf16, #tpu.memory_space<hbm>>
        tpu.enqueue_indirect_dma source(%dma_start3A_779 : memref<10000x128xbf16, #tpu.memory_space<hbm>>) target(%arg12 : memref<80x128xbf16, #tpu.memory_space<vmem>>) offsets(%arg8 : memref<80xi32, #tpu.memory_space<vmem>>) semaphore(%arg17 : memref<!tpu.dma_semaphore, #tpu.memory_space<semaphore_mem>>)
      } else {
      }
    }
    %scan3A_661 = arith.constant 62 : i32
    %dma_wait3A = arith.constant 0 : i32
    %dma_wait3A_662 = arith.constant 0 : i32
    %dma_wait3A_663 = tpu.memref_slice %arg15[%dma_wait3A, %dma_wait3A_662] : memref<10000x144xf32, #tpu.memory_space<vmem_shared>> -> memref<10000x144xf32, #tpu.memory_space<vmem_shared>>
    tpu.wait_indirect_dma semaphore(%arg22 : memref<!tpu.dma_semaphore, #tpu.memory_space<semaphore_mem>>) src(%arg13 : memref<80x144xf32, #tpu.memory_space<vmem>>) dst(%dma_wait3A_663 : memref<10000x144xf32, #tpu.memory_space<vmem_shared>>)
    %add3A_664 = arith.constant 9920 : i32
    %add3A_665 = arith.addi %mul3A_6, %add3A_664 : i32
    %dma_start3A_666 = tpu.memref_slice %arg4[%add3A_665] : memref<320000xi32, #tpu.memory_space<hbm>> -> memref<80xi32, #tpu.memory_space<hbm>>
    %dma_start3A_667 = tpu.memref_slice %arg4[%add3A_665] : memref<320000xi32, #tpu.memory_space<hbm>> -> memref<80xi32, #tpu.memory_space<hbm>>
    tpu.enqueue_dma source(%dma_start3A_667 : memref<80xi32, #tpu.memory_space<hbm>>) target(%arg9 : memref<80xi32, #tpu.memory_space<vmem>>) target_semaphore(%arg20 : memref<!tpu.dma_semaphore, #tpu.memory_space<semaphore_mem>>)
    %dma_wait3A_668 = arith.constant 0 : i32
    %dma_wait3A_669 = arith.constant 0 : i32
    %dma_wait3A_670 = tpu.memref_slice %arg2[%dma_wait3A_668, %dma_wait3A_669] : memref<10000x128xbf16, #tpu.memory_space<hbm>> -> memref<10000x128xbf16, #tpu.memory_space<hbm>>
    tpu.wait_indirect_dma semaphore(%arg16 : memref<!tpu.dma_semaphore, #tpu.memory_space<semaphore_mem>>) src(%dma_wait3A_670 : memref<10000x128xbf16, #tpu.memory_space<hbm>>) dst(%arg11 : memref<80x128xbf16, #tpu.memory_space<vmem>>)
    %parallel_loop3A = arith.constant 0 : i32
    %parallel_loop3A_671 = arith.constant 80 : i32
    %parallel_loop3A_672 = arith.constant 1 : i32
    scf.for %parallel_loop3A_691 = %parallel_loop3A to %parallel_loop3A_671 step %parallel_loop3A_672  : i32 {
      %parallel_loop3A_692 = arith.index_cast %parallel_loop3A_691 : i32 to index
      %parallel_loop3A_693 = arith.constant 0 : index
      %parallel_loop3A_694 = tpu.vector_load %arg11[%parallel_loop3A_692, %parallel_loop3A_693] {strides = array<i32>} : memref<80x128xbf16, #tpu.memory_space<vmem>>, vector<32xbf16>,
      %parallel_loop3A_695 = vector.bitcast %parallel_loop3A_694 : vector<32xbf16> to vector<16xi32>
      %parallel_loop3A_696 = arith.constant 16 : i32
      %parallel_loop3A_697 = vector.broadcast %parallel_loop3A_696 : i32 to vector<16xi32>
      %parallel_loop3A_698 = arith.shli %parallel_loop3A_695, %parallel_loop3A_697 : vector<16xi32>
      %parallel_loop3A_699 = vector.bitcast %parallel_loop3A_698 : vector<16xi32> to vector<16xf32>
      %parallel_loop3A_700 = arith.constant -65536 : i32
      %parallel_loop3A_701 = vector.broadcast %parallel_loop3A_700 : i32 to vector<16xi32>
      %parallel_loop3A_702 = arith.andi %parallel_loop3A_695, %parallel_loop3A_701 : vector<16xi32>
      %parallel_loop3A_703 = vector.bitcast %parallel_loop3A_702 : vector<16xi32> to vector<16xf32>
      %parallel_loop3A_704 = arith.index_cast %parallel_loop3A_691 : i32 to index
      %parallel_loop3A_705 = arith.constant 0 : index
      %parallel_loop3A_706 = tpu.vector_load %arg13[%parallel_loop3A_704, %parallel_loop3A_705] {strides = array<i32>} : memref<80x144xf32, #tpu.memory_space<vmem>>, vector<16xf32>,
      tpu.vector_store %arg13[%parallel_loop3A_704, %parallel_loop3A_705], %parallel_loop3A_699 {strides = array<i32>} : memref<80x144xf32, #tpu.memory_space<vmem>>, vector<16xf32>,
      %parallel_loop3A_707 = arith.index_cast %parallel_loop3A_691 : i32 to index
      %parallel_loop3A_708 = arith.constant 16 : index
      %parallel_loop3A_709 = tpu.vector_load %arg13[%parallel_loop3A_707, %parallel_loop3A_708] {strides = array<i32>} : memref<80x144xf32, #tpu.memory_space<vmem>>, vector<16xf32>,
      tpu.vector_store %arg13[%parallel_loop3A_707, %parallel_loop3A_708], %parallel_loop3A_703 {strides = array<i32>} : memref<80x144xf32, #tpu.memory_space<vmem>>, vector<16xf32>,
      %parallel_loop3A_710 = arith.index_cast %parallel_loop3A_691 : i32 to index
      %parallel_loop3A_711 = arith.constant 32 : index
      %parallel_loop3A_712 = tpu.vector_load %arg11[%parallel_loop3A_710, %parallel_loop3A_711] {strides = array<i32>} : memref<80x128xbf16, #tpu.memory_space<vmem>>, vector<32xbf16>,
      %parallel_loop3A_713 = vector.bitcast %parallel_loop3A_712 : vector<32xbf16> to vector<16xi32>
      %parallel_loop3A_714 = arith.constant 16 : i32
      %parallel_loop3A_715 = vector.broadcast %parallel_loop3A_714 : i32 to vector<16xi32>
      %parallel_loop3A_716 = arith.shli %parallel_loop3A_713, %parallel_loop3A_715 : vector<16xi32>
      %parallel_loop3A_717 = vector.bitcast %parallel_loop3A_716 : vector<16xi32> to vector<16xf32>
      %parallel_loop3A_718 = arith.constant -65536 : i32
      %parallel_loop3A_719 = vector.broadcast %parallel_loop3A_718 : i32 to vector<16xi32>
      %parallel_loop3A_720 = arith.andi %parallel_loop3A_713, %parallel_loop3A_719 : vector<16xi32>
      %parallel_loop3A_721 = vector.bitcast %parallel_loop3A_720 : vector<16xi32> to vector<16xf32>
      %parallel_loop3A_722 = arith.index_cast %parallel_loop3A_691 : i32 to index
      %parallel_loop3A_723 = arith.constant 32 : index
      %parallel_loop3A_724 = tpu.vector_load %arg13[%parallel_loop3A_722, %parallel_loop3A_723] {strides = array<i32>} : memref<80x144xf32, #tpu.memory_space<vmem>>, vector<16xf32>,
      tpu.vector_store %arg13[%parallel_loop3A_722, %parallel_loop3A_723], %parallel_loop3A_717 {strides = array<i32>} : memref<80x144xf32, #tpu.memory_space<vmem>>, vector<16xf32>,
      %parallel_loop3A_725 = arith.index_cast %parallel_loop3A_691 : i32 to index
      %parallel_loop3A_726 = arith.constant 48 : index
      %parallel_loop3A_727 = tpu.vector_load %arg13[%parallel_loop3A_725, %parallel_loop3A_726] {strides = array<i32>} : memref<80x144xf32, #tpu.memory_space<vmem>>, vector<16xf32>,
      tpu.vector_store %arg13[%parallel_loop3A_725, %parallel_loop3A_726], %parallel_loop3A_721 {strides = array<i32>} : memref<80x144xf32, #tpu.memory_space<vmem>>, vector<16xf32>,
      %parallel_loop3A_728 = arith.index_cast %parallel_loop3A_691 : i32 to index
      %parallel_loop3A_729 = arith.constant 64 : index
      %parallel_loop3A_730 = tpu.vector_load %arg11[%parallel_loop3A_728, %parallel_loop3A_729] {strides = array<i32>} : memref<80x128xbf16, #tpu.memory_space<vmem>>, vector<32xbf16>,
      %parallel_loop3A_731 = vector.bitcast %parallel_loop3A_730 : vector<32xbf16> to vector<16xi32>
      %parallel_loop3A_732 = arith.constant 16 : i32
      %parallel_loop3A_733 = vector.broadcast %parallel_loop3A_732 : i32 to vector<16xi32>
      %parallel_loop3A_734 = arith.shli %parallel_loop3A_731, %parallel_loop3A_733 : vector<16xi32>
      %parallel_loop3A_735 = vector.bitcast %parallel_loop3A_734 : vector<16xi32> to vector<16xf32>
      %parallel_loop3A_736 = arith.constant -65536 : i32
      %parallel_loop3A_737 = vector.broadcast %parallel_loop3A_736 : i32 to vector<16xi32>
      %parallel_loop3A_738 = arith.andi %parallel_loop3A_731, %parallel_loop3A_737 : vector<16xi32>
      %parallel_loop3A_739 = vector.bitcast %parallel_loop3A_738 : vector<16xi32> to vector<16xf32>
      %parallel_loop3A_740 = arith.index_cast %parallel_loop3A_691 : i32 to index
      %parallel_loop3A_741 = arith.constant 64 : index
      %parallel_loop3A_742 = tpu.vector_load %arg13[%parallel_loop3A_740, %parallel_loop3A_741] {strides = array<i32>} : memref<80x144xf32, #tpu.memory_space<vmem>>, vector<16xf32>,
      tpu.vector_store %arg13[%parallel_loop3A_740, %parallel_loop3A_741], %parallel_loop3A_735 {strides = array<i32>} : memref<80x144xf32, #tpu.memory_space<vmem>>, vector<16xf32>,
      %parallel_loop3A_743 = arith.index_cast %parallel_loop3A_691 : i32 to index
      %parallel_loop3A_744 = arith.constant 80 : index
      %parallel_loop3A_745 = tpu.vector_load %arg13[%parallel_loop3A_743, %parallel_loop3A_744] {strides = array<i32>} : memref<80x144xf32, #tpu.memory_space<vmem>>, vector<16xf32>,
      tpu.vector_store %arg13[%parallel_loop3A_743, %parallel_loop3A_744], %parallel_loop3A_739 {strides = array<i32>} : memref<80x144xf32, #tpu.memory_space<vmem>>, vector<16xf32>,
      %parallel_loop3A_746 = arith.index_cast %parallel_loop3A_691 : i32 to index
      %parallel_loop3A_747 = arith.constant 96 : index
      %parallel_loop3A_748 = tpu.vector_load %arg11[%parallel_loop3A_746, %parallel_loop3A_747] {strides = array<i32>} : memref<80x128xbf16, #tpu.memory_space<vmem>>, vector<32xbf16>,
      %parallel_loop3A_749 = vector.bitcast %parallel_loop3A_748 : vector<32xbf16> to vector<16xi32>
      %parallel_loop3A_750 = arith.constant 16 : i32
      %parallel_loop3A_751 = vector.broadcast %parallel_loop3A_750 : i32 to vector<16xi32>
      %parallel_loop3A_752 = arith.shli %parallel_loop3A_749, %parallel_loop3A_751 : vector<16xi32>
      %parallel_loop3A_753 = vector.bitcast %parallel_loop3A_752 : vector<16xi32> to vector<16xf32>
      %parallel_loop3A_754 = arith.constant -65536 : i32
      %parallel_loop3A_755 = vector.broadcast %parallel_loop3A_754 : i32 to vector<16xi32>
      %parallel_loop3A_756 = arith.andi %parallel_loop3A_749, %parallel_loop3A_755 : vector<16xi32>
      %parallel_loop3A_757 = vector.bitcast %parallel_loop3A_756 : vector<16xi32> to vector<16xf32>
      %parallel_loop3A_758 = arith.index_cast %parallel_loop3A_691 : i32 to index
      %parallel_loop3A_759 = arith.constant 96 : index
      %parallel_loop3A_760 = tpu.vector_load %arg13[%parallel_loop3A_758, %parallel_loop3A_759] {strides = array<i32>} : memref<80x144xf32, #tpu.memory_space<vmem>>, vector<16xf32>,
      tpu.vector_store %arg13[%parallel_loop3A_758, %parallel_loop3A_759], %parallel_loop3A_753 {strides = array<i32>} : memref<80x144xf32, #tpu.memory_space<vmem>>, vector<16xf32>,
      %parallel_loop3A_761 = arith.index_cast %parallel_loop3A_691 : i32 to index
      %parallel_loop3A_762 = arith.constant 112 : index
      %parallel_loop3A_763 = tpu.vector_load %arg13[%parallel_loop3A_761, %parallel_loop3A_762] {strides = array<i32>} : memref<80x144xf32, #tpu.memory_space<vmem>>, vector<16xf32>,
      tpu.vector_store %arg13[%parallel_loop3A_761, %parallel_loop3A_762], %parallel_loop3A_757 {strides = array<i32>} : memref<80x144xf32, #tpu.memory_space<vmem>>, vector<16xf32>,
    } {sc.loop_unroll_factor = 1 : i64, sc.parallel_access}
    %add3A_673 = arith.constant 9920 : i32
    %add3A_674 = arith.addi %mul3A_6, %add3A_673 : i32
    %dma_wait3A_675 = tpu.memref_slice %arg4[%add3A_674] : memref<320000xi32, #tpu.memory_space<hbm>> -> memref<80xi32, #tpu.memory_space<hbm>>
    %dma_wait3A_676 = tpu.memref_slice %arg4[%add3A_674] : memref<320000xi32, #tpu.memory_space<hbm>> -> memref<80xi32, #tpu.memory_space<hbm>>
    tpu.wait_dma2 semaphore(%arg20 : memref<!tpu.dma_semaphore, #tpu.memory_space<semaphore_mem>>) src(%dma_wait3A_676 : memref<80xi32, #tpu.memory_space<hbm>>) dst(%arg9 : memref<80xi32, #tpu.memory_space<vmem>>)
    %dma_start3A_677 = arith.constant 0 : i32
    %dma_start3A_678 = arith.constant 0 : i32
    %dma_start3A_679 = tpu.memref_slice %arg15[%dma_start3A_677, %dma_start3A_678] : memref<10000x144xf32, #tpu.memory_space<vmem_shared>> -> memref<10000x144xf32, #tpu.memory_space<vmem_shared>>
    tpu.enqueue_indirect_dma source(%arg13 : memref<80x144xf32, #tpu.memory_space<vmem>>) target(%dma_start3A_679 : memref<10000x144xf32, #tpu.memory_space<vmem_shared>>) offsets(%arg9 : memref<80xi32, #tpu.memory_space<vmem>>) semaphore(%arg22 : memref<!tpu.dma_semaphore, #tpu.memory_space<semaphore_mem>>) {add = true}
    %dma_wait3A_680 = arith.constant 0 : i32
    %dma_wait3A_681 = arith.constant 0 : i32
    %dma_wait3A_682 = tpu.memref_slice %arg15[%dma_wait3A_680, %dma_wait3A_681] : memref<10000x144xf32, #tpu.memory_space<vmem_shared>> -> memref<10000x144xf32, #tpu.memory_space<vmem_shared>>
    tpu.wait_indirect_dma semaphore(%arg22 : memref<!tpu.dma_semaphore, #tpu.memory_space<semaphore_mem>>) src(%arg13 : memref<80x144xf32, #tpu.memory_space<vmem>>) dst(%dma_wait3A_682 : memref<10000x144xf32, #tpu.memory_space<vmem_shared>>)
    %dma_wait3A_683 = arith.constant 0 : i32
    %dma_wait3A_684 = arith.constant 0 : i32
    %dma_wait3A_685 = tpu.memref_slice %arg15[%dma_wait3A_683, %dma_wait3A_684] : memref<10000x144xf32, #tpu.memory_space<vmem_shared>> -> memref<10000x144xf32, #tpu.memory_space<vmem_shared>>
    tpu.wait_indirect_dma semaphore(%arg23 : memref<!tpu.dma_semaphore, #tpu.memory_space<semaphore_mem>>) src(%arg14 : memref<80x144xf32, #tpu.memory_space<vmem>>) dst(%dma_wait3A_685 : memref<10000x144xf32, #tpu.memory_space<vmem_shared>>)
    %barrier3A_686 = arith.constant 0 : index
    tpu.barrier barrier_id(%barrier3A_686)
    %mul3A_687 = arith.constant 625 : i32
    %mul3A_688 = arith.muli %arg1, %mul3A_687 : i32
    %mul3A_689 = arith.constant 625 : i32
    %mul3A_690 = arith.muli %arg1, %mul3A_689 : i32
    "tpu.region"() ({
      %run_scoped3A = tpu.sem_alloc : memref<!tpu.dma_semaphore, #tpu.memory_space<semaphore_mem>>
      %dma_start3A_691 = arith.constant 0 : i32
      %dma_start3A_692 = tpu.memref_slice %arg6[%arg0, %mul3A_690, %dma_start3A_691] : memref<2x10000x144xf32, #tpu.memory_space<hbm>> -> memref<1x625x144xf32, #tpu.memory_space<hbm>>
      %dma_start3A_693 = tpu.memref_squeeze %dma_start3A_692 : memref<1x625x144xf32, #tpu.memory_space<hbm>> -> memref<625x144xf32, #tpu.memory_space<hbm>>
      %dma_start3A_694 = arith.constant 0 : i32
      %dma_start3A_695 = tpu.memref_slice %arg15[%mul3A_688, %dma_start3A_694] : memref<10000x144xf32, #tpu.memory_space<vmem_shared>> -> memref<625x144xf32, #tpu.memory_space<vmem_shared>>
      tpu.enqueue_dma source(%dma_start3A_695 : memref<625x144xf32, #tpu.memory_space<vmem_shared>>) target(%dma_start3A_693 : memref<625x144xf32, #tpu.memory_space<hbm>>) target_semaphore(%run_scoped3A : memref<!tpu.dma_semaphore, #tpu.memory_space<semaphore_mem>>)
      %dma_wait3A_696 = arith.constant 0 : i32
      %dma_wait3A_697 = tpu.memref_slice %arg6[%arg0, %mul3A_690, %dma_wait3A_696] : memref<2x10000x144xf32, #tpu.memory_space<hbm>> -> memref<1x625x144xf32, #tpu.memory_space<hbm>>
      %dma_wait3A_698 = tpu.memref_squeeze %dma_wait3A_697 : memref<1x625x144xf32, #tpu.memory_space<hbm>> -> memref<625x144xf32, #tpu.memory_space<hbm>>
      %dma_wait3A_699 = arith.constant 0 : i32
      %dma_wait3A_700 = tpu.memref_slice %arg15[%mul3A_688, %dma_wait3A_699] : memref<10000x144xf32, #tpu.memory_space<vmem_shared>> -> memref<625x144xf32, #tpu.memory_space<vmem_shared>>
      tpu.wait_dma2 semaphore(%run_scoped3A : memref<!tpu.dma_semaphore, #tpu.memory_space<semaphore_mem>>) src(%dma_wait3A_700 : memref<625x144xf32, #tpu.memory_space<vmem_shared>>) dst(%dma_wait3A_698 : memref<625x144xf32, #tpu.memory_space<hbm>>)
      tpu.yield
    }) : () -> ()
    return
  }
}

#map = affine_map<(d0, d1) -> (0, 0)>
#map1 = affine_map<(d0, d1) -> (0)>
#map2 = affine_map<(d0, d1) -> (0, 0, 0)>
module attributes {stable_mosaic.version = 14 : i64} {
  func.func @stage(%arg0: i32, %arg1: i32, %arg2: memref<10000x128xbf16, #tpu.memory_space<hbm>>, %arg3: memref<320000xi32, #tpu.memory_space<hbm>>, %arg4: memref<320000xi32, #tpu.memory_space<hbm>>, %arg5: memref<10000x128xf32, #tpu.memory_space<hbm>>, %arg6: memref<2x10000x128xf32, #tpu.memory_space<hbm>>, %arg7: memref<80xi32, #tpu.memory_space<vmem>>, %arg8: memref<80xi32, #tpu.memory_space<vmem>>, %arg9: memref<80xi32, #tpu.memory_space<vmem>>, %arg10: memref<80xi32, #tpu.memory_space<vmem>>, %arg11: memref<80x128xbf16, #tpu.memory_space<vmem>>, %arg12: memref<80x128xbf16, #tpu.memory_space<vmem>>, %arg13: memref<80x128xf32, #tpu.memory_space<vmem>>, %arg14: memref<80x128xf32, #tpu.memory_space<vmem>>, %arg15: memref<10000x128xf32, #tpu.memory_space<vmem_shared>>, %arg16: memref<!tpu.dma_semaphore, #tpu.memory_space<semaphore_mem>>, %arg17: memref<!tpu.dma_semaphore, #tpu.memory_space<semaphore_mem>>, %arg18: memref<!tpu.dma_semaphore, #tpu.memory_space<semaphore_mem>>, %arg19: memref<!tpu.dma_semaphore, #tpu.memory_space<semaphore_mem>>, %arg20: memref<!tpu.dma_semaphore, #tpu.memory_space<semaphore_mem>>, %arg21: memref<!tpu.dma_semaphore, #tpu.memory_space<semaphore_mem>>, %arg22: memref<!tpu.dma_semaphore, #tpu.memory_space<semaphore_mem>>, %arg23: memref<!tpu.dma_semaphore, #tpu.memory_space<semaphore_mem>>) attributes {dimension_semantics = [#tpu.dimension_semantics<core_parallel>, #tpu.dimension_semantics<subcore_parallel>], iteration_bounds = array<i64: 2, 16>, scalar_prefetch = 0 : i64, scratch_operands = 17 : i64, tpu.core_type = #tpu.core_type<sc_vector_subcore>, window_params = [{transform_indices = #map}, {transform_indices = #map1}, {transform_indices = #map1}, {transform_indices = #map}, {transform_indices = #map2}]} {
    %mul3A = arith.constant 16 : i32
    %mul3A_0 = arith.muli %arg0, %mul3A : i32
    %add3A = arith.addi %mul3A_0, %arg1 : i32
    %mul3A_1 = arith.constant 625 : i32
    %mul3A_2 = arith.muli %arg1, %mul3A_1 : i32
    %mul3A_3 = arith.constant 625 : i32
    %mul3A_4 = arith.muli %arg1, %mul3A_3 : i32
    "tpu.region"() ({
      %run_scoped3A = tpu.sem_alloc : memref<!tpu.dma_semaphore, #tpu.memory_space<semaphore_mem>>
      %dma_start3A_48 = arith.constant 0 : i32
      %dma_start3A_49 = tpu.memref_slice %arg15[%mul3A_4, %dma_start3A_48] : memref<10000x128xf32, #tpu.memory_space<vmem_shared>> -> memref<625x128xf32, #tpu.memory_space<vmem_shared>>
      %dma_start3A_50 = arith.constant 0 : i32
      %dma_start3A_51 = tpu.memref_slice %arg5[%mul3A_2, %dma_start3A_50] : memref<10000x128xf32, #tpu.memory_space<hbm>> -> memref<625x128xf32, #tpu.memory_space<hbm>>
      tpu.enqueue_dma source(%dma_start3A_51 : memref<625x128xf32, #tpu.memory_space<hbm>>) target(%dma_start3A_49 : memref<625x128xf32, #tpu.memory_space<vmem_shared>>) target_semaphore(%run_scoped3A : memref<!tpu.dma_semaphore, #tpu.memory_space<semaphore_mem>>)
      %dma_wait3A_52 = arith.constant 0 : i32
      %dma_wait3A_53 = tpu.memref_slice %arg15[%mul3A_4, %dma_wait3A_52] : memref<10000x128xf32, #tpu.memory_space<vmem_shared>> -> memref<625x128xf32, #tpu.memory_space<vmem_shared>>
      %dma_wait3A_54 = arith.constant 0 : i32
      %dma_wait3A_55 = tpu.memref_slice %arg5[%mul3A_2, %dma_wait3A_54] : memref<10000x128xf32, #tpu.memory_space<hbm>> -> memref<625x128xf32, #tpu.memory_space<hbm>>
      tpu.wait_dma2 semaphore(%run_scoped3A : memref<!tpu.dma_semaphore, #tpu.memory_space<semaphore_mem>>) src(%dma_wait3A_55 : memref<625x128xf32, #tpu.memory_space<hbm>>) dst(%dma_wait3A_53 : memref<625x128xf32, #tpu.memory_space<vmem_shared>>)
      tpu.yield
    }) : () -> ()
    %mul3A_5 = arith.constant 10000 : i32
    %mul3A_6 = arith.muli %add3A, %mul3A_5 : i32
    %barrier3A = arith.constant 0 : index
    tpu.barrier barrier_id(%barrier3A)
    "tpu.region"() ({
      %run_scoped3A = tpu.sem_alloc : memref<!tpu.dma_semaphore, #tpu.memory_space<semaphore_mem>>
      %dma_start3A_48 = tpu.memref_slice %arg3[%mul3A_6] : memref<320000xi32, #tpu.memory_space<hbm>> -> memref<80xi32, #tpu.memory_space<hbm>>
      %dma_start3A_49 = tpu.memref_slice %arg3[%mul3A_6] : memref<320000xi32, #tpu.memory_space<hbm>> -> memref<80xi32, #tpu.memory_space<hbm>>
      tpu.enqueue_dma source(%dma_start3A_49 : memref<80xi32, #tpu.memory_space<hbm>>) target(%arg7 : memref<80xi32, #tpu.memory_space<vmem>>) target_semaphore(%run_scoped3A : memref<!tpu.dma_semaphore, #tpu.memory_space<semaphore_mem>>)
      %dma_wait3A_50 = tpu.memref_slice %arg3[%mul3A_6] : memref<320000xi32, #tpu.memory_space<hbm>> -> memref<80xi32, #tpu.memory_space<hbm>>
      %dma_wait3A_51 = tpu.memref_slice %arg3[%mul3A_6] : memref<320000xi32, #tpu.memory_space<hbm>> -> memref<80xi32, #tpu.memory_space<hbm>>
      tpu.wait_dma2 semaphore(%run_scoped3A : memref<!tpu.dma_semaphore, #tpu.memory_space<semaphore_mem>>) src(%dma_wait3A_51 : memref<80xi32, #tpu.memory_space<hbm>>) dst(%arg7 : memref<80xi32, #tpu.memory_space<vmem>>)
      tpu.yield
    }) : () -> ()
    %add3A_7 = arith.constant 80 : i32
    %add3A_8 = arith.addi %mul3A_6, %add3A_7 : i32
    "tpu.region"() ({
      %run_scoped3A = tpu.sem_alloc : memref<!tpu.dma_semaphore, #tpu.memory_space<semaphore_mem>>
      %dma_start3A_48 = tpu.memref_slice %arg3[%add3A_8] : memref<320000xi32, #tpu.memory_space<hbm>> -> memref<80xi32, #tpu.memory_space<hbm>>
      %dma_start3A_49 = tpu.memref_slice %arg3[%add3A_8] : memref<320000xi32, #tpu.memory_space<hbm>> -> memref<80xi32, #tpu.memory_space<hbm>>
      tpu.enqueue_dma source(%dma_start3A_49 : memref<80xi32, #tpu.memory_space<hbm>>) target(%arg8 : memref<80xi32, #tpu.memory_space<vmem>>) target_semaphore(%run_scoped3A : memref<!tpu.dma_semaphore, #tpu.memory_space<semaphore_mem>>)
      %dma_wait3A_50 = tpu.memref_slice %arg3[%add3A_8] : memref<320000xi32, #tpu.memory_space<hbm>> -> memref<80xi32, #tpu.memory_space<hbm>>
      %dma_wait3A_51 = tpu.memref_slice %arg3[%add3A_8] : memref<320000xi32, #tpu.memory_space<hbm>> -> memref<80xi32, #tpu.memory_space<hbm>>
      tpu.wait_dma2 semaphore(%run_scoped3A : memref<!tpu.dma_semaphore, #tpu.memory_space<semaphore_mem>>) src(%dma_wait3A_51 : memref<80xi32, #tpu.memory_space<hbm>>) dst(%arg8 : memref<80xi32, #tpu.memory_space<vmem>>)
      tpu.yield
    }) : () -> ()
    %dma_start3A = arith.constant 0 : i32
    %dma_start3A_9 = arith.constant 0 : i32
    %dma_start3A_10 = tpu.memref_slice %arg2[%dma_start3A, %dma_start3A_9] : memref<10000x128xbf16, #tpu.memory_space<hbm>> -> memref<10000x128xbf16, #tpu.memory_space<hbm>>
    tpu.enqueue_indirect_dma source(%dma_start3A_10 : memref<10000x128xbf16, #tpu.memory_space<hbm>>) target(%arg11 : memref<80x128xbf16, #tpu.memory_space<vmem>>) offsets(%arg7 : memref<80xi32, #tpu.memory_space<vmem>>) semaphore(%arg16 : memref<!tpu.dma_semaphore, #tpu.memory_space<semaphore_mem>>)
    %dma_start3A_11 = arith.constant 0 : i32
    %dma_start3A_12 = arith.constant 0 : i32
    %dma_start3A_13 = tpu.memref_slice %arg2[%dma_start3A_11, %dma_start3A_12] : memref<10000x128xbf16, #tpu.memory_space<hbm>> -> memref<10000x128xbf16, #tpu.memory_space<hbm>>
    tpu.enqueue_indirect_dma source(%dma_start3A_13 : memref<10000x128xbf16, #tpu.memory_space<hbm>>) target(%arg12 : memref<80x128xbf16, #tpu.memory_space<vmem>>) offsets(%arg8 : memref<80xi32, #tpu.memory_space<vmem>>) semaphore(%arg17 : memref<!tpu.dma_semaphore, #tpu.memory_space<semaphore_mem>>)
    %scan3A = arith.constant 0 : i32
    %scan3A_14 = arith.constant 0 : i32
    %scan3A_15 = arith.constant 62 : i32
    %scan3A_16 = arith.addi %scan3A_14, %scan3A_15 : i32
    %scan3A_17 = arith.constant 1 : i32
    scf.for %scan3A_48 = %scan3A_14 to %scan3A_16 step %scan3A_17  : i32 {
      %mul3A_49 = arith.constant 2 : i32
      %mul3A_50 = arith.muli %mul3A_49, %scan3A_48 : i32
      %gt3A = arith.constant 0 : i32
      %gt3A_51 = arith.cmpi sgt, %scan3A_48, %gt3A : i32
      %convert_element_type3A = arith.extui %gt3A_51 : i1 to i32
      %cond3A = arith.constant 0 : i32
      %cond3A_52 = arith.cmpi ne, %convert_element_type3A, %cond3A : i32
      scf.if %cond3A_52 {
        %dma_wait3A_127 = arith.constant 0 : i32
        %dma_wait3A_128 = arith.constant 0 : i32
        %dma_wait3A_129 = tpu.memref_slice %arg15[%dma_wait3A_127, %dma_wait3A_128] : memref<10000x128xf32, #tpu.memory_space<vmem_shared>> -> memref<10000x128xf32, #tpu.memory_space<vmem_shared>>
        tpu.wait_indirect_dma semaphore(%arg22 : memref<!tpu.dma_semaphore, #tpu.memory_space<semaphore_mem>>) src(%arg13 : memref<80x128xf32, #tpu.memory_space<vmem>>) dst(%dma_wait3A_129 : memref<10000x128xf32, #tpu.memory_space<vmem_shared>>)
      } else {
      }
      %mul3A_53 = arith.constant 80 : i32
      %mul3A_54 = arith.muli %mul3A_50, %mul3A_53 : i32
      %add3A_55 = arith.addi %mul3A_6, %mul3A_54 : i32
      %dma_start3A_56 = tpu.memref_slice %arg4[%add3A_55] : memref<320000xi32, #tpu.memory_space<hbm>> -> memref<80xi32, #tpu.memory_space<hbm>>
      %dma_start3A_57 = tpu.memref_slice %arg4[%add3A_55] : memref<320000xi32, #tpu.memory_space<hbm>> -> memref<80xi32, #tpu.memory_space<hbm>>
      tpu.enqueue_dma source(%dma_start3A_57 : memref<80xi32, #tpu.memory_space<hbm>>) target(%arg9 : memref<80xi32, #tpu.memory_space<vmem>>) target_semaphore(%arg20 : memref<!tpu.dma_semaphore, #tpu.memory_space<semaphore_mem>>)
      %dma_wait3A_58 = arith.constant 0 : i32
      %dma_wait3A_59 = arith.constant 0 : i32
      %dma_wait3A_60 = tpu.memref_slice %arg2[%dma_wait3A_58, %dma_wait3A_59] : memref<10000x128xbf16, #tpu.memory_space<hbm>> -> memref<10000x128xbf16, #tpu.memory_space<hbm>>
      tpu.wait_indirect_dma semaphore(%arg16 : memref<!tpu.dma_semaphore, #tpu.memory_space<semaphore_mem>>) src(%dma_wait3A_60 : memref<10000x128xbf16, #tpu.memory_space<hbm>>) dst(%arg11 : memref<80x128xbf16, #tpu.memory_space<vmem>>)
      %add3A_61 = arith.constant 2 : i32
      %add3A_62 = arith.addi %mul3A_50, %add3A_61 : i32
      %lt3A = arith.constant 125 : i32
      %lt3A_63 = arith.cmpi slt, %add3A_62, %lt3A : i32
      %convert_element_type3A_64 = arith.extui %lt3A_63 : i1 to i32
      %cond3A_65 = arith.constant 0 : i32
      %cond3A_66 = arith.cmpi ne, %convert_element_type3A_64, %cond3A_65 : i32
      scf.if %cond3A_66 {
        %add3A_127 = arith.constant 2 : i32
        %add3A_128 = arith.addi %mul3A_50, %add3A_127 : i32
        %mul3A_129 = arith.constant 80 : i32
        %mul3A_130 = arith.muli %add3A_128, %mul3A_129 : i32
        %add3A_131 = arith.addi %mul3A_6, %mul3A_130 : i32
        %dma_start3A_132 = tpu.memref_slice %arg3[%add3A_131] : memref<320000xi32, #tpu.memory_space<hbm>> -> memref<80xi32, #tpu.memory_space<hbm>>
        %dma_start3A_133 = tpu.memref_slice %arg3[%add3A_131] : memref<320000xi32, #tpu.memory_space<hbm>> -> memref<80xi32, #tpu.memory_space<hbm>>
        tpu.enqueue_dma source(%dma_start3A_133 : memref<80xi32, #tpu.memory_space<hbm>>) target(%arg7 : memref<80xi32, #tpu.memory_space<vmem>>) target_semaphore(%arg18 : memref<!tpu.dma_semaphore, #tpu.memory_space<semaphore_mem>>)
      } else {
      }
      %parallel_loop3A_67 = arith.constant 0 : i32
      %parallel_loop3A_68 = arith.constant 80 : i32
      %parallel_loop3A_69 = arith.constant 1 : i32
      scf.for %parallel_loop3A_127 = %parallel_loop3A_67 to %parallel_loop3A_68 step %parallel_loop3A_69  : i32 {
        %parallel_loop3A_128 = arith.index_cast %parallel_loop3A_127 : i32 to index
        %parallel_loop3A_129 = arith.constant 0 : index
        %parallel_loop3A_130 = tpu.vector_load %arg11[%parallel_loop3A_128, %parallel_loop3A_129] {strides = array<i32>} : memref<80x128xbf16, #tpu.memory_space<vmem>>, vector<32xbf16>,
        %parallel_loop3A_131 = vector.bitcast %parallel_loop3A_130 : vector<32xbf16> to vector<16xi32>
        %parallel_loop3A_132 = arith.constant 16 : i32
        %parallel_loop3A_133 = vector.broadcast %parallel_loop3A_132 : i32 to vector<16xi32>
        %parallel_loop3A_134 = arith.shli %parallel_loop3A_131, %parallel_loop3A_133 : vector<16xi32>
        %parallel_loop3A_135 = vector.bitcast %parallel_loop3A_134 : vector<16xi32> to vector<16xf32>
        %parallel_loop3A_136 = arith.constant -65536 : i32
        %parallel_loop3A_137 = vector.broadcast %parallel_loop3A_136 : i32 to vector<16xi32>
        %parallel_loop3A_138 = arith.andi %parallel_loop3A_131, %parallel_loop3A_137 : vector<16xi32>
        %parallel_loop3A_139 = vector.bitcast %parallel_loop3A_138 : vector<16xi32> to vector<16xf32>
        %parallel_loop3A_140 = arith.index_cast %parallel_loop3A_127 : i32 to index
        %parallel_loop3A_141 = arith.constant 0 : index
        %parallel_loop3A_142 = tpu.vector_load %arg13[%parallel_loop3A_140, %parallel_loop3A_141] {strides = array<i32>} : memref<80x128xf32, #tpu.memory_space<vmem>>, vector<16xf32>,
        tpu.vector_store %arg13[%parallel_loop3A_140, %parallel_loop3A_141], %parallel_loop3A_135 {strides = array<i32>} : memref<80x128xf32, #tpu.memory_space<vmem>>, vector<16xf32>,
        %parallel_loop3A_143 = arith.index_cast %parallel_loop3A_127 : i32 to index
        %parallel_loop3A_144 = arith.constant 16 : index
        %parallel_loop3A_145 = tpu.vector_load %arg13[%parallel_loop3A_143, %parallel_loop3A_144] {strides = array<i32>} : memref<80x128xf32, #tpu.memory_space<vmem>>, vector<16xf32>,
        tpu.vector_store %arg13[%parallel_loop3A_143, %parallel_loop3A_144], %parallel_loop3A_139 {strides = array<i32>} : memref<80x128xf32, #tpu.memory_space<vmem>>, vector<16xf32>,
        %parallel_loop3A_146 = arith.index_cast %parallel_loop3A_127 : i32 to index
        %parallel_loop3A_147 = arith.constant 32 : index
        %parallel_loop3A_148 = tpu.vector_load %arg11[%parallel_loop3A_146, %parallel_loop3A_147] {strides = array<i32>} : memref<80x128xbf16, #tpu.memory_space<vmem>>, vector<32xbf16>,
        %parallel_loop3A_149 = vector.bitcast %parallel_loop3A_148 : vector<32xbf16> to vector<16xi32>
        %parallel_loop3A_150 = arith.constant 16 : i32
        %parallel_loop3A_151 = vector.broadcast %parallel_loop3A_150 : i32 to vector<16xi32>
        %parallel_loop3A_152 = arith.shli %parallel_loop3A_149, %parallel_loop3A_151 : vector<16xi32>
        %parallel_loop3A_153 = vector.bitcast %parallel_loop3A_152 : vector<16xi32> to vector<16xf32>
        %parallel_loop3A_154 = arith.constant -65536 : i32
        %parallel_loop3A_155 = vector.broadcast %parallel_loop3A_154 : i32 to vector<16xi32>
        %parallel_loop3A_156 = arith.andi %parallel_loop3A_149, %parallel_loop3A_155 : vector<16xi32>
        %parallel_loop3A_157 = vector.bitcast %parallel_loop3A_156 : vector<16xi32> to vector<16xf32>
        %parallel_loop3A_158 = arith.index_cast %parallel_loop3A_127 : i32 to index
        %parallel_loop3A_159 = arith.constant 32 : index
        %parallel_loop3A_160 = tpu.vector_load %arg13[%parallel_loop3A_158, %parallel_loop3A_159] {strides = array<i32>} : memref<80x128xf32, #tpu.memory_space<vmem>>, vector<16xf32>,
        tpu.vector_store %arg13[%parallel_loop3A_158, %parallel_loop3A_159], %parallel_loop3A_153 {strides = array<i32>} : memref<80x128xf32, #tpu.memory_space<vmem>>, vector<16xf32>,
        %parallel_loop3A_161 = arith.index_cast %parallel_loop3A_127 : i32 to index
        %parallel_loop3A_162 = arith.constant 48 : index
        %parallel_loop3A_163 = tpu.vector_load %arg13[%parallel_loop3A_161, %parallel_loop3A_162] {strides = array<i32>} : memref<80x128xf32, #tpu.memory_space<vmem>>, vector<16xf32>,
        tpu.vector_store %arg13[%parallel_loop3A_161, %parallel_loop3A_162], %parallel_loop3A_157 {strides = array<i32>} : memref<80x128xf32, #tpu.memory_space<vmem>>, vector<16xf32>,
        %parallel_loop3A_164 = arith.index_cast %parallel_loop3A_127 : i32 to index
        %parallel_loop3A_165 = arith.constant 64 : index
        %parallel_loop3A_166 = tpu.vector_load %arg11[%parallel_loop3A_164, %parallel_loop3A_165] {strides = array<i32>} : memref<80x128xbf16, #tpu.memory_space<vmem>>, vector<32xbf16>,
        %parallel_loop3A_167 = vector.bitcast %parallel_loop3A_166 : vector<32xbf16> to vector<16xi32>
        %parallel_loop3A_168 = arith.constant 16 : i32
        %parallel_loop3A_169 = vector.broadcast %parallel_loop3A_168 : i32 to vector<16xi32>
        %parallel_loop3A_170 = arith.shli %parallel_loop3A_167, %parallel_loop3A_169 : vector<16xi32>
        %parallel_loop3A_171 = vector.bitcast %parallel_loop3A_170 : vector<16xi32> to vector<16xf32>
        %parallel_loop3A_172 = arith.constant -65536 : i32
        %parallel_loop3A_173 = vector.broadcast %parallel_loop3A_172 : i32 to vector<16xi32>
        %parallel_loop3A_174 = arith.andi %parallel_loop3A_167, %parallel_loop3A_173 : vector<16xi32>
        %parallel_loop3A_175 = vector.bitcast %parallel_loop3A_174 : vector<16xi32> to vector<16xf32>
        %parallel_loop3A_176 = arith.index_cast %parallel_loop3A_127 : i32 to index
        %parallel_loop3A_177 = arith.constant 64 : index
        %parallel_loop3A_178 = tpu.vector_load %arg13[%parallel_loop3A_176, %parallel_loop3A_177] {strides = array<i32>} : memref<80x128xf32, #tpu.memory_space<vmem>>, vector<16xf32>,
        tpu.vector_store %arg13[%parallel_loop3A_176, %parallel_loop3A_177], %parallel_loop3A_171 {strides = array<i32>} : memref<80x128xf32, #tpu.memory_space<vmem>>, vector<16xf32>,
        %parallel_loop3A_179 = arith.index_cast %parallel_loop3A_127 : i32 to index
        %parallel_loop3A_180 = arith.constant 80 : index
        %parallel_loop3A_181 = tpu.vector_load %arg13[%parallel_loop3A_179, %parallel_loop3A_180] {strides = array<i32>} : memref<80x128xf32, #tpu.memory_space<vmem>>, vector<16xf32>,
        tpu.vector_store %arg13[%parallel_loop3A_179, %parallel_loop3A_180], %parallel_loop3A_175 {strides = array<i32>} : memref<80x128xf32, #tpu.memory_space<vmem>>, vector<16xf32>,
        %parallel_loop3A_182 = arith.index_cast %parallel_loop3A_127 : i32 to index
        %parallel_loop3A_183 = arith.constant 96 : index
        %parallel_loop3A_184 = tpu.vector_load %arg11[%parallel_loop3A_182, %parallel_loop3A_183] {strides = array<i32>} : memref<80x128xbf16, #tpu.memory_space<vmem>>, vector<32xbf16>,
        %parallel_loop3A_185 = vector.bitcast %parallel_loop3A_184 : vector<32xbf16> to vector<16xi32>
        %parallel_loop3A_186 = arith.constant 16 : i32
        %parallel_loop3A_187 = vector.broadcast %parallel_loop3A_186 : i32 to vector<16xi32>
        %parallel_loop3A_188 = arith.shli %parallel_loop3A_185, %parallel_loop3A_187 : vector<16xi32>
        %parallel_loop3A_189 = vector.bitcast %parallel_loop3A_188 : vector<16xi32> to vector<16xf32>
        %parallel_loop3A_190 = arith.constant -65536 : i32
        %parallel_loop3A_191 = vector.broadcast %parallel_loop3A_190 : i32 to vector<16xi32>
        %parallel_loop3A_192 = arith.andi %parallel_loop3A_185, %parallel_loop3A_191 : vector<16xi32>
        %parallel_loop3A_193 = vector.bitcast %parallel_loop3A_192 : vector<16xi32> to vector<16xf32>
        %parallel_loop3A_194 = arith.index_cast %parallel_loop3A_127 : i32 to index
        %parallel_loop3A_195 = arith.constant 96 : index
        %parallel_loop3A_196 = tpu.vector_load %arg13[%parallel_loop3A_194, %parallel_loop3A_195] {strides = array<i32>} : memref<80x128xf32, #tpu.memory_space<vmem>>, vector<16xf32>,
        tpu.vector_store %arg13[%parallel_loop3A_194, %parallel_loop3A_195], %parallel_loop3A_189 {strides = array<i32>} : memref<80x128xf32, #tpu.memory_space<vmem>>, vector<16xf32>,
        %parallel_loop3A_197 = arith.index_cast %parallel_loop3A_127 : i32 to index
        %parallel_loop3A_198 = arith.constant 112 : index
        %parallel_loop3A_199 = tpu.vector_load %arg13[%parallel_loop3A_197, %parallel_loop3A_198] {strides = array<i32>} : memref<80x128xf32, #tpu.memory_space<vmem>>, vector<16xf32>,
        tpu.vector_store %arg13[%parallel_loop3A_197, %parallel_loop3A_198], %parallel_loop3A_193 {strides = array<i32>} : memref<80x128xf32, #tpu.memory_space<vmem>>, vector<16xf32>,
      } {sc.loop_unroll_factor = 1 : i64, sc.parallel_access}
      %mul3A_70 = arith.constant 80 : i32
      %mul3A_71 = arith.muli %mul3A_50, %mul3A_70 : i32
      %add3A_72 = arith.addi %mul3A_6, %mul3A_71 : i32
      %dma_wait3A_73 = tpu.memref_slice %arg4[%add3A_72] : memref<320000xi32, #tpu.memory_space<hbm>> -> memref<80xi32, #tpu.memory_space<hbm>>
      %dma_wait3A_74 = tpu.memref_slice %arg4[%add3A_72] : memref<320000xi32, #tpu.memory_space<hbm>> -> memref<80xi32, #tpu.memory_space<hbm>>
      tpu.wait_dma2 semaphore(%arg20 : memref<!tpu.dma_semaphore, #tpu.memory_space<semaphore_mem>>) src(%dma_wait3A_74 : memref<80xi32, #tpu.memory_space<hbm>>) dst(%arg9 : memref<80xi32, #tpu.memory_space<vmem>>)
      %dma_start3A_75 = arith.constant 0 : i32
      %dma_start3A_76 = arith.constant 0 : i32
      %dma_start3A_77 = tpu.memref_slice %arg15[%dma_start3A_75, %dma_start3A_76] : memref<10000x128xf32, #tpu.memory_space<vmem_shared>> -> memref<10000x128xf32, #tpu.memory_space<vmem_shared>>
      tpu.enqueue_indirect_dma source(%arg13 : memref<80x128xf32, #tpu.memory_space<vmem>>) target(%dma_start3A_77 : memref<10000x128xf32, #tpu.memory_space<vmem_shared>>) offsets(%arg9 : memref<80xi32, #tpu.memory_space<vmem>>) semaphore(%arg22 : memref<!tpu.dma_semaphore, #tpu.memory_space<semaphore_mem>>) {add = true}
      %add3A_78 = arith.constant 2 : i32
      %add3A_79 = arith.addi %mul3A_50, %add3A_78 : i32
      %lt3A_80 = arith.constant 125 : i32
      %lt3A_81 = arith.cmpi slt, %add3A_79, %lt3A_80 : i32
      %convert_element_type3A_82 = arith.extui %lt3A_81 : i1 to i32
      %cond3A_83 = arith.constant 0 : i32
      %cond3A_84 = arith.cmpi ne, %convert_element_type3A_82, %cond3A_83 : i32
      scf.if %cond3A_84 {
        %add3A_127 = arith.constant 2 : i32
        %add3A_128 = arith.addi %mul3A_50, %add3A_127 : i32
        %mul3A_129 = arith.constant 80 : i32
        %mul3A_130 = arith.muli %add3A_128, %mul3A_129 : i32
        %add3A_131 = arith.addi %mul3A_6, %mul3A_130 : i32
        %dma_wait3A_132 = tpu.memref_slice %arg3[%add3A_131] : memref<320000xi32, #tpu.memory_space<hbm>> -> memref<80xi32, #tpu.memory_space<hbm>>
        %dma_wait3A_133 = tpu.memref_slice %arg3[%add3A_131] : memref<320000xi32, #tpu.memory_space<hbm>> -> memref<80xi32, #tpu.memory_space<hbm>>
        tpu.wait_dma2 semaphore(%arg18 : memref<!tpu.dma_semaphore, #tpu.memory_space<semaphore_mem>>) src(%dma_wait3A_133 : memref<80xi32, #tpu.memory_space<hbm>>) dst(%arg7 : memref<80xi32, #tpu.memory_space<vmem>>)
        %dma_start3A_134 = arith.constant 0 : i32
        %dma_start3A_135 = arith.constant 0 : i32
        %dma_start3A_136 = tpu.memref_slice %arg2[%dma_start3A_134, %dma_start3A_135] : memref<10000x128xbf16, #tpu.memory_space<hbm>> -> memref<10000x128xbf16, #tpu.memory_space<hbm>>
        tpu.enqueue_indirect_dma source(%dma_start3A_136 : memref<10000x128xbf16, #tpu.memory_space<hbm>>) target(%arg11 : memref<80x128xbf16, #tpu.memory_space<vmem>>) offsets(%arg7 : memref<80xi32, #tpu.memory_space<vmem>>) semaphore(%arg16 : memref<!tpu.dma_semaphore, #tpu.memory_space<semaphore_mem>>)
      } else {
      }
      %mul3A_85 = arith.constant 2 : i32
      %mul3A_86 = arith.muli %mul3A_85, %scan3A_48 : i32
      %add3A_87 = arith.constant 1 : i32
      %add3A_88 = arith.addi %mul3A_86, %add3A_87 : i32
      %gt3A_89 = arith.constant 0 : i32
      %gt3A_90 = arith.cmpi sgt, %scan3A_48, %gt3A_89 : i32
      %convert_element_type3A_91 = arith.extui %gt3A_90 : i1 to i32
      %cond3A_92 = arith.constant 0 : i32
      %cond3A_93 = arith.cmpi ne, %convert_element_type3A_91, %cond3A_92 : i32
      scf.if %cond3A_93 {
        %dma_wait3A_127 = arith.constant 0 : i32
        %dma_wait3A_128 = arith.constant 0 : i32
        %dma_wait3A_129 = tpu.memref_slice %arg15[%dma_wait3A_127, %dma_wait3A_128] : memref<10000x128xf32, #tpu.memory_space<vmem_shared>> -> memref<10000x128xf32, #tpu.memory_space<vmem_shared>>
        tpu.wait_indirect_dma semaphore(%arg23 : memref<!tpu.dma_semaphore, #tpu.memory_space<semaphore_mem>>) src(%arg14 : memref<80x128xf32, #tpu.memory_space<vmem>>) dst(%dma_wait3A_129 : memref<10000x128xf32, #tpu.memory_space<vmem_shared>>)
      } else {
      }
      %mul3A_94 = arith.constant 80 : i32
      %mul3A_95 = arith.muli %add3A_88, %mul3A_94 : i32
      %add3A_96 = arith.addi %mul3A_6, %mul3A_95 : i32
      %dma_start3A_97 = tpu.memref_slice %arg4[%add3A_96] : memref<320000xi32, #tpu.memory_space<hbm>> -> memref<80xi32, #tpu.memory_space<hbm>>
      %dma_start3A_98 = tpu.memref_slice %arg4[%add3A_96] : memref<320000xi32, #tpu.memory_space<hbm>> -> memref<80xi32, #tpu.memory_space<hbm>>
      tpu.enqueue_dma source(%dma_start3A_98 : memref<80xi32, #tpu.memory_space<hbm>>) target(%arg10 : memref<80xi32, #tpu.memory_space<vmem>>) target_semaphore(%arg21 : memref<!tpu.dma_semaphore, #tpu.memory_space<semaphore_mem>>)
      %dma_wait3A_99 = arith.constant 0 : i32
      %dma_wait3A_100 = arith.constant 0 : i32
      %dma_wait3A_101 = tpu.memref_slice %arg2[%dma_wait3A_99, %dma_wait3A_100] : memref<10000x128xbf16, #tpu.memory_space<hbm>> -> memref<10000x128xbf16, #tpu.memory_space<hbm>>
      tpu.wait_indirect_dma semaphore(%arg17 : memref<!tpu.dma_semaphore, #tpu.memory_space<semaphore_mem>>) src(%dma_wait3A_101 : memref<10000x128xbf16, #tpu.memory_space<hbm>>) dst(%arg12 : memref<80x128xbf16, #tpu.memory_space<vmem>>)
      %add3A_102 = arith.constant 2 : i32
      %add3A_103 = arith.addi %add3A_88, %add3A_102 : i32
      %lt3A_104 = arith.constant 125 : i32
      %lt3A_105 = arith.cmpi slt, %add3A_103, %lt3A_104 : i32
      %convert_element_type3A_106 = arith.extui %lt3A_105 : i1 to i32
      %cond3A_107 = arith.constant 0 : i32
      %cond3A_108 = arith.cmpi ne, %convert_element_type3A_106, %cond3A_107 : i32
      scf.if %cond3A_108 {
        %add3A_127 = arith.constant 2 : i32
        %add3A_128 = arith.addi %add3A_88, %add3A_127 : i32
        %mul3A_129 = arith.constant 80 : i32
        %mul3A_130 = arith.muli %add3A_128, %mul3A_129 : i32
        %add3A_131 = arith.addi %mul3A_6, %mul3A_130 : i32
        %dma_start3A_132 = tpu.memref_slice %arg3[%add3A_131] : memref<320000xi32, #tpu.memory_space<hbm>> -> memref<80xi32, #tpu.memory_space<hbm>>
        %dma_start3A_133 = tpu.memref_slice %arg3[%add3A_131] : memref<320000xi32, #tpu.memory_space<hbm>> -> memref<80xi32, #tpu.memory_space<hbm>>
        tpu.enqueue_dma source(%dma_start3A_133 : memref<80xi32, #tpu.memory_space<hbm>>) target(%arg8 : memref<80xi32, #tpu.memory_space<vmem>>) target_semaphore(%arg19 : memref<!tpu.dma_semaphore, #tpu.memory_space<semaphore_mem>>)
      } else {
      }
      %parallel_loop3A_109 = arith.constant 0 : i32
      %parallel_loop3A_110 = arith.constant 80 : i32
      %parallel_loop3A_111 = arith.constant 1 : i32
      scf.for %parallel_loop3A_127 = %parallel_loop3A_109 to %parallel_loop3A_110 step %parallel_loop3A_111  : i32 {
        %parallel_loop3A_128 = arith.index_cast %parallel_loop3A_127 : i32 to index
        %parallel_loop3A_129 = arith.constant 0 : index
        %parallel_loop3A_130 = tpu.vector_load %arg12[%parallel_loop3A_128, %parallel_loop3A_129] {strides = array<i32>} : memref<80x128xbf16, #tpu.memory_space<vmem>>, vector<32xbf16>,
        %parallel_loop3A_131 = vector.bitcast %parallel_loop3A_130 : vector<32xbf16> to vector<16xi32>
        %parallel_loop3A_132 = arith.constant 16 : i32
        %parallel_loop3A_133 = vector.broadcast %parallel_loop3A_132 : i32 to vector<16xi32>
        %parallel_loop3A_134 = arith.shli %parallel_loop3A_131, %parallel_loop3A_133 : vector<16xi32>
        %parallel_loop3A_135 = vector.bitcast %parallel_loop3A_134 : vector<16xi32> to vector<16xf32>
        %parallel_loop3A_136 = arith.constant -65536 : i32
        %parallel_loop3A_137 = vector.broadcast %parallel_loop3A_136 : i32 to vector<16xi32>
        %parallel_loop3A_138 = arith.andi %parallel_loop3A_131, %parallel_loop3A_137 : vector<16xi32>
        %parallel_loop3A_139 = vector.bitcast %parallel_loop3A_138 : vector<16xi32> to vector<16xf32>
        %parallel_loop3A_140 = arith.index_cast %parallel_loop3A_127 : i32 to index
        %parallel_loop3A_141 = arith.constant 0 : index
        %parallel_loop3A_142 = tpu.vector_load %arg14[%parallel_loop3A_140, %parallel_loop3A_141] {strides = array<i32>} : memref<80x128xf32, #tpu.memory_space<vmem>>, vector<16xf32>,
        tpu.vector_store %arg14[%parallel_loop3A_140, %parallel_loop3A_141], %parallel_loop3A_135 {strides = array<i32>} : memref<80x128xf32, #tpu.memory_space<vmem>>, vector<16xf32>,
        %parallel_loop3A_143 = arith.index_cast %parallel_loop3A_127 : i32 to index
        %parallel_loop3A_144 = arith.constant 16 : index
        %parallel_loop3A_145 = tpu.vector_load %arg14[%parallel_loop3A_143, %parallel_loop3A_144] {strides = array<i32>} : memref<80x128xf32, #tpu.memory_space<vmem>>, vector<16xf32>,
        tpu.vector_store %arg14[%parallel_loop3A_143, %parallel_loop3A_144], %parallel_loop3A_139 {strides = array<i32>} : memref<80x128xf32, #tpu.memory_space<vmem>>, vector<16xf32>,
        %parallel_loop3A_146 = arith.index_cast %parallel_loop3A_127 : i32 to index
        %parallel_loop3A_147 = arith.constant 32 : index
        %parallel_loop3A_148 = tpu.vector_load %arg12[%parallel_loop3A_146, %parallel_loop3A_147] {strides = array<i32>} : memref<80x128xbf16, #tpu.memory_space<vmem>>, vector<32xbf16>,
        %parallel_loop3A_149 = vector.bitcast %parallel_loop3A_148 : vector<32xbf16> to vector<16xi32>
        %parallel_loop3A_150 = arith.constant 16 : i32
        %parallel_loop3A_151 = vector.broadcast %parallel_loop3A_150 : i32 to vector<16xi32>
        %parallel_loop3A_152 = arith.shli %parallel_loop3A_149, %parallel_loop3A_151 : vector<16xi32>
        %parallel_loop3A_153 = vector.bitcast %parallel_loop3A_152 : vector<16xi32> to vector<16xf32>
        %parallel_loop3A_154 = arith.constant -65536 : i32
        %parallel_loop3A_155 = vector.broadcast %parallel_loop3A_154 : i32 to vector<16xi32>
        %parallel_loop3A_156 = arith.andi %parallel_loop3A_149, %parallel_loop3A_155 : vector<16xi32>
        %parallel_loop3A_157 = vector.bitcast %parallel_loop3A_156 : vector<16xi32> to vector<16xf32>
        %parallel_loop3A_158 = arith.index_cast %parallel_loop3A_127 : i32 to index
        %parallel_loop3A_159 = arith.constant 32 : index
        %parallel_loop3A_160 = tpu.vector_load %arg14[%parallel_loop3A_158, %parallel_loop3A_159] {strides = array<i32>} : memref<80x128xf32, #tpu.memory_space<vmem>>, vector<16xf32>,
        tpu.vector_store %arg14[%parallel_loop3A_158, %parallel_loop3A_159], %parallel_loop3A_153 {strides = array<i32>} : memref<80x128xf32, #tpu.memory_space<vmem>>, vector<16xf32>,
        %parallel_loop3A_161 = arith.index_cast %parallel_loop3A_127 : i32 to index
        %parallel_loop3A_162 = arith.constant 48 : index
        %parallel_loop3A_163 = tpu.vector_load %arg14[%parallel_loop3A_161, %parallel_loop3A_162] {strides = array<i32>} : memref<80x128xf32, #tpu.memory_space<vmem>>, vector<16xf32>,
        tpu.vector_store %arg14[%parallel_loop3A_161, %parallel_loop3A_162], %parallel_loop3A_157 {strides = array<i32>} : memref<80x128xf32, #tpu.memory_space<vmem>>, vector<16xf32>,
        %parallel_loop3A_164 = arith.index_cast %parallel_loop3A_127 : i32 to index
        %parallel_loop3A_165 = arith.constant 64 : index
        %parallel_loop3A_166 = tpu.vector_load %arg12[%parallel_loop3A_164, %parallel_loop3A_165] {strides = array<i32>} : memref<80x128xbf16, #tpu.memory_space<vmem>>, vector<32xbf16>,
        %parallel_loop3A_167 = vector.bitcast %parallel_loop3A_166 : vector<32xbf16> to vector<16xi32>
        %parallel_loop3A_168 = arith.constant 16 : i32
        %parallel_loop3A_169 = vector.broadcast %parallel_loop3A_168 : i32 to vector<16xi32>
        %parallel_loop3A_170 = arith.shli %parallel_loop3A_167, %parallel_loop3A_169 : vector<16xi32>
        %parallel_loop3A_171 = vector.bitcast %parallel_loop3A_170 : vector<16xi32> to vector<16xf32>
        %parallel_loop3A_172 = arith.constant -65536 : i32
        %parallel_loop3A_173 = vector.broadcast %parallel_loop3A_172 : i32 to vector<16xi32>
        %parallel_loop3A_174 = arith.andi %parallel_loop3A_167, %parallel_loop3A_173 : vector<16xi32>
        %parallel_loop3A_175 = vector.bitcast %parallel_loop3A_174 : vector<16xi32> to vector<16xf32>
        %parallel_loop3A_176 = arith.index_cast %parallel_loop3A_127 : i32 to index
        %parallel_loop3A_177 = arith.constant 64 : index
        %parallel_loop3A_178 = tpu.vector_load %arg14[%parallel_loop3A_176, %parallel_loop3A_177] {strides = array<i32>} : memref<80x128xf32, #tpu.memory_space<vmem>>, vector<16xf32>,
        tpu.vector_store %arg14[%parallel_loop3A_176, %parallel_loop3A_177], %parallel_loop3A_171 {strides = array<i32>} : memref<80x128xf32, #tpu.memory_space<vmem>>, vector<16xf32>,
        %parallel_loop3A_179 = arith.index_cast %parallel_loop3A_127 : i32 to index
        %parallel_loop3A_180 = arith.constant 80 : index
        %parallel_loop3A_181 = tpu.vector_load %arg14[%parallel_loop3A_179, %parallel_loop3A_180] {strides = array<i32>} : memref<80x128xf32, #tpu.memory_space<vmem>>, vector<16xf32>,
        tpu.vector_store %arg14[%parallel_loop3A_179, %parallel_loop3A_180], %parallel_loop3A_175 {strides = array<i32>} : memref<80x128xf32, #tpu.memory_space<vmem>>, vector<16xf32>,
        %parallel_loop3A_182 = arith.index_cast %parallel_loop3A_127 : i32 to index
        %parallel_loop3A_183 = arith.constant 96 : index
        %parallel_loop3A_184 = tpu.vector_load %arg12[%parallel_loop3A_182, %parallel_loop3A_183] {strides = array<i32>} : memref<80x128xbf16, #tpu.memory_space<vmem>>, vector<32xbf16>,
        %parallel_loop3A_185 = vector.bitcast %parallel_loop3A_184 : vector<32xbf16> to vector<16xi32>
        %parallel_loop3A_186 = arith.constant 16 : i32
        %parallel_loop3A_187 = vector.broadcast %parallel_loop3A_186 : i32 to vector<16xi32>
        %parallel_loop3A_188 = arith.shli %parallel_loop3A_185, %parallel_loop3A_187 : vector<16xi32>
        %parallel_loop3A_189 = vector.bitcast %parallel_loop3A_188 : vector<16xi32> to vector<16xf32>
        %parallel_loop3A_190 = arith.constant -65536 : i32
        %parallel_loop3A_191 = vector.broadcast %parallel_loop3A_190 : i32 to vector<16xi32>
        %parallel_loop3A_192 = arith.andi %parallel_loop3A_185, %parallel_loop3A_191 : vector<16xi32>
        %parallel_loop3A_193 = vector.bitcast %parallel_loop3A_192 : vector<16xi32> to vector<16xf32>
        %parallel_loop3A_194 = arith.index_cast %parallel_loop3A_127 : i32 to index
        %parallel_loop3A_195 = arith.constant 96 : index
        %parallel_loop3A_196 = tpu.vector_load %arg14[%parallel_loop3A_194, %parallel_loop3A_195] {strides = array<i32>} : memref<80x128xf32, #tpu.memory_space<vmem>>, vector<16xf32>,
        tpu.vector_store %arg14[%parallel_loop3A_194, %parallel_loop3A_195], %parallel_loop3A_189 {strides = array<i32>} : memref<80x128xf32, #tpu.memory_space<vmem>>, vector<16xf32>,
        %parallel_loop3A_197 = arith.index_cast %parallel_loop3A_127 : i32 to index
        %parallel_loop3A_198 = arith.constant 112 : index
        %parallel_loop3A_199 = tpu.vector_load %arg14[%parallel_loop3A_197, %parallel_loop3A_198] {strides = array<i32>} : memref<80x128xf32, #tpu.memory_space<vmem>>, vector<16xf32>,
        tpu.vector_store %arg14[%parallel_loop3A_197, %parallel_loop3A_198], %parallel_loop3A_193 {strides = array<i32>} : memref<80x128xf32, #tpu.memory_space<vmem>>, vector<16xf32>,
      } {sc.loop_unroll_factor = 1 : i64, sc.parallel_access}
      %mul3A_112 = arith.constant 80 : i32
      %mul3A_113 = arith.muli %add3A_88, %mul3A_112 : i32
      %add3A_114 = arith.addi %mul3A_6, %mul3A_113 : i32
      %dma_wait3A_115 = tpu.memref_slice %arg4[%add3A_114] : memref<320000xi32, #tpu.memory_space<hbm>> -> memref<80xi32, #tpu.memory_space<hbm>>
      %dma_wait3A_116 = tpu.memref_slice %arg4[%add3A_114] : memref<320000xi32, #tpu.memory_space<hbm>> -> memref<80xi32, #tpu.memory_space<hbm>>
      tpu.wait_dma2 semaphore(%arg21 : memref<!tpu.dma_semaphore, #tpu.memory_space<semaphore_mem>>) src(%dma_wait3A_116 : memref<80xi32, #tpu.memory_space<hbm>>) dst(%arg10 : memref<80xi32, #tpu.memory_space<vmem>>)
      %dma_start3A_117 = arith.constant 0 : i32
      %dma_start3A_118 = arith.constant 0 : i32
      %dma_start3A_119 = tpu.memref_slice %arg15[%dma_start3A_117, %dma_start3A_118] : memref<10000x128xf32, #tpu.memory_space<vmem_shared>> -> memref<10000x128xf32, #tpu.memory_space<vmem_shared>>
      tpu.enqueue_indirect_dma source(%arg14 : memref<80x128xf32, #tpu.memory_space<vmem>>) target(%dma_start3A_119 : memref<10000x128xf32, #tpu.memory_space<vmem_shared>>) offsets(%arg10 : memref<80xi32, #tpu.memory_space<vmem>>) semaphore(%arg23 : memref<!tpu.dma_semaphore, #tpu.memory_space<semaphore_mem>>) {add = true}
      %add3A_120 = arith.constant 2 : i32
      %add3A_121 = arith.addi %add3A_88, %add3A_120 : i32
      %lt3A_122 = arith.constant 125 : i32
      %lt3A_123 = arith.cmpi slt, %add3A_121, %lt3A_122 : i32
      %convert_element_type3A_124 = arith.extui %lt3A_123 : i1 to i32
      %cond3A_125 = arith.constant 0 : i32
      %cond3A_126 = arith.cmpi ne, %convert_element_type3A_124, %cond3A_125 : i32
      scf.if %cond3A_126 {
        %add3A_127 = arith.constant 2 : i32
        %add3A_128 = arith.addi %add3A_88, %add3A_127 : i32
        %mul3A_129 = arith.constant 80 : i32
        %mul3A_130 = arith.muli %add3A_128, %mul3A_129 : i32
        %add3A_131 = arith.addi %mul3A_6, %mul3A_130 : i32
        %dma_wait3A_132 = tpu.memref_slice %arg3[%add3A_131] : memref<320000xi32, #tpu.memory_space<hbm>> -> memref<80xi32, #tpu.memory_space<hbm>>
        %dma_wait3A_133 = tpu.memref_slice %arg3[%add3A_131] : memref<320000xi32, #tpu.memory_space<hbm>> -> memref<80xi32, #tpu.memory_space<hbm>>
        tpu.wait_dma2 semaphore(%arg19 : memref<!tpu.dma_semaphore, #tpu.memory_space<semaphore_mem>>) src(%dma_wait3A_133 : memref<80xi32, #tpu.memory_space<hbm>>) dst(%arg8 : memref<80xi32, #tpu.memory_space<vmem>>)
        %dma_start3A_134 = arith.constant 0 : i32
        %dma_start3A_135 = arith.constant 0 : i32
        %dma_start3A_136 = tpu.memref_slice %arg2[%dma_start3A_134, %dma_start3A_135] : memref<10000x128xbf16, #tpu.memory_space<hbm>> -> memref<10000x128xbf16, #tpu.memory_space<hbm>>
        tpu.enqueue_indirect_dma source(%dma_start3A_136 : memref<10000x128xbf16, #tpu.memory_space<hbm>>) target(%arg12 : memref<80x128xbf16, #tpu.memory_space<vmem>>) offsets(%arg8 : memref<80xi32, #tpu.memory_space<vmem>>) semaphore(%arg17 : memref<!tpu.dma_semaphore, #tpu.memory_space<semaphore_mem>>)
      } else {
      }
    }
    %scan3A_18 = arith.constant 62 : i32
    %dma_wait3A = arith.constant 0 : i32
    %dma_wait3A_19 = arith.constant 0 : i32
    %dma_wait3A_20 = tpu.memref_slice %arg15[%dma_wait3A, %dma_wait3A_19] : memref<10000x128xf32, #tpu.memory_space<vmem_shared>> -> memref<10000x128xf32, #tpu.memory_space<vmem_shared>>
    tpu.wait_indirect_dma semaphore(%arg22 : memref<!tpu.dma_semaphore, #tpu.memory_space<semaphore_mem>>) src(%arg13 : memref<80x128xf32, #tpu.memory_space<vmem>>) dst(%dma_wait3A_20 : memref<10000x128xf32, #tpu.memory_space<vmem_shared>>)
    %add3A_21 = arith.constant 9920 : i32
    %add3A_22 = arith.addi %mul3A_6, %add3A_21 : i32
    %dma_start3A_23 = tpu.memref_slice %arg4[%add3A_22] : memref<320000xi32, #tpu.memory_space<hbm>> -> memref<80xi32, #tpu.memory_space<hbm>>
    %dma_start3A_24 = tpu.memref_slice %arg4[%add3A_22] : memref<320000xi32, #tpu.memory_space<hbm>> -> memref<80xi32, #tpu.memory_space<hbm>>
    tpu.enqueue_dma source(%dma_start3A_24 : memref<80xi32, #tpu.memory_space<hbm>>) target(%arg9 : memref<80xi32, #tpu.memory_space<vmem>>) target_semaphore(%arg20 : memref<!tpu.dma_semaphore, #tpu.memory_space<semaphore_mem>>)
    %dma_wait3A_25 = arith.constant 0 : i32
    %dma_wait3A_26 = arith.constant 0 : i32
    %dma_wait3A_27 = tpu.memref_slice %arg2[%dma_wait3A_25, %dma_wait3A_26] : memref<10000x128xbf16, #tpu.memory_space<hbm>> -> memref<10000x128xbf16, #tpu.memory_space<hbm>>
    tpu.wait_indirect_dma semaphore(%arg16 : memref<!tpu.dma_semaphore, #tpu.memory_space<semaphore_mem>>) src(%dma_wait3A_27 : memref<10000x128xbf16, #tpu.memory_space<hbm>>) dst(%arg11 : memref<80x128xbf16, #tpu.memory_space<vmem>>)
    %parallel_loop3A = arith.constant 0 : i32
    %parallel_loop3A_28 = arith.constant 80 : i32
    %parallel_loop3A_29 = arith.constant 1 : i32
    scf.for %parallel_loop3A_48 = %parallel_loop3A to %parallel_loop3A_28 step %parallel_loop3A_29  : i32 {
      %parallel_loop3A_49 = arith.index_cast %parallel_loop3A_48 : i32 to index
      %parallel_loop3A_50 = arith.constant 0 : index
      %parallel_loop3A_51 = tpu.vector_load %arg11[%parallel_loop3A_49, %parallel_loop3A_50] {strides = array<i32>} : memref<80x128xbf16, #tpu.memory_space<vmem>>, vector<32xbf16>,
      %parallel_loop3A_52 = vector.bitcast %parallel_loop3A_51 : vector<32xbf16> to vector<16xi32>
      %parallel_loop3A_53 = arith.constant 16 : i32
      %parallel_loop3A_54 = vector.broadcast %parallel_loop3A_53 : i32 to vector<16xi32>
      %parallel_loop3A_55 = arith.shli %parallel_loop3A_52, %parallel_loop3A_54 : vector<16xi32>
      %parallel_loop3A_56 = vector.bitcast %parallel_loop3A_55 : vector<16xi32> to vector<16xf32>
      %parallel_loop3A_57 = arith.constant -65536 : i32
      %parallel_loop3A_58 = vector.broadcast %parallel_loop3A_57 : i32 to vector<16xi32>
      %parallel_loop3A_59 = arith.andi %parallel_loop3A_52, %parallel_loop3A_58 : vector<16xi32>
      %parallel_loop3A_60 = vector.bitcast %parallel_loop3A_59 : vector<16xi32> to vector<16xf32>
      %parallel_loop3A_61 = arith.index_cast %parallel_loop3A_48 : i32 to index
      %parallel_loop3A_62 = arith.constant 0 : index
      %parallel_loop3A_63 = tpu.vector_load %arg13[%parallel_loop3A_61, %parallel_loop3A_62] {strides = array<i32>} : memref<80x128xf32, #tpu.memory_space<vmem>>, vector<16xf32>,
      tpu.vector_store %arg13[%parallel_loop3A_61, %parallel_loop3A_62], %parallel_loop3A_56 {strides = array<i32>} : memref<80x128xf32, #tpu.memory_space<vmem>>, vector<16xf32>,
      %parallel_loop3A_64 = arith.index_cast %parallel_loop3A_48 : i32 to index
      %parallel_loop3A_65 = arith.constant 16 : index
      %parallel_loop3A_66 = tpu.vector_load %arg13[%parallel_loop3A_64, %parallel_loop3A_65] {strides = array<i32>} : memref<80x128xf32, #tpu.memory_space<vmem>>, vector<16xf32>,
      tpu.vector_store %arg13[%parallel_loop3A_64, %parallel_loop3A_65], %parallel_loop3A_60 {strides = array<i32>} : memref<80x128xf32, #tpu.memory_space<vmem>>, vector<16xf32>,
      %parallel_loop3A_67 = arith.index_cast %parallel_loop3A_48 : i32 to index
      %parallel_loop3A_68 = arith.constant 32 : index
      %parallel_loop3A_69 = tpu.vector_load %arg11[%parallel_loop3A_67, %parallel_loop3A_68] {strides = array<i32>} : memref<80x128xbf16, #tpu.memory_space<vmem>>, vector<32xbf16>,
      %parallel_loop3A_70 = vector.bitcast %parallel_loop3A_69 : vector<32xbf16> to vector<16xi32>
      %parallel_loop3A_71 = arith.constant 16 : i32
      %parallel_loop3A_72 = vector.broadcast %parallel_loop3A_71 : i32 to vector<16xi32>
      %parallel_loop3A_73 = arith.shli %parallel_loop3A_70, %parallel_loop3A_72 : vector<16xi32>
      %parallel_loop3A_74 = vector.bitcast %parallel_loop3A_73 : vector<16xi32> to vector<16xf32>
      %parallel_loop3A_75 = arith.constant -65536 : i32
      %parallel_loop3A_76 = vector.broadcast %parallel_loop3A_75 : i32 to vector<16xi32>
      %parallel_loop3A_77 = arith.andi %parallel_loop3A_70, %parallel_loop3A_76 : vector<16xi32>
      %parallel_loop3A_78 = vector.bitcast %parallel_loop3A_77 : vector<16xi32> to vector<16xf32>
      %parallel_loop3A_79 = arith.index_cast %parallel_loop3A_48 : i32 to index
      %parallel_loop3A_80 = arith.constant 32 : index
      %parallel_loop3A_81 = tpu.vector_load %arg13[%parallel_loop3A_79, %parallel_loop3A_80] {strides = array<i32>} : memref<80x128xf32, #tpu.memory_space<vmem>>, vector<16xf32>,
      tpu.vector_store %arg13[%parallel_loop3A_79, %parallel_loop3A_80], %parallel_loop3A_74 {strides = array<i32>} : memref<80x128xf32, #tpu.memory_space<vmem>>, vector<16xf32>,
      %parallel_loop3A_82 = arith.index_cast %parallel_loop3A_48 : i32 to index
      %parallel_loop3A_83 = arith.constant 48 : index
      %parallel_loop3A_84 = tpu.vector_load %arg13[%parallel_loop3A_82, %parallel_loop3A_83] {strides = array<i32>} : memref<80x128xf32, #tpu.memory_space<vmem>>, vector<16xf32>,
      tpu.vector_store %arg13[%parallel_loop3A_82, %parallel_loop3A_83], %parallel_loop3A_78 {strides = array<i32>} : memref<80x128xf32, #tpu.memory_space<vmem>>, vector<16xf32>,
      %parallel_loop3A_85 = arith.index_cast %parallel_loop3A_48 : i32 to index
      %parallel_loop3A_86 = arith.constant 64 : index
      %parallel_loop3A_87 = tpu.vector_load %arg11[%parallel_loop3A_85, %parallel_loop3A_86] {strides = array<i32>} : memref<80x128xbf16, #tpu.memory_space<vmem>>, vector<32xbf16>,
      %parallel_loop3A_88 = vector.bitcast %parallel_loop3A_87 : vector<32xbf16> to vector<16xi32>
      %parallel_loop3A_89 = arith.constant 16 : i32
      %parallel_loop3A_90 = vector.broadcast %parallel_loop3A_89 : i32 to vector<16xi32>
      %parallel_loop3A_91 = arith.shli %parallel_loop3A_88, %parallel_loop3A_90 : vector<16xi32>
      %parallel_loop3A_92 = vector.bitcast %parallel_loop3A_91 : vector<16xi32> to vector<16xf32>
      %parallel_loop3A_93 = arith.constant -65536 : i32
      %parallel_loop3A_94 = vector.broadcast %parallel_loop3A_93 : i32 to vector<16xi32>
      %parallel_loop3A_95 = arith.andi %parallel_loop3A_88, %parallel_loop3A_94 : vector<16xi32>
      %parallel_loop3A_96 = vector.bitcast %parallel_loop3A_95 : vector<16xi32> to vector<16xf32>
      %parallel_loop3A_97 = arith.index_cast %parallel_loop3A_48 : i32 to index
      %parallel_loop3A_98 = arith.constant 64 : index
      %parallel_loop3A_99 = tpu.vector_load %arg13[%parallel_loop3A_97, %parallel_loop3A_98] {strides = array<i32>} : memref<80x128xf32, #tpu.memory_space<vmem>>, vector<16xf32>,
      tpu.vector_store %arg13[%parallel_loop3A_97, %parallel_loop3A_98], %parallel_loop3A_92 {strides = array<i32>} : memref<80x128xf32, #tpu.memory_space<vmem>>, vector<16xf32>,
      %parallel_loop3A_100 = arith.index_cast %parallel_loop3A_48 : i32 to index
      %parallel_loop3A_101 = arith.constant 80 : index
      %parallel_loop3A_102 = tpu.vector_load %arg13[%parallel_loop3A_100, %parallel_loop3A_101] {strides = array<i32>} : memref<80x128xf32, #tpu.memory_space<vmem>>, vector<16xf32>,
      tpu.vector_store %arg13[%parallel_loop3A_100, %parallel_loop3A_101], %parallel_loop3A_96 {strides = array<i32>} : memref<80x128xf32, #tpu.memory_space<vmem>>, vector<16xf32>,
      %parallel_loop3A_103 = arith.index_cast %parallel_loop3A_48 : i32 to index
      %parallel_loop3A_104 = arith.constant 96 : index
      %parallel_loop3A_105 = tpu.vector_load %arg11[%parallel_loop3A_103, %parallel_loop3A_104] {strides = array<i32>} : memref<80x128xbf16, #tpu.memory_space<vmem>>, vector<32xbf16>,
      %parallel_loop3A_106 = vector.bitcast %parallel_loop3A_105 : vector<32xbf16> to vector<16xi32>
      %parallel_loop3A_107 = arith.constant 16 : i32
      %parallel_loop3A_108 = vector.broadcast %parallel_loop3A_107 : i32 to vector<16xi32>
      %parallel_loop3A_109 = arith.shli %parallel_loop3A_106, %parallel_loop3A_108 : vector<16xi32>
      %parallel_loop3A_110 = vector.bitcast %parallel_loop3A_109 : vector<16xi32> to vector<16xf32>
      %parallel_loop3A_111 = arith.constant -65536 : i32
      %parallel_loop3A_112 = vector.broadcast %parallel_loop3A_111 : i32 to vector<16xi32>
      %parallel_loop3A_113 = arith.andi %parallel_loop3A_106, %parallel_loop3A_112 : vector<16xi32>
      %parallel_loop3A_114 = vector.bitcast %parallel_loop3A_113 : vector<16xi32> to vector<16xf32>
      %parallel_loop3A_115 = arith.index_cast %parallel_loop3A_48 : i32 to index
      %parallel_loop3A_116 = arith.constant 96 : index
      %parallel_loop3A_117 = tpu.vector_load %arg13[%parallel_loop3A_115, %parallel_loop3A_116] {strides = array<i32>} : memref<80x128xf32, #tpu.memory_space<vmem>>, vector<16xf32>,
      tpu.vector_store %arg13[%parallel_loop3A_115, %parallel_loop3A_116], %parallel_loop3A_110 {strides = array<i32>} : memref<80x128xf32, #tpu.memory_space<vmem>>, vector<16xf32>,
      %parallel_loop3A_118 = arith.index_cast %parallel_loop3A_48 : i32 to index
      %parallel_loop3A_119 = arith.constant 112 : index
      %parallel_loop3A_120 = tpu.vector_load %arg13[%parallel_loop3A_118, %parallel_loop3A_119] {strides = array<i32>} : memref<80x128xf32, #tpu.memory_space<vmem>>, vector<16xf32>,
      tpu.vector_store %arg13[%parallel_loop3A_118, %parallel_loop3A_119], %parallel_loop3A_114 {strides = array<i32>} : memref<80x128xf32, #tpu.memory_space<vmem>>, vector<16xf32>,
    } {sc.loop_unroll_factor = 1 : i64, sc.parallel_access}
    %add3A_30 = arith.constant 9920 : i32
    %add3A_31 = arith.addi %mul3A_6, %add3A_30 : i32
    %dma_wait3A_32 = tpu.memref_slice %arg4[%add3A_31] : memref<320000xi32, #tpu.memory_space<hbm>> -> memref<80xi32, #tpu.memory_space<hbm>>
    %dma_wait3A_33 = tpu.memref_slice %arg4[%add3A_31] : memref<320000xi32, #tpu.memory_space<hbm>> -> memref<80xi32, #tpu.memory_space<hbm>>
    tpu.wait_dma2 semaphore(%arg20 : memref<!tpu.dma_semaphore, #tpu.memory_space<semaphore_mem>>) src(%dma_wait3A_33 : memref<80xi32, #tpu.memory_space<hbm>>) dst(%arg9 : memref<80xi32, #tpu.memory_space<vmem>>)
    %dma_start3A_34 = arith.constant 0 : i32
    %dma_start3A_35 = arith.constant 0 : i32
    %dma_start3A_36 = tpu.memref_slice %arg15[%dma_start3A_34, %dma_start3A_35] : memref<10000x128xf32, #tpu.memory_space<vmem_shared>> -> memref<10000x128xf32, #tpu.memory_space<vmem_shared>>
    tpu.enqueue_indirect_dma source(%arg13 : memref<80x128xf32, #tpu.memory_space<vmem>>) target(%dma_start3A_36 : memref<10000x128xf32, #tpu.memory_space<vmem_shared>>) offsets(%arg9 : memref<80xi32, #tpu.memory_space<vmem>>) semaphore(%arg22 : memref<!tpu.dma_semaphore, #tpu.memory_space<semaphore_mem>>) {add = true}
    %dma_wait3A_37 = arith.constant 0 : i32
    %dma_wait3A_38 = arith.constant 0 : i32
    %dma_wait3A_39 = tpu.memref_slice %arg15[%dma_wait3A_37, %dma_wait3A_38] : memref<10000x128xf32, #tpu.memory_space<vmem_shared>> -> memref<10000x128xf32, #tpu.memory_space<vmem_shared>>
    tpu.wait_indirect_dma semaphore(%arg22 : memref<!tpu.dma_semaphore, #tpu.memory_space<semaphore_mem>>) src(%arg13 : memref<80x128xf32, #tpu.memory_space<vmem>>) dst(%dma_wait3A_39 : memref<10000x128xf32, #tpu.memory_space<vmem_shared>>)
    %dma_wait3A_40 = arith.constant 0 : i32
    %dma_wait3A_41 = arith.constant 0 : i32
    %dma_wait3A_42 = tpu.memref_slice %arg15[%dma_wait3A_40, %dma_wait3A_41] : memref<10000x128xf32, #tpu.memory_space<vmem_shared>> -> memref<10000x128xf32, #tpu.memory_space<vmem_shared>>
    tpu.wait_indirect_dma semaphore(%arg23 : memref<!tpu.dma_semaphore, #tpu.memory_space<semaphore_mem>>) src(%arg14 : memref<80x128xf32, #tpu.memory_space<vmem>>) dst(%dma_wait3A_42 : memref<10000x128xf32, #tpu.memory_space<vmem_shared>>)
    %barrier3A_43 = arith.constant 0 : index
    tpu.barrier barrier_id(%barrier3A_43)
    %mul3A_44 = arith.constant 625 : i32
    %mul3A_45 = arith.muli %arg1, %mul3A_44 : i32
    %mul3A_46 = arith.constant 625 : i32
    %mul3A_47 = arith.muli %arg1, %mul3A_46 : i32
    "tpu.region"() ({
      %run_scoped3A = tpu.sem_alloc : memref<!tpu.dma_semaphore, #tpu.memory_space<semaphore_mem>>
      %dma_start3A_48 = arith.constant 0 : i32
      %dma_start3A_49 = tpu.memref_slice %arg6[%arg0, %mul3A_47, %dma_start3A_48] : memref<2x10000x128xf32, #tpu.memory_space<hbm>> -> memref<1x625x128xf32, #tpu.memory_space<hbm>>
      %dma_start3A_50 = tpu.memref_squeeze %dma_start3A_49 : memref<1x625x128xf32, #tpu.memory_space<hbm>> -> memref<625x128xf32, #tpu.memory_space<hbm>>
      %dma_start3A_51 = arith.constant 0 : i32
      %dma_start3A_52 = tpu.memref_slice %arg15[%mul3A_45, %dma_start3A_51] : memref<10000x128xf32, #tpu.memory_space<vmem_shared>> -> memref<625x128xf32, #tpu.memory_space<vmem_shared>>
      tpu.enqueue_dma source(%dma_start3A_52 : memref<625x128xf32, #tpu.memory_space<vmem_shared>>) target(%dma_start3A_50 : memref<625x128xf32, #tpu.memory_space<hbm>>) target_semaphore(%run_scoped3A : memref<!tpu.dma_semaphore, #tpu.memory_space<semaphore_mem>>)
      %dma_wait3A_53 = arith.constant 0 : i32
      %dma_wait3A_54 = tpu.memref_slice %arg6[%arg0, %mul3A_47, %dma_wait3A_53] : memref<2x10000x128xf32, #tpu.memory_space<hbm>> -> memref<1x625x128xf32, #tpu.memory_space<hbm>>
      %dma_wait3A_55 = tpu.memref_squeeze %dma_wait3A_54 : memref<1x625x128xf32, #tpu.memory_space<hbm>> -> memref<625x128xf32, #tpu.memory_space<hbm>>
      %dma_wait3A_56 = arith.constant 0 : i32
      %dma_wait3A_57 = tpu.memref_slice %arg15[%mul3A_45, %dma_wait3A_56] : memref<10000x128xf32, #tpu.memory_space<vmem_shared>> -> memref<625x128xf32, #tpu.memory_space<vmem_shared>>
      tpu.wait_dma2 semaphore(%run_scoped3A : memref<!tpu.dma_semaphore, #tpu.memory_space<semaphore_mem>>) src(%dma_wait3A_57 : memref<625x128xf32, #tpu.memory_space<vmem_shared>>) dst(%dma_wait3A_55 : memref<625x128xf32, #tpu.memory_space<hbm>>)
      tpu.yield
    }) : () -> ()
    return
  }
}

module attributes {stable_mosaic.version = 14 : i64} {
  func.func @body(%arg0: i32, %arg1: memref<1000x128xf32, #tpu.memory_space<vmem>>, %arg2: memref<128x128xf32, #tpu.memory_space<vmem>>, %arg3: memref<1000x128xbf16, #tpu.memory_space<vmem>>) attributes {dimension_semantics = [#tpu.dimension_semantics<arbitrary>], iteration_bounds = array<i64: 10>, scalar_prefetch = 0 : i64, scratch_operands = 0 : i64, tpu.core_type = #tpu.core_type<tc>, window_params = [{transform_indices = @transform_0, window_bounds = array<i64: 1000, 128>}, {pipeline_mode = #tpu.pipeline_mode<synchronous>, transform_indices = @transform_1, window_bounds = array<i64: 128, 128>}, {transform_indices = @transform_2, window_bounds = array<i64: 1000, 128>}]} {
    %get3A = arith.constant 0 : index
    %get3A_0 = arith.constant 0 : index
    %get3A_1 = vector.load %arg1[%get3A, %get3A_0] : memref<1000x128xf32, #tpu.memory_space<vmem>>, vector<1000x128xf32>
    %get3A_2 = arith.constant 0 : index
    %get3A_3 = arith.constant 0 : index
    %get3A_4 = vector.load %arg2[%get3A_2, %get3A_3] : memref<128x128xf32, #tpu.memory_space<vmem>>, vector<128x128xf32>
    %dot_general3A = arith.constant dense<0.000000e+00> : vector<1000x128xf32>
    %dot_general3A_5 = tpu.matmul %get3A_1, %get3A_4, %dot_general3A {dimension_numbers = #tpu.dot_dimension_numbers<[1], [0], [0], [1], [0, 0, 1, 1], [], []>, transpose_lhs_hint = false} : vector<1000x128xf32>, vector<128x128xf32>, vector<1000x128xf32> -> vector<1000x128xf32>
    %convert_element_type3A = arith.truncf %dot_general3A_5 : vector<1000x128xf32> to vector<1000x128xbf16>
    %swap3A = arith.constant 0 : index
    %swap3A_6 = arith.constant 0 : index
    %swap3A_7 = vector.load %arg3[%swap3A, %swap3A_6] : memref<1000x128xbf16, #tpu.memory_space<vmem>>, vector<1000x128xbf16>
    tpu.vector_store %arg3[%swap3A, %swap3A_6], %convert_element_type3A {strides = array<i32>} : memref<1000x128xbf16, #tpu.memory_space<vmem>>, vector<1000x128xbf16>,
    return
  }
  func.func @transform_0(%arg0: i32) -> (i32, i32) {
    %c0_i32 = arith.constant 0 : i32
    %c0_i32_0 = arith.constant 0 : i32
    return %arg0, %c0_i32 : i32, i32
  }
  func.func @transform_1(%arg0: i32) -> (i32, i32) {
    %c0_i32 = arith.constant 0 : i32
    %c0_i32_0 = arith.constant 0 : i32
    %c0_i32_1 = arith.constant 0 : i32
    return %c0_i32, %c0_i32_0 : i32, i32
  }
  func.func @transform_2(%arg0: i32) -> (i32, i32) {
    %c0_i32 = arith.constant 0 : i32
    %c0_i32_0 = arith.constant 0 : i32
    return %arg0, %c0_i32 : i32, i32
  }
}

module attributes {stable_mosaic.version = 14 : i64} {
  func.func @body(%arg0: i32, %arg1: memref<2x2000x144xf32, #tpu.memory_space<vmem>>, %arg2: memref<2000x1xf32, #tpu.memory_space<vmem>>, %arg3: memref<2000x128xbf16, #tpu.memory_space<vmem>>) attributes {dimension_semantics = [#tpu.dimension_semantics<arbitrary>], iteration_bounds = array<i64: 5>, scalar_prefetch = 0 : i64, scratch_operands = 0 : i64, tpu.core_type = #tpu.core_type<tc>, window_params = [{transform_indices = @transform_0, window_bounds = array<i64: 2, 2000, 144>}, {transform_indices = @transform_1, window_bounds = array<i64: 2000, 1>}, {transform_indices = @transform_2, window_bounds = array<i64: 2000, 128>}]} {
    %get3A = arith.constant 0 : index
    %get3A_0 = arith.constant 0 : index
    %get3A_1 = arith.constant 0 : index
    %get3A_2 = vector.load %arg1[%get3A, %get3A_0, %get3A_1] : memref<2x2000x144xf32, #tpu.memory_space<vmem>>, vector<1x2000x144xf32>
    %get3A_3 = vector.shape_cast %get3A_2 : vector<1x2000x144xf32> to vector<2000x144xf32>
    %get3A_4 = arith.constant 1 : index
    %get3A_5 = arith.constant 0 : index
    %get3A_6 = arith.constant 0 : index
    %get3A_7 = vector.load %arg1[%get3A_4, %get3A_5, %get3A_6] : memref<2x2000x144xf32, #tpu.memory_space<vmem>>, vector<1x2000x144xf32>
    %get3A_8 = vector.shape_cast %get3A_7 : vector<1x2000x144xf32> to vector<2000x144xf32>
    %add3A = arith.addf %get3A_3, %get3A_8 : vector<2000x144xf32>
    %slice3A = vector.extract_strided_slice %add3A {offsets = [0, 128], sizes = [2000, 1], strides = [1, 1]} : vector<2000x144xf32> to vector<2000x1xf32>
    %slice3A_9 = vector.extract_strided_slice %add3A {offsets = [0, 0], sizes = [2000, 128], strides = [1, 1]} : vector<2000x144xf32> to vector<2000x128xf32>
    %max3A = arith.constant 1.000000e+00 : f32
    %max3A_10 = vector.broadcast %max3A : f32 to vector<2000x1xf32>
    %max3A_11 = arith.maximumf %slice3A, %max3A_10 : vector<2000x1xf32>
    %div3A = vector.broadcast %max3A_11 : vector<2000x1xf32> to vector<2000x128xf32>
    %div3A_12 = arith.divf %slice3A_9, %div3A : vector<2000x128xf32>
    %get3A_13 = arith.constant 0 : index
    %get3A_14 = arith.constant 0 : index
    %get3A_15 = vector.load %arg2[%get3A_13, %get3A_14] : memref<2000x1xf32, #tpu.memory_space<vmem>>, vector<2000x1xf32>
    %mul3A = vector.broadcast %get3A_15 : vector<2000x1xf32> to vector<2000x128xf32>
    %mul3A_16 = arith.mulf %div3A_12, %mul3A : vector<2000x128xf32>
    %convert_element_type3A = arith.truncf %mul3A_16 : vector<2000x128xf32> to vector<2000x128xbf16>
    %swap3A = arith.constant 0 : index
    %swap3A_17 = arith.constant 0 : index
    %swap3A_18 = vector.load %arg3[%swap3A, %swap3A_17] : memref<2000x128xbf16, #tpu.memory_space<vmem>>, vector<2000x128xbf16>
    tpu.vector_store %arg3[%swap3A, %swap3A_17], %convert_element_type3A {strides = array<i32>} : memref<2000x128xbf16, #tpu.memory_space<vmem>>, vector<2000x128xbf16>,
    return
  }
  func.func @transform_0(%arg0: i32) -> (i32, i32, i32) {
    %c0_i32 = arith.constant 0 : i32
    %c0_i32_0 = arith.constant 0 : i32
    %c0_i32_1 = arith.constant 0 : i32
    return %c0_i32, %arg0, %c0_i32_0 : i32, i32, i32
  }
  func.func @transform_1(%arg0: i32) -> (i32, i32) {
    %c0_i32 = arith.constant 0 : i32
    %c0_i32_0 = arith.constant 0 : i32
    return %arg0, %c0_i32 : i32, i32
  }
  func.func @transform_2(%arg0: i32) -> (i32, i32) {
    %c0_i32 = arith.constant 0 : i32
    %c0_i32_0 = arith.constant 0 : i32
    return %arg0, %c0_i32 : i32, i32
  }
}

module attributes {stable_mosaic.version = 14 : i64} {
  func.func @body(%arg0: i32, %arg1: memref<2x2000x128xf32, #tpu.memory_space<vmem>>, %arg2: memref<2000x1xf32, #tpu.memory_space<vmem>>, %arg3: memref<2000x128xf32, #tpu.memory_space<vmem>>) attributes {dimension_semantics = [#tpu.dimension_semantics<arbitrary>], iteration_bounds = array<i64: 5>, scalar_prefetch = 0 : i64, scratch_operands = 0 : i64, tpu.core_type = #tpu.core_type<tc>, window_params = [{transform_indices = @transform_0, window_bounds = array<i64: 2, 2000, 128>}, {transform_indices = @transform_1, window_bounds = array<i64: 2000, 1>}, {transform_indices = @transform_2, window_bounds = array<i64: 2000, 128>}]} {
    %get3A = arith.constant 0 : index
    %get3A_0 = arith.constant 0 : index
    %get3A_1 = arith.constant 0 : index
    %get3A_2 = vector.load %arg1[%get3A, %get3A_0, %get3A_1] : memref<2x2000x128xf32, #tpu.memory_space<vmem>>, vector<1x2000x128xf32>
    %get3A_3 = vector.shape_cast %get3A_2 : vector<1x2000x128xf32> to vector<2000x128xf32>
    %get3A_4 = arith.constant 1 : index
    %get3A_5 = arith.constant 0 : index
    %get3A_6 = arith.constant 0 : index
    %get3A_7 = vector.load %arg1[%get3A_4, %get3A_5, %get3A_6] : memref<2x2000x128xf32, #tpu.memory_space<vmem>>, vector<1x2000x128xf32>
    %get3A_8 = vector.shape_cast %get3A_7 : vector<1x2000x128xf32> to vector<2000x128xf32>
    %add3A = arith.addf %get3A_3, %get3A_8 : vector<2000x128xf32>
    %get3A_9 = arith.constant 0 : index
    %get3A_10 = arith.constant 0 : index
    %get3A_11 = vector.load %arg2[%get3A_9, %get3A_10] : memref<2000x1xf32, #tpu.memory_space<vmem>>, vector<2000x1xf32>
    %mul3A = vector.broadcast %get3A_11 : vector<2000x1xf32> to vector<2000x128xf32>
    %mul3A_12 = arith.mulf %add3A, %mul3A : vector<2000x128xf32>
    %swap3A = arith.constant 0 : index
    %swap3A_13 = arith.constant 0 : index
    %swap3A_14 = vector.load %arg3[%swap3A, %swap3A_13] : memref<2000x128xf32, #tpu.memory_space<vmem>>, vector<2000x128xf32>
    tpu.vector_store %arg3[%swap3A, %swap3A_13], %mul3A_12 {strides = array<i32>} : memref<2000x128xf32, #tpu.memory_space<vmem>>, vector<2000x128xf32>,
    return
  }
  func.func @transform_0(%arg0: i32) -> (i32, i32, i32) {
    %c0_i32 = arith.constant 0 : i32
    %c0_i32_0 = arith.constant 0 : i32
    %c0_i32_1 = arith.constant 0 : i32
    return %c0_i32, %arg0, %c0_i32_0 : i32, i32, i32
  }
  func.func @transform_1(%arg0: i32) -> (i32, i32) {
    %c0_i32 = arith.constant 0 : i32
    %c0_i32_0 = arith.constant 0 : i32
    return %arg0, %c0_i32 : i32, i32
  }
  func.func @transform_2(%arg0: i32) -> (i32, i32) {
    %c0_i32 = arith.constant 0 : i32
    %c0_i32_0 = arith.constant 0 : i32
    return %arg0, %c0_i32 : i32, i32
  }
}

</mosaic_0001>

<sc_bundles>
// kernel: kernel.10.cloned.1.call-start
scs
__scs_entry_jumppad:
0x0: {  	(pc) =	sbr.rel $0x88, $3  }
0x1: {  	(tag) =	ssettag $0x0;
	lr =	simm.s32 $0x1  }
0x2: {  	[smem:$0x3F9B] =	sst lr;
	_ =	strace $0xD0000000  }
0x3: {  	_ = 	snop  }
0x4: {  	_ = 	snop  }
0x5: {  	_ = 	snop  }
0x6: {  	_ = 	snop  }
0x7: {  	_ = 	snop  }
__scs_overlays_trampoline_lowered:
0x8: {  	[smem:$0x3FAA] =	sst s0  }
0x9: {  	[smem:$0x3FAB] =	sst s1  }
0xa: {  	[smem:$0x3FAC] =	sst s2  }
0xb: {  	[smem:$0x3FAD] =	sst s3  }
0xc: {  	[smem:$0x3FAE] =	sst s4  }
0xd: {  	[smem:$0x3FAF] =	sst s5  }
0xe: {  	[smem:$0x3FB0] =	sst s6  }
0xf: {  	[smem:$0x3FB1] =	sst s7  }
0x10: {  	[smem:$0x3FB2] =	sst s8  }
0x11: {  	[smem:$0x3FB3] =	sst s9;
	s0 =	simm.s32 @!p0 $0x0  }
0x12: {  	s1 =	sld [smem:$0x3F99];
	s0 =	simm.s32 @p0 $0x1  }
0x13: {  	[smem:$0x3FB4] =	sst s0;
	s0 =	simm.s32 @!p1 $0x0  }
0x14: {  	s2 =	sld [smem:$0x3F98];
	s0 =	simm.s32 @p1 $0x1  }
0x15: {  	[smem:$0x3FB5] =	sst s0;
	s0 =	simm.s32 @!p2 $0x0  }
0x16: {  	s3 =	sld [smem:$0x3FDB];
	s0 =	simm.s32 @p2 $0x1  }
0x17: {  	s4 =	simm.s32 $0x1BF5;
	[smem:$0x3FB7] =	sst s0  }
0x18: {  	s0 =	sld [smem:$0x3F9A];
	_ =	swait.ge [sflag:s4], $0x0  }
0x19: {  	s7 =	sld [smem:$0x3F9B]  }
0x1a: {  	s8 =	sadd.s32 $0xFFFFE003, lr  }
0x1b: {  	s9 =	sadd.s32 $0xFFFFFEF7, lr;
	s5 =	simm.s32 $0xFFFFFFFF;
	p2 =	slt.u32 s8, $0xFFFFF086  }
0x1c: {  	p1 =	slt.u32 s9, $0xF7A;
	s5 =	simm.s32 @!p2 $0x0  }
0x1d: {  	s5 =	simm.s32 @p1 $0x1;
	p0 =	seq.s32 s7, s2  }
0x1e: {  	s7 =	smul.u32 @!p0 $0xF7A, s2;
	p2 =	seq.s32 @!p0 s5, $0x0  }
0x1f: {  	s9 =	smul.u32 $0xF7A, s1;
	s8 =	simm.s32 @!p0 $0x1BF5;
	p2 =	por !p2, p0  }
0x20: {  	[sflag:s8] =	ssyncset.s32 @!p0 $0xFFFFF086;
	s6 =	sadd.s32 @!p0 s3, s7;
	s7 =	simm.s32 @!p0 $0x108  }
0x21: {  	s3 =	sadd.s32 s3, s9;
	s6 =	sadd.s32 @!p0 $0x88, s6;
	s7 =	simm.s32 @p2 $0x1082  }
0x22: {  	[simem:s7], [sflag:s8] =	dma.local @!p0 [hbm:s6], $0xF7A  }
0x23: {  	s9 =	sor.u32 $0xD0000000, s2;
	s6 =	simm.s32 $0x108;
	_ =	swait.ge @!p0 [sflag:s8], $0x0  }
0x24: {  	s3 =	sadd.s32 $0x88, s3;
	s6 =	simm.s32 @!p1 $0x1082;
	[sflag:s4] =	ssyncset.s32 $0xFFFFF086  }
0x25: {  	[simem:s6], [sflag:s4] =	dma.local [hbm:s3], $0xF7A  }
0x26: {  	[smem:$0x3F9B] =	sst s1;
	(tag) =	ssettag s2;
	_ =	strace s9  }
0x27: {  	s1 =	sld [smem:$0x3FAB]  }
0x28: {  	s2 =	sld [smem:$0x3FAC]  }
0x29: {  	s4 =	sld [smem:$0x3FAE]  }
0x2a: {  	p0 =	seq.s32 s5, $0x0;
	s5 =	sld [smem:$0x3FAF]  }
0x2b: {  	s6 =	sld [smem:$0x3FB0]  }
0x2c: {  	s7 =	sld [smem:$0x3FB1]  }
0x2d: {  	s3 =	simm.s32 $0x108;
	s8 =	sld [smem:$0x3FB2]  }
0x2e: {  	s3 =	simm.s32 @!p0 $0x1082;
	s9 =	sld [smem:$0x3FB3]  }
0x2f: {  	lr =	sadd.s32 s0, s3;
	s0 =	sld [smem:$0x3FAA]  }
0x30: {  	s3 =	sld [smem:$0x3FAD]  }
0x31: {  	[smem:$0x3FB6] =	sst s10  }
0x32: {  	s10 =	sld [smem:$0x3FB4];
	_ =	sdelay $0x3  }
0x33: {  	p0 =	seq.s32 s10, $0x1;
	s10 =	sld [smem:$0x3FB6];
	_ =	sdelay $0x3  }
0x34: {  	[smem:$0x3FB6] =	sst s10  }
0x35: {  	s10 =	sld [smem:$0x3FB5];
	_ =	sdelay $0x3  }
0x36: {  	p1 =	seq.s32 s10, $0x1;
	s10 =	sld [smem:$0x3FB6];
	_ =	sdelay $0x3  }
0x37: {  	[smem:$0x3FB6] =	sst s10  }
0x38: {  	s10 =	sld [smem:$0x3FB7]  }
0x39: {  	_ = 	snop;
	(pc) =	sbr.ind lr, $3  }
0x3a: {  	_ = 	snop  }
0x3b: {  	_ = 	snop  }
0x3c: {  	p2 =	seq.s32 s10, $0x1;
	s10 =	sld [smem:$0x3FB6]  }
0x3d: {  	_ =	shalt  }
0x3e: {  	_ =	shalt  }
0x3f: {  	_ =	shalt  }
0x40: {  	_ =	shalt  }
0x41: {  	_ =	shalt  }
0x42: {  	_ =	shalt  }
0x43: {  	_ =	shalt  }
0x44: {  	_ =	shalt  }
0x45: {  	_ =	shalt  }
0x46: {  	_ =	shalt  }
0x47: {  	_ =	shalt  }
0x48: {  	_ =	shalt  }
0x49: {  	_ =	shalt  }
0x4a: {  	_ =	shalt  }
0x4b: {  	_ =	shalt  }
0x4c: {  	_ =	shalt  }
0x4d: {  	_ =	shalt  }
0x4e: {  	_ =	shalt  }
0x4f: {  	_ =	shalt  }
0x50: {  	_ =	shalt  }
0x51: {  	_ =	shalt  }
0x52: {  	_ =	shalt  }
0x53: {  	_ =	shalt  }
0x54: {  	_ =	shalt  }
0x55: {  	_ =	shalt  }
0x56: {  	_ =	shalt  }
0x57: {  	_ =	shalt  }
0x58: {  	_ =	shalt  }
0x59: {  	_ =	shalt  }
0x5a: {  	_ =	shalt  }
0x5b: {  	_ =	shalt  }
0x5c: {  	_ =	shalt  }
0x5d: {  	_ =	shalt  }
0x5e: {  	_ =	shalt  }
0x5f: {  	_ =	shalt  }
0x60: {  	_ =	shalt  }
0x61: {  	_ =	shalt  }
0x62: {  	_ =	shalt  }
0x63: {  	_ =	shalt  }
0x64: {  	_ =	shalt  }
0x65: {  	_ =	shalt  }
0x66: {  	_ =	shalt  }
0x67: {  	_ =	shalt  }
0x68: {  	_ =	shalt  }
0x69: {  	_ =	shalt  }
0x6a: {  	_ =	shalt  }
0x6b: {  	_ =	shalt  }
0x6c: {  	_ =	shalt  }
0x6d: {  	_ =	shalt  }
0x6e: {  	_ =	shalt  }
0x6f: {  	_ =	shalt  }
0x70: {  	_ =	shalt  }
0x71: {  	_ =	shalt  }
0x72: {  	_ =	shalt  }
0x73: {  	_ =	shalt  }
0x74: {  	_ =	shalt  }
0x75: {  	_ =	shalt  }
0x76: {  	_ =	shalt  }
0x77: {  	_ =	shalt  }
0x78: {  	_ =	shalt  }
0x79: {  	_ =	shalt  }
0x7a: {  	_ =	shalt  }
0x7b: {  	_ =	shalt  }
0x7c: {  	_ =	shalt  }
0x7d: {  	_ =	shalt  }
0x7e: {  	_ =	shalt  }
0x7f: {  	_ =	shalt  }
0x80: {  	_ =	shalt  }
0x81: {  	_ =	shalt  }
0x82: {  	_ =	shalt  }
0x83: {  	_ =	shalt  }
0x84: {  	_ =	shalt  }
0x85: {  	_ =	shalt  }
0x86: {  	_ =	shalt  }
0x87: {  	_ =	shalt  }
.Lfunc_end0:
.L_simem_size_0:
called_computation.1_lowered:
.L_overlay_start_0:
0x88: {  	s2 =	sld [smem:$0x3FD9]  }
0x89: {  	s3 =	sld [smem:$0x3FFE];
	_ =	sdelay $0x1  }
0x8a: {  	s1 =	srdreg.scid  }
0x8b: {  	s0 =	sand.u32 $0x1, s1  }
0x8c: {  	s17 =	sshll.u32 s0, $0xA;
	s2 =	sadd.s32 s3, s2  }
0x8d: {  	s2 =	sadd.s32 s2, s17  }
0x8e: {  	[smem:$0x3FC2] =	sst s2  }
0x8f: {  	_ = 	snop  }
0x90: {  	s2 =	sld [smem:$0x3FC8]  }
0x91: {  	s18 =	sld [smem:$0x3FC7]  }
0x92: {  	s4 =	sld [smem:$0x3FD0];
	(tm) =	ssettm $0x1  }
0x93: {  	s5 =	sld [smem:$0x3FFB];
	_ =	sdelay $0x3  }
0x94: {  	_ =	strace s5  }
0x95: {  	s5 =	sld [smem:$0x3FFC];
	_ =	sdelay $0x3  }
0x96: {  	_ =	strace s5  }
0x97: {  	s5 =	sld [smem:$0x3FFD];
	_ =	sdelay $0x3  }
0x98: {  	_ =	strace s5  }
0x99: {  	_ =	strace $0x8FFFFFFF  }
0x9a: {  	s19 =	sld [smem:$0x3FDB];
	_ =	sdelay $0x1  }
0x9b: {  	s6 =	simm.s32 $_scs_section_size  }
0x9c: {  	s7 =	simm.s32 $_size__tile_overlayer_lowered;
	s8 =	simm.s32 $_tile_overlayer_lowered  }
0x9d: {  	s22 =	simm.s32 $0x1BFF;
	s21 =	sshll.u32 s8, $0x1;
	s5 =	sadd.s32 s6, s19  }
0x9e: {  	s9 =	simm.s32 $0x0;
	s20 =	sshll.u32 s7, $0x1;
	s7 =	sadd.s32 s21, s5  }
0x9f: {  	[timem:s9], [sflag:s22] =	dma.local [hbm:s7], s20  }
0xa0: {  	_ =	swait.ge [sflag:s22], s20  }
0xa1: {  	s6 =	ssub.s32 $0x0, s20;
	[sflag:s22] =	ssyncset.done $0x0  }
0xa2: {  	[sflag:s22] =	ssyncadd.s32 s6;
	_ =	sdelay $0x1  }
0xa3: {  	s23 =	simm.s32 $0x1B8B  }
0xa4: {  	_ =	swait.ge [sflag:s23], $0x1  }
0xa5: {  	[sflag:s23] =	ssyncset.done $0x0  }
0xa6: {  	s25 =	simm.s32 $0x1B8E;
	s24 =	sld [smem:$0x3FFE];
	[sflag:s23] =	ssyncadd.s32 $0xFFFFFFFF  }
0xa7: {  	s26 =	simm.s32 $execute0_lowered;
	[smem:$0x3FD2] =	sst s25  }
0xa8: {  	s7 =	sshll.u32 s26, $0x1;
	_ =	strace $0x80000049;
	[dreg:$0x1] =	wrdreg $0xFFFFFFFF  }
0xa9: {  	s28 =	simm.s32 $_size_execute0_lowered;
	s5 =	sadd.s32 s5, s7;
	[dreg:$0x0] =	wrdreg $0x0  }
0xaa: {  	s7 =	sshll.u32 s28, $0x1;
	[dreg:$0x2] =	wrdreg s5  }
0xab: {  	[dreg:$0x3] =	wrdreg s7  }
0xac: {  	[dreg:$0x4] =	wrdreg $0xC0  }
0xad: {  	_ =	task [dreg:s9], $0x5FFFF  }
0xae: {  	[dreg:$0x1] =	wrdreg $0xFFFFFFFF  }
0xaf: {  	[dreg:$0x0] =	wrdreg $0x60  }
0xb0: {  	[dreg:$0x2] =	wrdreg s24  }
0xb1: {  	[dreg:$0x3] =	wrdreg s18  }
0xb2: {  	[dreg:$0x4] =	wrdreg s2  }
0xb3: {  	[dreg:$0x5] =	wrdreg s4  }
0xb4: {  	[dreg:$0x6] =	wrdreg $0x79400  }
0xb5: {  	[dreg:$0x7] =	wrdreg $0x9  }
0xb6: {  	_ =	task.clear_ibuf [dreg:s9], $0x8FFFF;
	_ =	strace $0x90000049  }
0xb7: {  	s29 =	simm.s32 $0x9;
	_ =	strace $0x8000004B  }
0xb8: {  	_ =	swait.ge [sflag:s29], $0x1  }
0xb9: {  	[sflag:s29] =	ssyncadd.s32 $0xFFFFFFFF  }
0xba: {  	_ =	strace $0x9000004B  }
0xbb: {  	_ =	sfence  }
0xbc: {  	s30 =	sld [smem:$0x0];
	_ =	sdelay $0x2  }
0xbd: {  	s31 =	sshll.u32 s1, $0xD;
	s1 =	sshrl.u32 s1, $0x2  }
0xbe: {  	s3 =	sand.u32 $0x4000, s31;
	s1 =	sadd.s32 s1, s30  }
0xbf: {  	s0 =	sor.u32 s3, s0;
	s1 =	sshll.u32 s1, $0x11  }
0xc0: {  	s0 =	sor.u32 s1, s0  }
0xc1: {  	s0 =	sadd.s32 $0x8F2B, s0  }
0xc2: {  	[sflag:s0] =	ssyncadd.remote.s32 $0x1  }
0xc3: {  	_ =	sfence.sel $0xFFFF  }
0xc4: {  	[dreg:$0x0] =	wrdreg $0xFFFFFFFF;
	(pc) =	sbr.abs _section_cstart, $3  }
0xc5: {  	[dreg:$0x1] =	wrdreg $0xFFFFFFFF  }
0xc6: {  	_ =	task.clear_ibuf [dreg:s9], $0x2FFFF;
	_ =	strace $0x9FFFFFFF  }
0xc7: {  	(tm) =	ssettm $0x7FFFFFFF  }
tec
execute0_lowered:
.L_overlay_start_1:
0x0: {  	(tag) =	ssettag $0x1  }
0x1: {  	s0 =	rddreg [dreg:$0x0]  }
0x2: {  	s1 =	rddreg [dreg:$0x1]  }
0x3: {  	s2 =	rddreg [dreg:$0x2]  }
0x4: {  	s3 =	rddreg [dreg:$0x3]  }
0x5: {  	s4 =	rddreg [dreg:$0x4];
	s6 =	srdreg.scid  }
0x6: {  	s12 =	stileid.u32;
	s5 =	simm.s32 $0x0;
	s28 =	simm.s32 $0x3  }
0x7: {  	s29 =	simm.s32 $0xF0;
	s30 =	simm.s32 $0x2;
	s31 =	simm.s32 $0x6  }
0x8: {  	s7 =	sand.u32 $0x1, s6;
	s8 =	smul.u32 $0x13880, s12;
	[smem:$0x7FF] =	sst s5  }
0x9: {  	s6 =	sadd.s32 $0x1400, s0;
	s20 =	sshll.u32 s12, $0x6;
	s9 =	smul.u32 $0x138800, s7  }
0xa: {  	_ =	strace $0x8000004A;
	s10 =	sshll.u32 s7, $0x4;
	s11 =	ssub.s32 $0x2, s7  }
0xb: {  	s15 =	sor.u32 $0x1C09, s20;
	s20 =	simm.s32 $0x50;
	s17 =	sor.u32 s12, s10  }
0xc: {  	s18 =	sshrl.u32 s11, $0x1;
	s19 =	sshrl.u32 s8, $0x3;
	[dreg:$0x7] =	wrdreg s15  }
0xd: {  	s9 =	sadd.s32 s8, s9;
	s7 =	smul.u32 $0x2710, s17;
	s10 =	ssub.s32 s11, s18  }
0xe: {  	s8 =	sadd.s32 s8, s4;
	s3 =	sadd.s32 s3, s19;
	s11 =	simm.s32 $0x4  }
0xf: {  	s9 =	sshrl.u32 s9, $0x3;
	[dreg:$0x6] =	wrdreg s3;
	s26 =	smax.u32 s10, $0x1  }
0x10: {  	s10 =	simm.s32 $0x0;
	s0 =	sadd.s32 s9, s0;
	s9 =	sadd.s32 $0x50, s7  }
0x11: {  	s21 =	sshrl.u32 s7, $0x3;
	s13 =	sadd.s32 $0xA0, s7;
	s14 =	sadd.s32 $0xF0, s7  }
0x12: {  	[dreg:$0xc] =	wrdreg s26;
	s26 =	simm.s32 $0x2940;
	s23 =	sadd.s32 s1, s21  }
0x13: {  	s22 =	sshrl.u32 s9, $0x3;
	s0 =	sadd.s32 $0x14E00, s0;
	[dreg:$0x8] =	wrdreg s23  }
0x14: {  	s25 =	sadd.s32 s2, s21;
	s24 =	sadd.s32 s1, s22;
	[dreg:$0xb] =	wrdreg s0  }
0x15: {  	s3 =	sadd.s32 $0x4D8, s25;
	s23 =	simm.s32 $0xA0;
	[dreg:$0x9] =	wrdreg s24  }
0x16: {  	s25 =	simm.s32 $0x5;
	[dreg:$0xa] =	wrdreg s3;
	s3 =	sshrl.u32 s8, $0x3  }
0x17: {  	s8 =	simm.s32 $0x9;
	s24 =	simm.s32 $0x1;
	[dreg:$0xd] =	wrdreg s3  }
.LBB2_1:
0x18: {  	[dreg:$0xe] =	wrdreg s10  }
0x19: {  	s0 =	rddreg [dreg:$0x6]  }
0x1a: {  	[spmem:s3], [sflag:s15] =	dma.local [hbm:s0], $0x2710  }
0x1b: {  	_ =	swait.ge [sflag:s8], $0x2710  }
0x1c: {  	[sflag:s8] =	ssyncset.done $0x0  }
0x1d: {  	[sflag:s8] =	ssyncadd.s32 $0xFFFFD8F0  }
0x1e: {  	[bflag:$0x0] =	sbarrier.arrive $0xFFFF  }
0x1f: {  	s18 =	rddreg [dreg:$0x8]  }
0x20: {  	[tilespmem:s5], [sflag:$0x9] =	stream.linear.gather [hbm4b:s18+s5], $0x50, $0x38;
	[tilespmem:$0x1B1C0] =	vst v63  }
0x21: {  	_ =	swait.ge [sflag:s8], $0x50  }
0x22: {  	[sflag:s8] =	ssyncset.done $0x0  }
0x23: {  	s19 =	rddreg [dreg:$0x9];
	[sflag:s8] =	ssyncadd.s32 $0xFFFFFFB0  }
0x24: {  	[tilespmem:s20], [sflag:$0x9] =	stream.linear.gather [hbm4b:s19+s5], $0x50, $0x38;
	[tilespmem:$0x1B1C0] =	vst v63  }
0x25: {  	_ =	swait.ge [sflag:s8], $0x50  }
0x26: {  	[sflag:s8] =	ssyncset.done $0x0  }
0x27: {  	s21 =	simm.s32 $0x140;
	[sflag:s8] =	ssyncadd.s32 $0xFFFFFFB0  }
0x28: {  	[tilespmem:s21], [sflag:$0x1] =	stream.indirect.gather [hbm4b:s6+s20], $0x40, s5, s20, $0xb8;
	[tilespmem:$0x1B1C0] =	vst v63  }
0x29: {  	s22 =	simm.s32 $0x1540;
	s15 =	simm.s32 $0x0  }
0x2a: {  	[tilespmem:s22], [sflag:$0x2] =	stream.indirect.gather [hbm4b:s6+s20], $0x40, s20, s20, $0xb8;
	[tilespmem:$0x1B1C0] =	vst v63  }
.LBB2_2:
0x2b: {  	p0 =	seq.s32 s15, $0x0;
	s16 =	smul.u32 $0xA0, s15  }
0x2c: {  	s0 =	simm.s32 @!p0 $0x7  }
0x2d: {  	_ =	swait.ge @!p0 [sflag:s0], $0x2800;
	s3 =	sadd.s32 s7, s16  }
0x2e: {  	[sflag:s0] =	ssyncset.done @!p0 $0x0;
	s3 =	sshrl.u32 s3, $0x3  }
0x2f: {  	s21 =	simm.s32 $0x0;
	[sflag:s0] =	ssyncadd.s32 @!p0 $0xFFFFD800;
	s19 =	sadd.s32 s2, s3  }
0x30: {  	[tilespmem:s23], [sflag:$0x5] =	stream.linear.gather [hbm4b:s19+s21], $0x50, $0x38;
	[tilespmem:$0x1B1C0] =	vst v63  }
0x31: {  	s22 =	sadd.s32 s16, s13;
	_ =	swait.ge [sflag:s24], $0x1400  }
0x32: {  	s0 =	sshrl.u32 s22, $0x3;
	[sflag:s24] =	ssyncset.done $0x0  }
0x33: {  	s0 =	sadd.s32 s1, s0;
	s19 =	simm.s32 $0x0;
	[sflag:s24] =	ssyncadd.s32 $0xFFFFEC00  }
0x34: {  	[tilespmem:s21], [sflag:$0x3] =	stream.linear.gather [hbm4b:s0+s21], $0x50, $0x38;
	[tilespmem:$0x1B1C0] =	vst v63  }
0x35: {  	v0 =	vld [tilespmem:s19+$0x140];
	_ =	sdelay $0x4  }
0x36: {  	s17 =	simm.s32 $0x2980;
	s10 =	simm.s32 $0x40;
	v1 =	vshll.u32 v0, $0x10  }
0x37: {  	v0 =	vand.u32 $0xFFFF0000, v0;
	[tilespmem:s17+$0xFFFFFFC0] =	vst v1;
	v1 =	vld [tilespmem:s10+$0x140]  }
0x38: {  	[tilespmem:s17+$0xFFFFFFD0] =	vst v0  }
0x39: {  	v0 =	vld [tilespmem:s19+$0x150];
	_ =	sdelay $0x2  }
0x3a: {  	s8 =	simm.s32 $0x2A00;
	s3 =	simm.s32 $0x80;
	v2 =	vshll.u32 v1, $0x10  }
0x3b: {  	v1 =	vand.u32 $0xFFFF0000, v1;
	[tilespmem:s8+$0xFFFFFFC0] =	vst v2;
	v2 =	vld [tilespmem:s3+$0x140]  }
0x3c: {  	[tilespmem:s8+$0xFFFFFFD0] =	vst v1;
	v1 =	vand.u32 $0xFFFF0000, v0  }
0x3d: {  	v0 =	vshll.u32 v0, $0x10;
	[tilespmem:s17+$0xFFFFFFF0] =	vst v1;
	v1 =	vld [tilespmem:s10+$0x150]  }
0x3e: {  	[tilespmem:s17+$0xFFFFFFE0] =	vst v0  }
0x3f: {  	v0 =	vld [tilespmem:s19+$0x160]  }
0x40: {  	s18 =	simm.s32 $0x2A80;
	s22 =	simm.s32 $0xC0;
	v3 =	vshll.u32 v2, $0x10  }
0x41: {  	v2 =	vand.u32 $0xFFFF0000, v2;
	[tilespmem:s18+$0xFFFFFFC0] =	vst v3;
	v3 =	vld [tilespmem:s22+$0x140]  }
0x42: {  	[tilespmem:s18+$0xFFFFFFD0] =	vst v2;
	v2 =	vand.u32 $0xFFFF0000, v1;
	v1 =	vshll.u32 v1, $0x10  }
0x43: {  	[tilespmem:s8+$0xFFFFFFE0] =	vst v1;
	v1 =	vld [tilespmem:s3+$0x150]  }
0x44: {  	[tilespmem:s8+$0xFFFFFFF0] =	vst v2;
	v2 =	vshll.u32 v0, $0x10;
	v0 =	vand.u32 $0xFFFF0000, v0  }
0x45: {  	[tilespmem:s17+$0x10] =	vst v0;
	v0 =	vld [tilespmem:s10+$0x160]  }
0x46: {  	s12 =	simm.s32 $0x2B00;
	s0 =	simm.s32 $0x400;
	[tilespmem:s17+$0x0] =	vst v2;
	v2 =	vshll.u32 v3, $0x10;
	v3 =	vand.u32 $0xFFFF0000, v3  }
.LBB2_3:
0x47: {  	s21 =	sshra.s32 s0, $0x2;
	p1 =	sne.s32 s0, $0x4F00;
	s0 =	sadd.s32 $0x100, s0;
	[tilespmem:s12+$0xFFFFFFC0] =	vst v2;
	v2 =	vld [tilespmem:s19+$0x170]  }
0x48: {  	s19 =	smov.u32 s10;
	s10 =	smov.u32 s3;
	s3 =	smov.u32 s22;
	v4 =	vld [tilespmem:s21+$0x140];
	[tilespmem:s12+$0xFFFFFFD0] =	vst v3;
	v3 =	vand.u32 $0xFFFF0000, v1  }
0x49: {  	v1 =	vshll.u32 v1, $0x10;
	s22 =	smov.u32 s21;
	s21 =	smov.u32 s12;
	[tilespmem:s18+$0xFFFFFFF0] =	vst v3  }
.Ltmp0:
0x4a: {  	[tilespmem:s18+$0xFFFFFFE0] =	vst v1;
	v3 =	vshll.u32 v0, $0x10;
	v0 =	vand.u32 $0xFFFF0000, v0;
	(pc) =	sbr.rel @p1 .LBB2_3-.Ltmp0, $4  }
0x4b: {  	v1 =	vld [tilespmem:s3+$0x150];
	[tilespmem:s8+$0x0] =	vst v3  }
0x4c: {  	[tilespmem:s8+$0x10] =	vst v0;
	v5 =	vshll.u32 v2, $0x10;
	v3 =	vand.u32 $0xFFFF0000, v2  }
0x4d: {  	s12 =	sadd.s32 $0x80, s12;
	v2 =	vshll.u32 v4, $0x10;
	v0 =	vld [tilespmem:s10+$0x160];
	[tilespmem:s17+$0x30] =	vst v3  }
0x4e: {  	v3 =	vand.u32 $0xFFFF0000, v4;
	[tilespmem:s17+$0x20] =	vst v5;
	s17 =	smov.u32 s8;
	s8 =	smov.u32 s18;
	s18 =	smov.u32 s21  }
0x4f: {  	[tilespmem:s12+$0xFFFFFFC0] =	vst v2  }
0x50: {  	[tilespmem:s12+$0xFFFFFFD0] =	vst v3  }
0x51: {  	v2 =	vld [tilespmem:s22+$0x150];
	_ =	sdelay $0x2  }
0x52: {  	v3 =	vand.u32 $0xFFFF0000, v1  }
0x53: {  	v1 =	vshll.u32 v1, $0x10;
	[tilespmem:s18+$0xFFFFFFF0] =	vst v3  }
0x54: {  	[tilespmem:s18+$0xFFFFFFE0] =	vst v1;
	v1 =	vand.u32 $0xFFFF0000, v2  }
0x55: {  	v3 =	vld [tilespmem:s3+$0x160];
	v2 =	vshll.u32 v2, $0x10;
	[tilespmem:s12+$0xFFFFFFF0] =	vst v1  }
0x56: {  	[tilespmem:s12+$0xFFFFFFE0] =	vst v2  }
0x57: {  	v1 =	vld [tilespmem:s22+$0x160]  }
0x58: {  	v2 =	vshll.u32 v0, $0x10  }
0x59: {  	v0 =	vand.u32 $0xFFFF0000, v0;
	[tilespmem:s8+$0x0] =	vst v2;
	v2 =	vld [tilespmem:s19+$0x170]  }
0x5a: {  	[tilespmem:s8+$0x10] =	vst v0;
	v0 =	vshll.u32 v3, $0x10  }
0x5b: {  	v3 =	vand.u32 $0xFFFF0000, v3;
	[tilespmem:s18+$0x0] =	vst v0;
	v0 =	vld [tilespmem:s10+$0x170]  }
0x5c: {  	[tilespmem:s18+$0x10] =	vst v3;
	v3 =	vshll.u32 v1, $0x10  }
0x5d: {  	v1 =	vand.u32 $0xFFFF0000, v1;
	[tilespmem:s12+$0x0] =	vst v3;
	v3 =	vld [tilespmem:s3+$0x170]  }
0x5e: {  	[tilespmem:s12+$0x10] =	vst v1;
	v1 =	vand.u32 $0xFFFF0000, v2  }
0x5f: {  	v2 =	vshll.u32 v2, $0x10;
	[tilespmem:s17+$0x30] =	vst v1;
	v1 =	vld [tilespmem:s22+$0x170]  }
0x60: {  	[tilespmem:s17+$0x20] =	vst v2;
	v2 =	vand.u32 $0xFFFF0000, v0  }
0x61: {  	v0 =	vshll.u32 v0, $0x10;
	[tilespmem:s8+$0x30] =	vst v2  }
0x62: {  	[tilespmem:s8+$0x20] =	vst v0;
	v0 =	vand.u32 $0xFFFF0000, v3  }
0x63: {  	v2 =	vshll.u32 v3, $0x10;
	[tilespmem:s18+$0x30] =	vst v0  }
0x64: {  	[tilespmem:s18+$0x20] =	vst v2;
	v0 =	vand.u32 $0xFFFF0000, v1  }
0x65: {  	v1 =	vshll.u32 v1, $0x10;
	[tilespmem:s12+$0x30] =	vst v0  }
0x66: {  	[tilespmem:s12+$0x20] =	vst v1  }
0x67: {  	_ =	swait.ge [sflag:s25], $0x50  }
0x68: {  	[sflag:s25] =	ssyncset.done $0x0  }
0x69: {  	[sflag:s25] =	ssyncadd.s32 $0xFFFFFFB0  }
0x6a: {  	[spmem:s4] =	stream.indirect.scatter.add.f32 [tilespmem:s26], [sflag:$0x7], $0x80, s23, s20, $0xb8;
	[tilespmem:$0x1B1C0] =	vst v63  }
0x6b: {  	_ =	swait.ge [sflag:s28], $0x50  }
0x6c: {  	[sflag:s28] =	ssyncset.done $0x0  }
0x6d: {  	s0 =	simm.s32 $0x140;
	[sflag:s28] =	ssyncadd.s32 $0xFFFFFFB0  }
0x6e: {  	[tilespmem:s0], [sflag:$0x1] =	stream.indirect.gather [hbm4b:s6+s20], $0x40, s5, s20, $0xb8;
	[tilespmem:$0x1B1C0] =	vst v63  }
0x6f: {  	s0 =	simm.s32 @!p0 $0x8  }
0x70: {  	s21 =	sadd.s32 s16, s9;
	_ =	swait.ge @!p0 [sflag:s0], $0x2800  }
0x71: {  	s3 =	sshrl.u32 s21, $0x3;
	[sflag:s0] =	ssyncset.done @!p0 $0x0  }
0x72: {  	s22 =	sadd.s32 s2, s3;
	[sflag:s0] =	ssyncadd.s32 @!p0 $0xFFFFD800;
	p0 =	seq.s32 s15, $0x3D  }
0x73: {  	[tilespmem:s29], [sflag:$0x6] =	stream.linear.gather [hbm4b:s22+s5], $0x50, $0x38;
	[tilespmem:$0x1B1C0] =	vst v63  }
0x74: {  	s18 =	simm.s32 $0x0;
	s0 =	sadd.s32 @!p0 s16, s14;
	_ =	swait.ge [sflag:s30], $0x1400  }
0x75: {  	s3 =	simm.s32 @!p0 $0x0;
	s0 =	sshrl.u32 @!p0 s0, $0x3;
	[sflag:s30] =	ssyncset.done $0x0  }
0x76: {  	s8 =	simm.s32 @!p0 $0x50;
	s0 =	sadd.s32 @!p0 s1, s0;
	[sflag:s30] =	ssyncadd.s32 $0xFFFFEC00  }
0x77: {  	[tilespmem:s8], [sflag:$0x4] =	stream.linear.gather @!p0 [hbm4b:s0+s3], $0x50, $0x38;
	[tilespmem:$0x1B1C0] =	vst v63  }
0x78: {  	v0 =	vld [tilespmem:s18+$0x1540];
	_ =	sdelay $0x4  }
0x79: {  	s10 =	simm.s32 $0x40;
	s16 =	simm.s32 $0x5180;
	v1 =	vshll.u32 v0, $0x10  }
0x7a: {  	v0 =	vand.u32 $0xFFFF0000, v0;
	[tilespmem:s16+$0xFFFFFFC0] =	vst v1;
	v1 =	vld [tilespmem:s10+$0x1540]  }
0x7b: {  	[tilespmem:s16+$0xFFFFFFD0] =	vst v0  }
0x7c: {  	v0 =	vld [tilespmem:s18+$0x1550];
	_ =	sdelay $0x2  }
0x7d: {  	s8 =	simm.s32 $0x5200;
	s3 =	simm.s32 $0x80;
	v2 =	vshll.u32 v1, $0x10  }
0x7e: {  	v1 =	vand.u32 $0xFFFF0000, v1;
	[tilespmem:s8+$0xFFFFFFC0] =	vst v2;
	v2 =	vld [tilespmem:s3+$0x1540]  }
0x7f: {  	[tilespmem:s8+$0xFFFFFFD0] =	vst v1;
	v1 =	vand.u32 $0xFFFF0000, v0  }
0x80: {  	v0 =	vshll.u32 v0, $0x10;
	[tilespmem:s16+$0xFFFFFFF0] =	vst v1;
	v1 =	vld [tilespmem:s10+$0x1550]  }
0x81: {  	[tilespmem:s16+$0xFFFFFFE0] =	vst v0  }
0x82: {  	v0 =	vld [tilespmem:s18+$0x1560]  }
0x83: {  	s19 =	simm.s32 $0xC0;
	s17 =	simm.s32 $0x5280;
	v3 =	vshll.u32 v2, $0x10  }
0x84: {  	v2 =	vand.u32 $0xFFFF0000, v2;
	[tilespmem:s17+$0xFFFFFFC0] =	vst v3;
	v3 =	vld [tilespmem:s19+$0x1540]  }
0x85: {  	[tilespmem:s17+$0xFFFFFFD0] =	vst v2;
	v2 =	vand.u32 $0xFFFF0000, v1;
	v1 =	vshll.u32 v1, $0x10  }
0x86: {  	[tilespmem:s8+$0xFFFFFFE0] =	vst v1;
	v1 =	vld [tilespmem:s3+$0x1550]  }
0x87: {  	[tilespmem:s8+$0xFFFFFFF0] =	vst v2;
	v2 =	vshll.u32 v0, $0x10;
	v0 =	vand.u32 $0xFFFF0000, v0  }
0x88: {  	[tilespmem:s16+$0x10] =	vst v0;
	v0 =	vld [tilespmem:s10+$0x1560]  }
0x89: {  	s12 =	simm.s32 $0x5300;
	s0 =	simm.s32 $0x400;
	[tilespmem:s16+$0x0] =	vst v2;
	v2 =	vshll.u32 v3, $0x10;
	v3 =	vand.u32 $0xFFFF0000, v3  }
.LBB2_5:
0x8a: {  	s21 =	sshra.s32 s0, $0x2;
	p1 =	sne.s32 s0, $0x4F00;
	s0 =	sadd.s32 $0x100, s0;
	[tilespmem:s12+$0xFFFFFFC0] =	vst v2;
	v2 =	vld [tilespmem:s18+$0x1570]  }
0x8b: {  	s18 =	smov.u32 s10;
	s10 =	smov.u32 s3;
	s3 =	smov.u32 s19;
	v4 =	vld [tilespmem:s21+$0x1540];
	[tilespmem:s12+$0xFFFFFFD0] =	vst v3;
	v3 =	vand.u32 $0xFFFF0000, v1  }
0x8c: {  	v1 =	vshll.u32 v1, $0x10;
	s19 =	smov.u32 s21;
	s21 =	smov.u32 s12;
	[tilespmem:s17+$0xFFFFFFF0] =	vst v3  }
.Ltmp1:
0x8d: {  	[tilespmem:s17+$0xFFFFFFE0] =	vst v1;
	v3 =	vshll.u32 v0, $0x10;
	v0 =	vand.u32 $0xFFFF0000, v0;
	(pc) =	sbr.rel @p1 .LBB2_5-.Ltmp1, $4  }
0x8e: {  	v1 =	vld [tilespmem:s3+$0x1550];
	[tilespmem:s8+$0x0] =	vst v3  }
0x8f: {  	[tilespmem:s8+$0x10] =	vst v0;
	v5 =	vshll.u32 v2, $0x10;
	v3 =	vand.u32 $0xFFFF0000, v2  }
0x90: {  	s12 =	sadd.s32 $0x80, s12;
	v2 =	vshll.u32 v4, $0x10;
	v0 =	vld [tilespmem:s10+$0x1560];
	[tilespmem:s16+$0x30] =	vst v3  }
0x91: {  	v3 =	vand.u32 $0xFFFF0000, v4;
	[tilespmem:s16+$0x20] =	vst v5;
	s16 =	smov.u32 s8;
	s8 =	smov.u32 s17;
	s17 =	smov.u32 s21  }
0x92: {  	[tilespmem:s12+$0xFFFFFFC0] =	vst v2  }
0x93: {  	[tilespmem:s12+$0xFFFFFFD0] =	vst v3  }
0x94: {  	v2 =	vld [tilespmem:s19+$0x1550];
	_ =	sdelay $0x2  }
0x95: {  	v48 =	vand.u32 $0xFFFF0000, v1  }
0x96: {  	v49 =	vshll.u32 v1, $0x10;
	[tilespmem:s17+$0xFFFFFFF0] =	vst v48  }
0x97: {  	[tilespmem:s17+$0xFFFFFFE0] =	vst v49;
	v50 =	vand.u32 $0xFFFF0000, v2  }
0x98: {  	v3 =	vld [tilespmem:s3+$0x1560];
	v2 =	vshll.u32 v2, $0x10;
	[tilespmem:s12+$0xFFFFFFF0] =	vst v50  }
0x99: {  	[tilespmem:s12+$0xFFFFFFE0] =	vst v2  }
0x9a: {  	v1 =	vld [tilespmem:s19+$0x1560]  }
0x9b: {  	v51 =	vshll.u32 v0, $0x10  }
0x9c: {  	v52 =	vld [tilespmem:s18+$0x1570];
	v53 =	vand.u32 $0xFFFF0000, v0;
	[tilespmem:s8+$0x0] =	vst v51  }
0x9d: {  	[tilespmem:s8+$0x10] =	vst v53;
	v54 =	vshll.u32 v3, $0x10  }
0x9e: {  	v55 =	vld [tilespmem:s10+$0x1570];
	v3 =	vand.u32 $0xFFFF0000, v3;
	[tilespmem:s17+$0x0] =	vst v54  }
0x9f: {  	[tilespmem:s17+$0x10] =	vst v3;
	v56 =	vshll.u32 v1, $0x10  }
0xa0: {  	v57 =	vld [tilespmem:s3+$0x1570];
	v1 =	vand.u32 $0xFFFF0000, v1;
	[tilespmem:s12+$0x0] =	vst v56  }
0xa1: {  	v58 =	vand.u32 $0xFFFF0000, v52;
	[tilespmem:s12+$0x10] =	vst v1  }
0xa2: {  	[tilespmem:s16+$0x30] =	vst v58;
	v2 =	vshll.u32 v52, $0x10;
	v59 =	vld [tilespmem:s19+$0x1570]  }
0xa3: {  	[tilespmem:s16+$0x20] =	vst v2;
	v60 =	vand.u32 $0xFFFF0000, v55  }
0xa4: {  	v0 =	vshll.u32 v55, $0x10;
	[tilespmem:s8+$0x30] =	vst v60  }
0xa5: {  	[tilespmem:s8+$0x20] =	vst v0;
	v61 =	vand.u32 $0xFFFF0000, v57  }
0xa6: {  	v62 =	vshll.u32 v57, $0x10;
	[tilespmem:s17+$0x30] =	vst v61  }
0xa7: {  	[tilespmem:s17+$0x20] =	vst v62;
	v63 =	vand.u32 $0xFFFF0000, v59  }
0xa8: {  	v1 =	vshll.u32 v59, $0x10;
	[tilespmem:s12+$0x30] =	vst v63  }
.Ltmp2:
0xa9: {  	[tilespmem:s12+$0x20] =	vst v1;
	(pc) =	sbr.rel @p0 .LBB2_8-.Ltmp2, $4  }
0xaa: {  	_ =	swait.ge [sflag:s31], $0x50  }
0xab: {  	[sflag:s31] =	ssyncset.done $0x0  }
0xac: {  	s0 =	simm.s32 $0x5140;
	[sflag:s31] =	ssyncadd.s32 $0xFFFFFFB0  }
0xad: {  	[spmem:s4] =	stream.indirect.scatter.add.f32 [tilespmem:s0], [sflag:$0x8], $0x80, s29, s20, $0xb8;
	[tilespmem:$0x1B1C0] =	vst v63  }
.Ltmp3:
0xae: {  	(pc) =	sbr.rel .LBB2_2-.Ltmp3, $4  }
0xaf: {  	_ =	swait.ge [sflag:s11], $0x50  }
0xb0: {  	[sflag:s11] =	ssyncset.done $0x0  }
0xb1: {  	s0 =	simm.s32 $0x1540;
	s15 =	sadd.s32 $0x1, s15;
	[sflag:s11] =	ssyncadd.s32 $0xFFFFFFB0  }
0xb2: {  	[tilespmem:s0], [sflag:$0x2] =	stream.indirect.gather [hbm4b:s6+s20], $0x40, s20, s20, $0xb8;
	[tilespmem:$0x1B1C0] =	vst v63  }
.LBB2_8:
0xb3: {  	s0 =	simm.s32 $0x7  }
0xb4: {  	_ =	swait.ge [sflag:s0], $0x2800  }
0xb5: {  	[sflag:s0] =	ssyncset.done $0x0  }
0xb6: {  	s22 =	simm.s32 $0x0;
	s3 =	rddreg [dreg:$0xa];
	[sflag:s0] =	ssyncadd.s32 $0xFFFFD800  }
0xb7: {  	[tilespmem:s23], [sflag:$0x5] =	stream.linear.gather [hbm4b:s3+s22], $0x50, $0x38;
	[tilespmem:$0x1B1C0] =	vst v63  }
0xb8: {  	_ =	swait.ge [sflag:s24], $0x1400  }
0xb9: {  	[sflag:s24] =	ssyncset.done $0x0  }
0xba: {  	s17 =	simm.s32 $0x0;
	[sflag:s24] =	ssyncadd.s32 $0xFFFFEC00  }
0xbb: {  	v0 =	vld [tilespmem:s17+$0x140];
	_ =	sdelay $0x4  }
0xbc: {  	s15 =	simm.s32 $0x2980;
	s10 =	simm.s32 $0x40;
	v1 =	vshll.u32 v0, $0x10  }
0xbd: {  	v0 =	vand.u32 $0xFFFF0000, v0;
	[tilespmem:s15+$0xFFFFFFC0] =	vst v1;
	v1 =	vld [tilespmem:s10+$0x140]  }
0xbe: {  	[tilespmem:s15+$0xFFFFFFD0] =	vst v0  }
0xbf: {  	v0 =	vld [tilespmem:s17+$0x150];
	_ =	sdelay $0x2  }
0xc0: {  	s8 =	simm.s32 $0x2A00;
	s3 =	simm.s32 $0x80;
	v2 =	vshll.u32 v1, $0x10  }
0xc1: {  	v1 =	vand.u32 $0xFFFF0000, v1;
	[tilespmem:s8+$0xFFFFFFC0] =	vst v2;
	v2 =	vld [tilespmem:s3+$0x140]  }
0xc2: {  	[tilespmem:s8+$0xFFFFFFD0] =	vst v1;
	v1 =	vand.u32 $0xFFFF0000, v0  }
0xc3: {  	v0 =	vshll.u32 v0, $0x10;
	[tilespmem:s15+$0xFFFFFFF0] =	vst v1;
	v1 =	vld [tilespmem:s10+$0x150]  }
0xc4: {  	[tilespmem:s15+$0xFFFFFFE0] =	vst v0  }
0xc5: {  	v0 =	vld [tilespmem:s17+$0x160]  }
0xc6: {  	s16 =	simm.s32 $0x2A80;
	s18 =	simm.s32 $0xC0;
	v3 =	vshll.u32 v2, $0x10  }
0xc7: {  	v2 =	vand.u32 $0xFFFF0000, v2;
	[tilespmem:s16+$0xFFFFFFC0] =	vst v3;
	v3 =	vld [tilespmem:s18+$0x140]  }
0xc8: {  	[tilespmem:s16+$0xFFFFFFD0] =	vst v2;
	v2 =	vand.u32 $0xFFFF0000, v1;
	v1 =	vshll.u32 v1, $0x10  }
0xc9: {  	[tilespmem:s8+$0xFFFFFFE0] =	vst v1;
	v1 =	vld [tilespmem:s3+$0x150]  }
0xca: {  	[tilespmem:s8+$0xFFFFFFF0] =	vst v2;
	v2 =	vshll.u32 v0, $0x10;
	v0 =	vand.u32 $0xFFFF0000, v0  }
0xcb: {  	[tilespmem:s15+$0x10] =	vst v0;
	v0 =	vld [tilespmem:s10+$0x160]  }
0xcc: {  	s12 =	simm.s32 $0x2B00;
	s0 =	simm.s32 $0x400;
	[tilespmem:s15+$0x0] =	vst v2;
	v2 =	vshll.u32 v3, $0x10;
	v3 =	vand.u32 $0xFFFF0000, v3  }
.LBB2_9:
0xcd: {  	s19 =	sshra.s32 s0, $0x2;
	p0 =	sne.s32 s0, $0x4F00;
	s0 =	sadd.s32 $0x100, s0;
	[tilespmem:s12+$0xFFFFFFC0] =	vst v2;
	v2 =	vld [tilespmem:s17+$0x170]  }
0xce: {  	s17 =	smov.u32 s10;
	s10 =	smov.u32 s3;
	s3 =	smov.u32 s18;
	v4 =	vld [tilespmem:s19+$0x140];
	[tilespmem:s12+$0xFFFFFFD0] =	vst v3;
	v3 =	vand.u32 $0xFFFF0000, v1  }
0xcf: {  	v1 =	vshll.u32 v1, $0x10;
	s18 =	smov.u32 s19;
	s19 =	smov.u32 s12;
	[tilespmem:s16+$0xFFFFFFF0] =	vst v3  }
.Ltmp4:
0xd0: {  	[tilespmem:s16+$0xFFFFFFE0] =	vst v1;
	v3 =	vshll.u32 v0, $0x10;
	v0 =	vand.u32 $0xFFFF0000, v0;
	(pc) =	sbr.rel @p0 .LBB2_9-.Ltmp4, $4  }
0xd1: {  	v1 =	vld [tilespmem:s3+$0x150];
	[tilespmem:s8+$0x0] =	vst v3  }
0xd2: {  	[tilespmem:s8+$0x10] =	vst v0;
	v5 =	vshll.u32 v2, $0x10;
	v3 =	vand.u32 $0xFFFF0000, v2  }
0xd3: {  	s12 =	sadd.s32 $0x80, s12;
	v2 =	vshll.u32 v4, $0x10;
	v0 =	vld [tilespmem:s10+$0x160];
	[tilespmem:s15+$0x30] =	vst v3  }
0xd4: {  	v3 =	vand.u32 $0xFFFF0000, v4;
	[tilespmem:s15+$0x20] =	vst v5;
	s15 =	smov.u32 s8;
	s8 =	smov.u32 s16;
	s16 =	smov.u32 s19  }
0xd5: {  	[tilespmem:s12+$0xFFFFFFC0] =	vst v2  }
0xd6: {  	[tilespmem:s12+$0xFFFFFFD0] =	vst v3  }
0xd7: {  	v2 =	vld [tilespmem:s18+$0x150];
	_ =	sdelay $0x2  }
0xd8: {  	v48 =	vand.u32 $0xFFFF0000, v1  }
0xd9: {  	v49 =	vshll.u32 v1, $0x10;
	[tilespmem:s16+$0xFFFFFFF0] =	vst v48  }
0xda: {  	[tilespmem:s16+$0xFFFFFFE0] =	vst v49;
	v50 =	vand.u32 $0xFFFF0000, v2  }
0xdb: {  	v3 =	vld [tilespmem:s3+$0x160];
	v2 =	vshll.u32 v2, $0x10;
	[tilespmem:s12+$0xFFFFFFF0] =	vst v50  }
0xdc: {  	[tilespmem:s12+$0xFFFFFFE0] =	vst v2  }
0xdd: {  	v1 =	vld [tilespmem:s18+$0x160]  }
0xde: {  	v51 =	vshll.u32 v0, $0x10  }
0xdf: {  	v52 =	vld [tilespmem:s17+$0x170];
	v53 =	vand.u32 $0xFFFF0000, v0;
	[tilespmem:s8+$0x0] =	vst v51  }
0xe0: {  	[tilespmem:s8+$0x10] =	vst v53;
	v54 =	vshll.u32 v3, $0x10  }
0xe1: {  	v55 =	vld [tilespmem:s10+$0x170];
	v3 =	vand.u32 $0xFFFF0000, v3;
	[tilespmem:s16+$0x0] =	vst v54  }
0xe2: {  	[tilespmem:s16+$0x10] =	vst v3;
	v56 =	vshll.u32 v1, $0x10  }
0xe3: {  	v57 =	vld [tilespmem:s3+$0x170];
	v1 =	vand.u32 $0xFFFF0000, v1;
	[tilespmem:s12+$0x0] =	vst v56  }
0xe4: {  	v58 =	vand.u32 $0xFFFF0000, v52;
	[tilespmem:s12+$0x10] =	vst v1  }
0xe5: {  	[tilespmem:s15+$0x30] =	vst v58;
	v2 =	vshll.u32 v52, $0x10;
	v59 =	vld [tilespmem:s18+$0x170]  }
0xe6: {  	[tilespmem:s15+$0x20] =	vst v2;
	v60 =	vand.u32 $0xFFFF0000, v55  }
0xe7: {  	v0 =	vshll.u32 v55, $0x10;
	[tilespmem:s8+$0x30] =	vst v60  }
0xe8: {  	[tilespmem:s8+$0x20] =	vst v0;
	v61 =	vand.u32 $0xFFFF0000, v57  }
0xe9: {  	v62 =	vshll.u32 v57, $0x10;
	[tilespmem:s16+$0x30] =	vst v61  }
0xea: {  	[tilespmem:s16+$0x20] =	vst v62;
	v63 =	vand.u32 $0xFFFF0000, v59  }
0xeb: {  	v1 =	vshll.u32 v59, $0x10;
	[tilespmem:s12+$0x30] =	vst v63  }
0xec: {  	[tilespmem:s12+$0x20] =	vst v1  }
0xed: {  	_ =	swait.ge [sflag:s25], $0x50  }
0xee: {  	[sflag:s25] =	ssyncset.done $0x0  }
0xef: {  	s0 =	simm.s32 $0x7;
	[sflag:s25] =	ssyncadd.s32 $0xFFFFFFB0  }
0xf0: {  	[spmem:s4] =	stream.indirect.scatter.add.f32 [tilespmem:s26], [sflag:$0x7], $0x80, s23, s20, $0xb8;
	[tilespmem:$0x1B1C0] =	vst v63  }
0xf1: {  	_ =	swait.ge [sflag:s0], $0x2800  }
0xf2: {  	[sflag:s0] =	ssyncset.done $0x0  }
0xf3: {  	s18 =	simm.s32 $0x8;
	[sflag:s0] =	ssyncadd.s32 $0xFFFFD800  }
0xf4: {  	_ =	swait.ge [sflag:s18], $0x2800  }
0xf5: {  	[sflag:s18] =	ssyncset.done $0x0  }
0xf6: {  	[sflag:s18] =	ssyncadd.s32 $0xFFFFD800  }
0xf7: {  	[bflag:$0x0] =	sbarrier.arrive $0xFFFF  }
0xf8: {  	s15 =	rddreg [dreg:$0x7]  }
0xf9: {  	s19 =	rddreg [dreg:$0xb]  }
0xfa: {  	s8 =	simm.s32 $0x9;
	s3 =	rddreg [dreg:$0xd]  }
0xfb: {  	[hbm:s19], [sflag:s15] =	dma.local [spmem:s3], $0x2710  }
0xfc: {  	_ =	swait.ge [sflag:s8], $0x2710  }
0xfd: {  	s21 =	rddreg [dreg:$0xe]  }
0xfe: {  	s22 =	rddreg [dreg:$0xc];
	s10 =	sadd.s32 $0x1, s21  }
0xff: {  	p0 =	sne.s32 s10, s22  }
.Ltmp5:
0x100: {  	_ = 	snop;
	(pc) =	sbr.rel @p0 .LBB2_1-.Ltmp5, $3  }
0x101: {  	_ =	sdelay $0x1  }
0x102: {  	[sflag:s8] =	ssyncset.done $0x0  }
0x103: {  	[sflag:s8] =	ssyncadd.s32 $0xFFFFD8F0  }
0x104: {  	_ =	sfence.sel $0x180000  }
0x105: {  	[bflag:$0x0] =	sbarrier.arrive $0xFFFF  }
0x106: {  	_ =	strace $0x9000004A  }
0x107: {  	s0 =	stileid.u32;
	[bflag:$0x2] =	sbarrier.arrive $0xFFFF  }
0x108: {  	p0 =	sne.s32 s0, $0x0;
	s0 =	rddreg [dreg:$0x5]  }
0x109: {  	s0 =	sadd.s32 @!p0 $0x100000, s0  }
0x10a: {  	[sflag:s0] =	ssyncadd.tile.s32 @!p0 $0x1;
	_ =	shalt  }
.Lfunc_end2:
_tile_overlayer_lowered:
.L_overlay_start_2:
0x10b: {  	(tag) =	ssettag $0x2  }
0x10c: {  	s0 =	rddreg [dreg:$0x0];
	s2 =	stileid.u32  }
0x10d: {  	s1 =	rddreg [dreg:$0x1];
	p0 =	sne.s32 s2, $0x0  }
0x10e: {  	s3 =	rddreg [dreg:$0x2];
	[bflag:$0x3] =	sbarrier.arrive $0xFFFF;
	s2 =	simm.s32 @!p0 $0x1C09  }
0x10f: {  	[timem:s3], [sflag:s2] =	dma.local @!p0 [hbm:s0], s1  }
0x110: {  	s0 =	simm.s32 @!p0 $0x9  }
0x111: {  	_ =	swait.ge @!p0 [sflag:s0], s1  }
0x112: {  	s1 =	ssub.s32 @!p0 $0x0, s1;
	[sflag:s0] =	ssyncset.done @!p0 $0x0  }
0x113: {  	[sflag:s0] =	ssyncadd.s32 @!p0 s1  }
0x114: {  	[bflag:$0x3] =	sbarrier.arrive $0xFFFF  }
0x115: {  	_ =	shalt  }

// kernel: kernel.7.cloned.1.call-start
scs
__scs_entry_jumppad:
0x0: {  	(pc) =	sbr.rel $0x88, $3  }
0x1: {  	(tag) =	ssettag $0x0;
	lr =	simm.s32 $0x1  }
0x2: {  	[smem:$0x3F9B] =	sst lr;
	_ =	strace $0xD0000000  }
0x3: {  	_ = 	snop  }
0x4: {  	_ = 	snop  }
0x5: {  	_ = 	snop  }
0x6: {  	_ = 	snop  }
0x7: {  	_ = 	snop  }
__scs_overlays_trampoline_lowered:
0x8: {  	[smem:$0x3FAA] =	sst s0  }
0x9: {  	[smem:$0x3FAB] =	sst s1  }
0xa: {  	[smem:$0x3FAC] =	sst s2  }
0xb: {  	[smem:$0x3FAD] =	sst s3  }
0xc: {  	[smem:$0x3FAE] =	sst s4  }
0xd: {  	[smem:$0x3FAF] =	sst s5  }
0xe: {  	[smem:$0x3FB0] =	sst s6  }
0xf: {  	[smem:$0x3FB1] =	sst s7  }
0x10: {  	[smem:$0x3FB2] =	sst s8  }
0x11: {  	[smem:$0x3FB3] =	sst s9;
	s0 =	simm.s32 @!p0 $0x0  }
0x12: {  	s1 =	sld [smem:$0x3F99];
	s0 =	simm.s32 @p0 $0x1  }
0x13: {  	[smem:$0x3FB4] =	sst s0;
	s0 =	simm.s32 @!p1 $0x0  }
0x14: {  	s2 =	sld [smem:$0x3F98];
	s0 =	simm.s32 @p1 $0x1  }
0x15: {  	[smem:$0x3FB5] =	sst s0;
	s0 =	simm.s32 @!p2 $0x0  }
0x16: {  	s3 =	sld [smem:$0x3FDB];
	s0 =	simm.s32 @p2 $0x1  }
0x17: {  	s4 =	simm.s32 $0x1BF5;
	[smem:$0x3FB7] =	sst s0  }
0x18: {  	s0 =	sld [smem:$0x3F9A];
	_ =	swait.ge [sflag:s4], $0x0  }
0x19: {  	s7 =	sld [smem:$0x3F9B]  }
0x1a: {  	s8 =	sadd.s32 $0xFFFFE003, lr  }
0x1b: {  	s9 =	sadd.s32 $0xFFFFFEF7, lr;
	s5 =	simm.s32 $0xFFFFFFFF;
	p2 =	slt.u32 s8, $0xFFFFF086  }
0x1c: {  	p1 =	slt.u32 s9, $0xF7A;
	s5 =	simm.s32 @!p2 $0x0  }
0x1d: {  	s5 =	simm.s32 @p1 $0x1;
	p0 =	seq.s32 s7, s2  }
0x1e: {  	s7 =	smul.u32 @!p0 $0xF7A, s2;
	p2 =	seq.s32 @!p0 s5, $0x0  }
0x1f: {  	s9 =	smul.u32 $0xF7A, s1;
	s8 =	simm.s32 @!p0 $0x1BF5;
	p2 =	por !p2, p0  }
0x20: {  	[sflag:s8] =	ssyncset.s32 @!p0 $0xFFFFF086;
	s6 =	sadd.s32 @!p0 s3, s7;
	s7 =	simm.s32 @!p0 $0x108  }
0x21: {  	s3 =	sadd.s32 s3, s9;
	s6 =	sadd.s32 @!p0 $0x88, s6;
	s7 =	simm.s32 @p2 $0x1082  }
0x22: {  	[simem:s7], [sflag:s8] =	dma.local @!p0 [hbm:s6], $0xF7A  }
0x23: {  	s9 =	sor.u32 $0xD0000000, s2;
	s6 =	simm.s32 $0x108;
	_ =	swait.ge @!p0 [sflag:s8], $0x0  }
0x24: {  	s3 =	sadd.s32 $0x88, s3;
	s6 =	simm.s32 @!p1 $0x1082;
	[sflag:s4] =	ssyncset.s32 $0xFFFFF086  }
0x25: {  	[simem:s6], [sflag:s4] =	dma.local [hbm:s3], $0xF7A  }
0x26: {  	[smem:$0x3F9B] =	sst s1;
	(tag) =	ssettag s2;
	_ =	strace s9  }
0x27: {  	s1 =	sld [smem:$0x3FAB]  }
0x28: {  	s2 =	sld [smem:$0x3FAC]  }
0x29: {  	s4 =	sld [smem:$0x3FAE]  }
0x2a: {  	p0 =	seq.s32 s5, $0x0;
	s5 =	sld [smem:$0x3FAF]  }
0x2b: {  	s6 =	sld [smem:$0x3FB0]  }
0x2c: {  	s7 =	sld [smem:$0x3FB1]  }
0x2d: {  	s3 =	simm.s32 $0x108;
	s8 =	sld [smem:$0x3FB2]  }
0x2e: {  	s3 =	simm.s32 @!p0 $0x1082;
	s9 =	sld [smem:$0x3FB3]  }
0x2f: {  	lr =	sadd.s32 s0, s3;
	s0 =	sld [smem:$0x3FAA]  }
0x30: {  	s3 =	sld [smem:$0x3FAD]  }
0x31: {  	[smem:$0x3FB6] =	sst s10  }
0x32: {  	s10 =	sld [smem:$0x3FB4];
	_ =	sdelay $0x3  }
0x33: {  	p0 =	seq.s32 s10, $0x1;
	s10 =	sld [smem:$0x3FB6];
	_ =	sdelay $0x3  }
0x34: {  	[smem:$0x3FB6] =	sst s10  }
0x35: {  	s10 =	sld [smem:$0x3FB5];
	_ =	sdelay $0x3  }
0x36: {  	p1 =	seq.s32 s10, $0x1;
	s10 =	sld [smem:$0x3FB6];
	_ =	sdelay $0x3  }
0x37: {  	[smem:$0x3FB6] =	sst s10  }
0x38: {  	s10 =	sld [smem:$0x3FB7]  }
0x39: {  	_ = 	snop;
	(pc) =	sbr.ind lr, $3  }
0x3a: {  	_ = 	snop  }
0x3b: {  	_ = 	snop  }
0x3c: {  	p2 =	seq.s32 s10, $0x1;
	s10 =	sld [smem:$0x3FB6]  }
0x3d: {  	_ =	shalt  }
0x3e: {  	_ =	shalt  }
0x3f: {  	_ =	shalt  }
0x40: {  	_ =	shalt  }
0x41: {  	_ =	shalt  }
0x42: {  	_ =	shalt  }
0x43: {  	_ =	shalt  }
0x44: {  	_ =	shalt  }
0x45: {  	_ =	shalt  }
0x46: {  	_ =	shalt  }
0x47: {  	_ =	shalt  }
0x48: {  	_ =	shalt  }
0x49: {  	_ =	shalt  }
0x4a: {  	_ =	shalt  }
0x4b: {  	_ =	shalt  }
0x4c: {  	_ =	shalt  }
0x4d: {  	_ =	shalt  }
0x4e: {  	_ =	shalt  }
0x4f: {  	_ =	shalt  }
0x50: {  	_ =	shalt  }
0x51: {  	_ =	shalt  }
0x52: {  	_ =	shalt  }
0x53: {  	_ =	shalt  }
0x54: {  	_ =	shalt  }
0x55: {  	_ =	shalt  }
0x56: {  	_ =	shalt  }
0x57: {  	_ =	shalt  }
0x58: {  	_ =	shalt  }
0x59: {  	_ =	shalt  }
0x5a: {  	_ =	shalt  }
0x5b: {  	_ =	shalt  }
0x5c: {  	_ =	shalt  }
0x5d: {  	_ =	shalt  }
0x5e: {  	_ =	shalt  }
0x5f: {  	_ =	shalt  }
0x60: {  	_ =	shalt  }
0x61: {  	_ =	shalt  }
0x62: {  	_ =	shalt  }
0x63: {  	_ =	shalt  }
0x64: {  	_ =	shalt  }
0x65: {  	_ =	shalt  }
0x66: {  	_ =	shalt  }
0x67: {  	_ =	shalt  }
0x68: {  	_ =	shalt  }
0x69: {  	_ =	shalt  }
0x6a: {  	_ =	shalt  }
0x6b: {  	_ =	shalt  }
0x6c: {  	_ =	shalt  }
0x6d: {  	_ =	shalt  }
0x6e: {  	_ =	shalt  }
0x6f: {  	_ =	shalt  }
0x70: {  	_ =	shalt  }
0x71: {  	_ =	shalt  }
0x72: {  	_ =	shalt  }
0x73: {  	_ =	shalt  }
0x74: {  	_ =	shalt  }
0x75: {  	_ =	shalt  }
0x76: {  	_ =	shalt  }
0x77: {  	_ =	shalt  }
0x78: {  	_ =	shalt  }
0x79: {  	_ =	shalt  }
0x7a: {  	_ =	shalt  }
0x7b: {  	_ =	shalt  }
0x7c: {  	_ =	shalt  }
0x7d: {  	_ =	shalt  }
0x7e: {  	_ =	shalt  }
0x7f: {  	_ =	shalt  }
0x80: {  	_ =	shalt  }
0x81: {  	_ =	shalt  }
0x82: {  	_ =	shalt  }
0x83: {  	_ =	shalt  }
0x84: {  	_ =	shalt  }
0x85: {  	_ =	shalt  }
0x86: {  	_ =	shalt  }
0x87: {  	_ =	shalt  }
.Lfunc_end0:
.L_simem_size_0:
called_computation_lowered:
.L_overlay_start_0:
0x88: {  	s2 =	sld [smem:$0x3FD9]  }
0x89: {  	s3 =	sld [smem:$0x3FFE];
	_ =	sdelay $0x1  }
0x8a: {  	s1 =	srdreg.scid  }
0x8b: {  	s0 =	sand.u32 $0x1, s1  }
0x8c: {  	s17 =	sshll.u32 s0, $0xA;
	s2 =	sadd.s32 s3, s2  }
0x8d: {  	s2 =	sadd.s32 s2, s17  }
0x8e: {  	[smem:$0x3FC2] =	sst s2  }
0x8f: {  	_ = 	snop  }
0x90: {  	s2 =	sld [smem:$0x3FC8]  }
0x91: {  	s18 =	sld [smem:$0x3FC7]  }
0x92: {  	s4 =	sld [smem:$0x3FD0];
	(tm) =	ssettm $0x1  }
0x93: {  	s5 =	sld [smem:$0x3FFB];
	_ =	sdelay $0x3  }
0x94: {  	_ =	strace s5  }
0x95: {  	s5 =	sld [smem:$0x3FFC];
	_ =	sdelay $0x3  }
0x96: {  	_ =	strace s5  }
0x97: {  	s5 =	sld [smem:$0x3FFD];
	_ =	sdelay $0x3  }
0x98: {  	_ =	strace s5  }
0x99: {  	_ =	strace $0x8FFFFFFF  }
0x9a: {  	s19 =	sld [smem:$0x3FDB];
	_ =	sdelay $0x1  }
0x9b: {  	s6 =	simm.s32 $_scs_section_size  }
0x9c: {  	s7 =	simm.s32 $_size__tile_overlayer_lowered;
	s8 =	simm.s32 $_tile_overlayer_lowered  }
0x9d: {  	s22 =	simm.s32 $0x1BFF;
	s21 =	sshll.u32 s8, $0x1;
	s5 =	sadd.s32 s6, s19  }
0x9e: {  	s9 =	simm.s32 $0x0;
	s20 =	sshll.u32 s7, $0x1;
	s7 =	sadd.s32 s21, s5  }
0x9f: {  	[timem:s9], [sflag:s22] =	dma.local [hbm:s7], s20  }
0xa0: {  	_ =	swait.ge [sflag:s22], s20  }
0xa1: {  	s6 =	ssub.s32 $0x0, s20;
	[sflag:s22] =	ssyncset.done $0x0  }
0xa2: {  	[sflag:s22] =	ssyncadd.s32 s6;
	_ =	sdelay $0x1  }
0xa3: {  	s23 =	simm.s32 $0x1B8B  }
0xa4: {  	_ =	swait.ge [sflag:s23], $0x1  }
0xa5: {  	[sflag:s23] =	ssyncset.done $0x0  }
0xa6: {  	s25 =	simm.s32 $0x1B8E;
	s24 =	sld [smem:$0x3FFE];
	[sflag:s23] =	ssyncadd.s32 $0xFFFFFFFF  }
0xa7: {  	s26 =	simm.s32 $execute0_lowered;
	[smem:$0x3FD2] =	sst s25  }
0xa8: {  	s7 =	sshll.u32 s26, $0x1;
	_ =	strace $0x80000046;
	[dreg:$0x1] =	wrdreg $0xFFFFFFFF  }
0xa9: {  	s28 =	simm.s32 $_size_execute0_lowered;
	s5 =	sadd.s32 s5, s7;
	[dreg:$0x0] =	wrdreg $0x0  }
0xaa: {  	s7 =	sshll.u32 s28, $0x1;
	[dreg:$0x2] =	wrdreg s5  }
0xab: {  	[dreg:$0x3] =	wrdreg s7  }
0xac: {  	[dreg:$0x4] =	wrdreg $0xC0  }
0xad: {  	_ =	task [dreg:s9], $0x5FFFF  }
0xae: {  	[dreg:$0x1] =	wrdreg $0xFFFFFFFF  }
0xaf: {  	[dreg:$0x0] =	wrdreg $0x60  }
0xb0: {  	[dreg:$0x2] =	wrdreg s4  }
0xb1: {  	[dreg:$0x3] =	wrdreg s2  }
0xb2: {  	[dreg:$0x4] =	wrdreg s18  }
0xb3: {  	[dreg:$0x5] =	wrdreg s24  }
0xb4: {  	[dreg:$0x6] =	wrdreg $0x83400  }
0xb5: {  	[dreg:$0x7] =	wrdreg $0x9  }
0xb6: {  	_ =	task.clear_ibuf [dreg:s9], $0x8FFFF;
	_ =	strace $0x90000046  }
0xb7: {  	s29 =	simm.s32 $0x9;
	_ =	strace $0x80000048  }
0xb8: {  	_ =	swait.ge [sflag:s29], $0x1  }
0xb9: {  	[sflag:s29] =	ssyncadd.s32 $0xFFFFFFFF  }
0xba: {  	_ =	strace $0x90000048  }
0xbb: {  	_ =	sfence  }
0xbc: {  	s30 =	sld [smem:$0x0];
	_ =	sdelay $0x2  }
0xbd: {  	s31 =	sshll.u32 s1, $0xD;
	s1 =	sshrl.u32 s1, $0x2  }
0xbe: {  	s3 =	sand.u32 $0x4000, s31;
	s1 =	sadd.s32 s1, s30  }
0xbf: {  	s0 =	sor.u32 s3, s0;
	s1 =	sshll.u32 s1, $0x11  }
0xc0: {  	s0 =	sor.u32 s1, s0  }
0xc1: {  	s0 =	sadd.s32 $0x8F2B, s0  }
0xc2: {  	[sflag:s0] =	ssyncadd.remote.s32 $0x1  }
0xc3: {  	_ =	sfence.sel $0xFFFF  }
0xc4: {  	[dreg:$0x0] =	wrdreg $0xFFFFFFFF;
	(pc) =	sbr.abs _section_cstart, $3  }
0xc5: {  	[dreg:$0x1] =	wrdreg $0xFFFFFFFF  }
0xc6: {  	_ =	task.clear_ibuf [dreg:s9], $0x2FFFF;
	_ =	strace $0x9FFFFFFF  }
0xc7: {  	(tm) =	ssettm $0x7FFFFFFF  }
tec
execute0_lowered:
.L_overlay_start_1:
0x0: {  	(tag) =	ssettag $0x1  }
0x1: {  	s1 =	rddreg [dreg:$0x0]  }
0x2: {  	s2 =	rddreg [dreg:$0x1]  }
0x3: {  	s4 =	rddreg [dreg:$0x2]  }
0x4: {  	s0 =	rddreg [dreg:$0x3]  }
0x5: {  	s5 =	rddreg [dreg:$0x4];
	s13 =	stileid.u32  }
0x6: {  	s3 =	srdreg.scid;
	s6 =	simm.s32 $0x0;
	s28 =	simm.s32 $0x3  }
0x7: {  	s29 =	simm.s32 $0xF0;
	s30 =	simm.s32 $0x2;
	s31 =	simm.s32 $0x6  }
0x8: {  	s8 =	smul.u32 $0x15F90, s13;
	s3 =	sand.u32 $0x1, s3;
	[smem:$0x7FF] =	sst s6  }
0x9: {  	s20 =	sshll.u32 s13, $0x6;
	s7 =	smul.u32 $0x15F900, s3;
	_ =	strace $0x80000047  }
0xa: {  	s10 =	sshll.u32 s3, $0x4;
	s3 =	ssub.s32 $0x2, s3;
	s15 =	sor.u32 $0x1C09, s20  }
0xb: {  	s20 =	simm.s32 $0x50;
	s9 =	sshrl.u32 s8, $0x3;
	s10 =	sor.u32 s13, s10  }
0xc: {  	s12 =	sshrl.u32 s3, $0x1;
	[dreg:$0x7] =	wrdreg s15;
	s7 =	sadd.s32 s8, s7  }
0xd: {  	s9 =	sadd.s32 s9, s0;
	s3 =	ssub.s32 s3, s12;
	s8 =	sadd.s32 s8, s5  }
0xe: {  	s11 =	sshrl.u32 s7, $0x3;
	s7 =	smul.u32 $0x2710, s10;
	s9 =	sadd.s32 $0x1400, s9  }
0xf: {  	s26 =	smax.u32 s3, $0x1;
	s3 =	sshrl.u32 s8, $0x3;
	[dreg:$0x6] =	wrdreg s9  }
0x10: {  	s8 =	simm.s32 $0x9;
	s0 =	sadd.s32 s11, s0;
	[dreg:$0xc] =	wrdreg s26  }
0x11: {  	s26 =	simm.s32 $0x2940;
	s11 =	simm.s32 $0x4;
	[dreg:$0xd] =	wrdreg s3  }
0x12: {  	s9 =	sadd.s32 $0x50, s7;
	s21 =	sshrl.u32 s7, $0x3;
	s13 =	sadd.s32 $0xA0, s7  }
0x13: {  	s14 =	sadd.s32 $0xF0, s7;
	s0 =	sadd.s32 $0x2D400, s0;
	s22 =	sshrl.u32 s9, $0x3  }
0x14: {  	s23 =	sadd.s32 s2, s21;
	s25 =	sadd.s32 s4, s21;
	[dreg:$0xb] =	wrdreg s0  }
0x15: {  	[dreg:$0x8] =	wrdreg s23;
	s24 =	sadd.s32 s2, s22;
	s10 =	sadd.s32 $0x4D8, s25  }
0x16: {  	v0 =	vimm.f32 $0.0e+00;
	vm0 =	vcmask $0x300;
	s23 =	simm.s32 $0xA0;
	s25 =	simm.s32 $0x5;
	[dreg:$0x9] =	wrdreg s24  }
0x17: {  	v0 =	vsel vm0, $0x3F800000, v0;
	[dreg:$0xa] =	wrdreg s10;
	s24 =	simm.s32 $0x1;
	s10 =	simm.s32 $0x0  }
.LBB2_1:
0x18: {  	[dreg:$0xe] =	wrdreg s10  }
0x19: {  	s0 =	rddreg [dreg:$0x6]  }
0x1a: {  	[spmem:s3], [sflag:s15] =	dma.local [hbm:s0], $0x2BF2  }
0x1b: {  	_ =	swait.ge [sflag:s8], $0x2BF2  }
0x1c: {  	[sflag:s8] =	ssyncset.done $0x0  }
0x1d: {  	[sflag:s8] =	ssyncadd.s32 $0xFFFFD40E  }
0x1e: {  	[tilespmem:$0x29C0] =	vst v0  }
0x1f: {  	[tilespmem:$0x56C0] =	vst v0  }
0x20: {  	[tilespmem:$0x2A50] =	vst v0  }
0x21: {  	[tilespmem:$0x5750] =	vst v0  }
0x22: {  	[tilespmem:$0x2AE0] =	vst v0  }
0x23: {  	[tilespmem:$0x57E0] =	vst v0  }
0x24: {  	[tilespmem:$0x2B70] =	vst v0  }
0x25: {  	[tilespmem:$0x5870] =	vst v0  }
0x26: {  	[tilespmem:$0x2C00] =	vst v0  }
0x27: {  	[tilespmem:$0x5900] =	vst v0  }
0x28: {  	[tilespmem:$0x2C90] =	vst v0  }
0x29: {  	[tilespmem:$0x5990] =	vst v0  }
0x2a: {  	[tilespmem:$0x2D20] =	vst v0  }
0x2b: {  	[tilespmem:$0x5A20] =	vst v0  }
0x2c: {  	[tilespmem:$0x2DB0] =	vst v0  }
0x2d: {  	[tilespmem:$0x5AB0] =	vst v0  }
0x2e: {  	[tilespmem:$0x2E40] =	vst v0  }
0x2f: {  	[tilespmem:$0x5B40] =	vst v0  }
0x30: {  	[tilespmem:$0x2ED0] =	vst v0  }
0x31: {  	[tilespmem:$0x5BD0] =	vst v0  }
0x32: {  	[tilespmem:$0x2F60] =	vst v0  }
0x33: {  	[tilespmem:$0x5C60] =	vst v0  }
0x34: {  	[tilespmem:$0x2FF0] =	vst v0  }
0x35: {  	[tilespmem:$0x5CF0] =	vst v0  }
0x36: {  	[tilespmem:$0x3080] =	vst v0  }
0x37: {  	[tilespmem:$0x5D80] =	vst v0  }
0x38: {  	[tilespmem:$0x3110] =	vst v0  }
0x39: {  	[tilespmem:$0x5E10] =	vst v0  }
0x3a: {  	[tilespmem:$0x31A0] =	vst v0  }
0x3b: {  	[tilespmem:$0x5EA0] =	vst v0  }
0x3c: {  	[tilespmem:$0x3230] =	vst v0  }
0x3d: {  	[tilespmem:$0x5F30] =	vst v0  }
0x3e: {  	[tilespmem:$0x32C0] =	vst v0  }
0x3f: {  	[tilespmem:$0x5FC0] =	vst v0  }
0x40: {  	[tilespmem:$0x3350] =	vst v0  }
0x41: {  	[tilespmem:$0x6050] =	vst v0  }
0x42: {  	[tilespmem:$0x33E0] =	vst v0  }
0x43: {  	[tilespmem:$0x60E0] =	vst v0  }
0x44: {  	[tilespmem:$0x3470] =	vst v0  }
0x45: {  	[tilespmem:$0x6170] =	vst v0  }
0x46: {  	[tilespmem:$0x3500] =	vst v0  }
0x47: {  	[tilespmem:$0x6200] =	vst v0  }
0x48: {  	[tilespmem:$0x3590] =	vst v0  }
0x49: {  	[tilespmem:$0x6290] =	vst v0  }
0x4a: {  	[tilespmem:$0x3620] =	vst v0  }
0x4b: {  	[tilespmem:$0x6320] =	vst v0  }
0x4c: {  	[tilespmem:$0x36B0] =	vst v0  }
0x4d: {  	[tilespmem:$0x63B0] =	vst v0  }
0x4e: {  	[tilespmem:$0x3740] =	vst v0  }
0x4f: {  	[tilespmem:$0x6440] =	vst v0  }
0x50: {  	[tilespmem:$0x37D0] =	vst v0  }
0x51: {  	[tilespmem:$0x64D0] =	vst v0  }
0x52: {  	[tilespmem:$0x3860] =	vst v0  }
0x53: {  	[tilespmem:$0x6560] =	vst v0  }
0x54: {  	[tilespmem:$0x38F0] =	vst v0  }
0x55: {  	[tilespmem:$0x65F0] =	vst v0  }
0x56: {  	[tilespmem:$0x3980] =	vst v0  }
0x57: {  	[tilespmem:$0x6680] =	vst v0  }
0x58: {  	[tilespmem:$0x3A10] =	vst v0  }
0x59: {  	[tilespmem:$0x6710] =	vst v0  }
0x5a: {  	[tilespmem:$0x3AA0] =	vst v0  }
0x5b: {  	[tilespmem:$0x67A0] =	vst v0  }
0x5c: {  	[tilespmem:$0x3B30] =	vst v0  }
0x5d: {  	[tilespmem:$0x6830] =	vst v0  }
0x5e: {  	[tilespmem:$0x3BC0] =	vst v0  }
0x5f: {  	[tilespmem:$0x68C0] =	vst v0  }
0x60: {  	[tilespmem:$0x3C50] =	vst v0  }
0x61: {  	[tilespmem:$0x6950] =	vst v0  }
0x62: {  	[tilespmem:$0x3CE0] =	vst v0  }
0x63: {  	[tilespmem:$0x69E0] =	vst v0  }
0x64: {  	[tilespmem:$0x3D70] =	vst v0  }
0x65: {  	[tilespmem:$0x6A70] =	vst v0  }
0x66: {  	[tilespmem:$0x3E00] =	vst v0  }
0x67: {  	[tilespmem:$0x6B00] =	vst v0  }
0x68: {  	[tilespmem:$0x3E90] =	vst v0  }
0x69: {  	[tilespmem:$0x6B90] =	vst v0  }
0x6a: {  	[tilespmem:$0x3F20] =	vst v0  }
0x6b: {  	[tilespmem:$0x6C20] =	vst v0  }
0x6c: {  	[tilespmem:$0x3FB0] =	vst v0  }
0x6d: {  	[tilespmem:$0x6CB0] =	vst v0  }
0x6e: {  	[tilespmem:$0x4040] =	vst v0  }
0x6f: {  	[tilespmem:$0x6D40] =	vst v0  }
0x70: {  	[tilespmem:$0x40D0] =	vst v0  }
0x71: {  	[tilespmem:$0x6DD0] =	vst v0  }
0x72: {  	[tilespmem:$0x4160] =	vst v0  }
0x73: {  	[tilespmem:$0x6E60] =	vst v0  }
0x74: {  	[tilespmem:$0x41F0] =	vst v0  }
0x75: {  	[tilespmem:$0x6EF0] =	vst v0  }
0x76: {  	[tilespmem:$0x4280] =	vst v0  }
0x77: {  	[tilespmem:$0x6F80] =	vst v0  }
0x78: {  	[tilespmem:$0x4310] =	vst v0  }
0x79: {  	[tilespmem:$0x7010] =	vst v0  }
0x7a: {  	[tilespmem:$0x43A0] =	vst v0  }
0x7b: {  	[tilespmem:$0x70A0] =	vst v0  }
0x7c: {  	[tilespmem:$0x4430] =	vst v0  }
0x7d: {  	[tilespmem:$0x7130] =	vst v0  }
0x7e: {  	[tilespmem:$0x44C0] =	vst v0  }
0x7f: {  	[tilespmem:$0x71C0] =	vst v0  }
0x80: {  	[tilespmem:$0x4550] =	vst v0  }
0x81: {  	[tilespmem:$0x7250] =	vst v0  }
0x82: {  	[tilespmem:$0x45E0] =	vst v0  }
0x83: {  	[tilespmem:$0x72E0] =	vst v0  }
0x84: {  	[tilespmem:$0x4670] =	vst v0  }
0x85: {  	[tilespmem:$0x7370] =	vst v0  }
0x86: {  	[tilespmem:$0x4700] =	vst v0  }
0x87: {  	[tilespmem:$0x7400] =	vst v0  }
0x88: {  	[tilespmem:$0x4790] =	vst v0  }
0x89: {  	[tilespmem:$0x7490] =	vst v0  }
0x8a: {  	[tilespmem:$0x4820] =	vst v0  }
0x8b: {  	[tilespmem:$0x7520] =	vst v0  }
0x8c: {  	[tilespmem:$0x48B0] =	vst v0  }
0x8d: {  	[tilespmem:$0x75B0] =	vst v0  }
0x8e: {  	[tilespmem:$0x4940] =	vst v0  }
0x8f: {  	[tilespmem:$0x7640] =	vst v0  }
0x90: {  	[tilespmem:$0x49D0] =	vst v0  }
0x91: {  	[tilespmem:$0x76D0] =	vst v0  }
0x92: {  	[tilespmem:$0x4A60] =	vst v0  }
0x93: {  	[tilespmem:$0x7760] =	vst v0  }
0x94: {  	[tilespmem:$0x4AF0] =	vst v0  }
0x95: {  	[tilespmem:$0x77F0] =	vst v0  }
0x96: {  	[tilespmem:$0x4B80] =	vst v0  }
0x97: {  	[tilespmem:$0x7880] =	vst v0  }
0x98: {  	[tilespmem:$0x4C10] =	vst v0  }
0x99: {  	[tilespmem:$0x7910] =	vst v0  }
0x9a: {  	[tilespmem:$0x4CA0] =	vst v0  }
0x9b: {  	[tilespmem:$0x79A0] =	vst v0  }
0x9c: {  	[tilespmem:$0x4D30] =	vst v0  }
0x9d: {  	[tilespmem:$0x7A30] =	vst v0  }
0x9e: {  	[tilespmem:$0x4DC0] =	vst v0  }
0x9f: {  	[tilespmem:$0x7AC0] =	vst v0  }
0xa0: {  	[tilespmem:$0x4E50] =	vst v0  }
0xa1: {  	[tilespmem:$0x7B50] =	vst v0  }
0xa2: {  	[tilespmem:$0x4EE0] =	vst v0  }
0xa3: {  	[tilespmem:$0x7BE0] =	vst v0  }
0xa4: {  	[tilespmem:$0x4F70] =	vst v0  }
0xa5: {  	[tilespmem:$0x7C70] =	vst v0  }
0xa6: {  	[tilespmem:$0x5000] =	vst v0  }
0xa7: {  	[tilespmem:$0x7D00] =	vst v0  }
0xa8: {  	[tilespmem:$0x5090] =	vst v0  }
0xa9: {  	[tilespmem:$0x7D90] =	vst v0  }
0xaa: {  	[tilespmem:$0x5120] =	vst v0  }
0xab: {  	[tilespmem:$0x7E20] =	vst v0  }
0xac: {  	[tilespmem:$0x51B0] =	vst v0  }
0xad: {  	[tilespmem:$0x7EB0] =	vst v0  }
0xae: {  	[tilespmem:$0x5240] =	vst v0  }
0xaf: {  	[tilespmem:$0x7F40] =	vst v0  }
0xb0: {  	[tilespmem:$0x52D0] =	vst v0  }
0xb1: {  	[tilespmem:$0x7FD0] =	vst v0  }
0xb2: {  	[tilespmem:$0x5360] =	vst v0  }
0xb3: {  	[tilespmem:$0x8060] =	vst v0  }
0xb4: {  	[tilespmem:$0x53F0] =	vst v0  }
0xb5: {  	[tilespmem:$0x80F0] =	vst v0  }
0xb6: {  	[tilespmem:$0x5480] =	vst v0  }
0xb7: {  	[tilespmem:$0x8180] =	vst v0  }
0xb8: {  	[tilespmem:$0x5510] =	vst v0  }
0xb9: {  	[tilespmem:$0x8210] =	vst v0  }
0xba: {  	[tilespmem:$0x55A0] =	vst v0  }
0xbb: {  	[tilespmem:$0x82A0] =	vst v0  }
0xbc: {  	[tilespmem:$0x5630] =	vst v0  }
0xbd: {  	[tilespmem:$0x8330] =	vst v0  }
0xbe: {  	[bflag:$0x0] =	sbarrier.arrive $0xFFFF  }
0xbf: {  	s18 =	rddreg [dreg:$0x8]  }
0xc0: {  	[tilespmem:s6], [sflag:$0x9] =	stream.linear.gather [hbm4b:s18+s6], $0x50, $0x38;
	[tilespmem:$0x1E2D0] =	vst v63  }
0xc1: {  	_ =	swait.ge [sflag:s8], $0x50  }
0xc2: {  	[sflag:s8] =	ssyncset.done $0x0  }
0xc3: {  	s19 =	rddreg [dreg:$0x9];
	[sflag:s8] =	ssyncadd.s32 $0xFFFFFFB0  }
0xc4: {  	[tilespmem:s20], [sflag:$0x9] =	stream.linear.gather [hbm4b:s19+s6], $0x50, $0x38;
	[tilespmem:$0x1E2D0] =	vst v63  }
0xc5: {  	_ =	swait.ge [sflag:s8], $0x50  }
0xc6: {  	[sflag:s8] =	ssyncset.done $0x0  }
0xc7: {  	s21 =	simm.s32 $0x140;
	[sflag:s8] =	ssyncadd.s32 $0xFFFFFFB0  }
0xc8: {  	[tilespmem:s21], [sflag:$0x1] =	stream.indirect.gather [hbm4b:s1+s20], $0x40, s6, s20, $0xb8;
	[tilespmem:$0x1E2D0] =	vst v63  }
0xc9: {  	s22 =	simm.s32 $0x1540;
	s15 =	simm.s32 $0x0  }
0xca: {  	[tilespmem:s22], [sflag:$0x2] =	stream.indirect.gather [hbm4b:s1+s20], $0x40, s20, s20, $0xb8;
	[tilespmem:$0x1E2D0] =	vst v63  }
.LBB2_2:
0xcb: {  	p0 =	seq.s32 s15, $0x0;
	s16 =	smul.u32 $0xA0, s15  }
0xcc: {  	s0 =	simm.s32 @!p0 $0x7  }
0xcd: {  	_ =	swait.ge @!p0 [sflag:s0], $0x2D00;
	s3 =	sadd.s32 s7, s16  }
0xce: {  	[sflag:s0] =	ssyncset.done @!p0 $0x0;
	s3 =	sshrl.u32 s3, $0x3  }
0xcf: {  	s21 =	simm.s32 $0x0;
	[sflag:s0] =	ssyncadd.s32 @!p0 $0xFFFFD300;
	s19 =	sadd.s32 s4, s3  }
0xd0: {  	[tilespmem:s23], [sflag:$0x5] =	stream.linear.gather [hbm4b:s19+s21], $0x50, $0x38;
	[tilespmem:$0x1E2D0] =	vst v63  }
0xd1: {  	s22 =	sadd.s32 s16, s13;
	_ =	swait.ge [sflag:s24], $0x1400  }
0xd2: {  	s0 =	sshrl.u32 s22, $0x3;
	[sflag:s24] =	ssyncset.done $0x0  }
0xd3: {  	s0 =	sadd.s32 s2, s0;
	s19 =	simm.s32 $0x0;
	[sflag:s24] =	ssyncadd.s32 $0xFFFFEC00  }
0xd4: {  	[tilespmem:s21], [sflag:$0x3] =	stream.linear.gather [hbm4b:s0+s21], $0x50, $0x38;
	[tilespmem:$0x1E2D0] =	vst v63  }
0xd5: {  	v1 =	vld [tilespmem:s19+$0x140];
	_ =	sdelay $0x4  }
0xd6: {  	s17 =	simm.s32 $0x2980;
	s10 =	simm.s32 $0x40;
	v2 =	vshll.u32 v1, $0x10  }
0xd7: {  	v1 =	vand.u32 $0xFFFF0000, v1;
	[tilespmem:s17+$0xFFFFFFC0] =	vst v2;
	v2 =	vld [tilespmem:s10+$0x140]  }
0xd8: {  	[tilespmem:s17+$0xFFFFFFD0] =	vst v1  }
0xd9: {  	v1 =	vld [tilespmem:s19+$0x150];
	_ =	sdelay $0x2  }
0xda: {  	s8 =	simm.s32 $0x2A10;
	s3 =	simm.s32 $0x80;
	v3 =	vshll.u32 v2, $0x10  }
0xdb: {  	v2 =	vand.u32 $0xFFFF0000, v2;
	[tilespmem:s8+$0xFFFFFFC0] =	vst v3;
	v3 =	vld [tilespmem:s3+$0x140]  }
0xdc: {  	[tilespmem:s8+$0xFFFFFFD0] =	vst v2;
	v2 =	vand.u32 $0xFFFF0000, v1  }
0xdd: {  	v1 =	vshll.u32 v1, $0x10;
	[tilespmem:s17+$0xFFFFFFF0] =	vst v2;
	v2 =	vld [tilespmem:s10+$0x150]  }
0xde: {  	[tilespmem:s17+$0xFFFFFFE0] =	vst v1  }
0xdf: {  	v1 =	vld [tilespmem:s19+$0x160]  }
0xe0: {  	s18 =	simm.s32 $0x2AA0;
	s22 =	simm.s32 $0xC0;
	v4 =	vshll.u32 v3, $0x10  }
0xe1: {  	v3 =	vand.u32 $0xFFFF0000, v3;
	[tilespmem:s18+$0xFFFFFFC0] =	vst v4;
	v4 =	vld [tilespmem:s22+$0x140]  }
0xe2: {  	[tilespmem:s18+$0xFFFFFFD0] =	vst v3;
	v3 =	vand.u32 $0xFFFF0000, v2;
	v2 =	vshll.u32 v2, $0x10  }
0xe3: {  	[tilespmem:s8+$0xFFFFFFE0] =	vst v2;
	v2 =	vld [tilespmem:s3+$0x150]  }
0xe4: {  	[tilespmem:s8+$0xFFFFFFF0] =	vst v3;
	v3 =	vshll.u32 v1, $0x10;
	v1 =	vand.u32 $0xFFFF0000, v1  }
0xe5: {  	[tilespmem:s17+$0x10] =	vst v1;
	v1 =	vld [tilespmem:s10+$0x160]  }
0xe6: {  	s12 =	simm.s32 $0x2B30;
	s0 =	simm.s32 $0x400;
	[tilespmem:s17+$0x0] =	vst v3;
	v3 =	vshll.u32 v4, $0x10;
	v4 =	vand.u32 $0xFFFF0000, v4  }
.LBB2_3:
0xe7: {  	s21 =	sshra.s32 s0, $0x2;
	p1 =	sne.s32 s0, $0x4F00;
	s0 =	sadd.s32 $0x100, s0;
	[tilespmem:s12+$0xFFFFFFC0] =	vst v3;
	v3 =	vld [tilespmem:s19+$0x170]  }
0xe8: {  	s19 =	smov.u32 s10;
	s10 =	smov.u32 s3;
	s3 =	smov.u32 s22;
	v5 =	vld [tilespmem:s21+$0x140];
	[tilespmem:s12+$0xFFFFFFD0] =	vst v4;
	v4 =	vand.u32 $0xFFFF0000, v2  }
0xe9: {  	v2 =	vshll.u32 v2, $0x10;
	s22 =	smov.u32 s21;
	s21 =	smov.u32 s12;
	[tilespmem:s18+$0xFFFFFFF0] =	vst v4  }
.Ltmp0:
0xea: {  	[tilespmem:s18+$0xFFFFFFE0] =	vst v2;
	v4 =	vshll.u32 v1, $0x10;
	v1 =	vand.u32 $0xFFFF0000, v1;
	(pc) =	sbr.rel @p1 .LBB2_3-.Ltmp0, $4  }
0xeb: {  	v2 =	vld [tilespmem:s3+$0x150];
	[tilespmem:s8+$0x0] =	vst v4  }
0xec: {  	[tilespmem:s8+$0x10] =	vst v1;
	v6 =	vshll.u32 v3, $0x10;
	v4 =	vand.u32 $0xFFFF0000, v3  }
0xed: {  	s12 =	sadd.s32 $0x90, s12;
	v3 =	vshll.u32 v5, $0x10;
	v1 =	vld [tilespmem:s10+$0x160];
	[tilespmem:s17+$0x30] =	vst v4  }
0xee: {  	v4 =	vand.u32 $0xFFFF0000, v5;
	[tilespmem:s17+$0x20] =	vst v6;
	s17 =	smov.u32 s8;
	s8 =	smov.u32 s18;
	s18 =	smov.u32 s21  }
0xef: {  	[tilespmem:s12+$0xFFFFFFC0] =	vst v3  }
0xf0: {  	[tilespmem:s12+$0xFFFFFFD0] =	vst v4  }
0xf1: {  	v3 =	vld [tilespmem:s22+$0x150];
	_ =	sdelay $0x2  }
0xf2: {  	v4 =	vand.u32 $0xFFFF0000, v2  }
0xf3: {  	v2 =	vshll.u32 v2, $0x10;
	[tilespmem:s18+$0xFFFFFFF0] =	vst v4  }
0xf4: {  	[tilespmem:s18+$0xFFFFFFE0] =	vst v2;
	v2 =	vand.u32 $0xFFFF0000, v3  }
0xf5: {  	v4 =	vld [tilespmem:s3+$0x160];
	v3 =	vshll.u32 v3, $0x10;
	[tilespmem:s12+$0xFFFFFFF0] =	vst v2  }
0xf6: {  	[tilespmem:s12+$0xFFFFFFE0] =	vst v3  }
0xf7: {  	v2 =	vld [tilespmem:s22+$0x160]  }
0xf8: {  	v3 =	vshll.u32 v1, $0x10  }
0xf9: {  	v1 =	vand.u32 $0xFFFF0000, v1;
	[tilespmem:s8+$0x0] =	vst v3;
	v3 =	vld [tilespmem:s19+$0x170]  }
0xfa: {  	[tilespmem:s8+$0x10] =	vst v1;
	v1 =	vshll.u32 v4, $0x10  }
0xfb: {  	v4 =	vand.u32 $0xFFFF0000, v4;
	[tilespmem:s18+$0x0] =	vst v1;
	v1 =	vld [tilespmem:s10+$0x170]  }
0xfc: {  	[tilespmem:s18+$0x10] =	vst v4;
	v4 =	vshll.u32 v2, $0x10  }
0xfd: {  	v2 =	vand.u32 $0xFFFF0000, v2;
	[tilespmem:s12+$0x0] =	vst v4;
	v4 =	vld [tilespmem:s3+$0x170]  }
0xfe: {  	[tilespmem:s12+$0x10] =	vst v2;
	v2 =	vand.u32 $0xFFFF0000, v3  }
0xff: {  	v3 =	vshll.u32 v3, $0x10;
	[tilespmem:s17+$0x30] =	vst v2;
	v2 =	vld [tilespmem:s22+$0x170]  }
0x100: {  	[tilespmem:s17+$0x20] =	vst v3;
	v3 =	vand.u32 $0xFFFF0000, v1  }
0x101: {  	v1 =	vshll.u32 v1, $0x10;
	[tilespmem:s8+$0x30] =	vst v3  }
0x102: {  	[tilespmem:s8+$0x20] =	vst v1;
	v1 =	vand.u32 $0xFFFF0000, v4  }
0x103: {  	v3 =	vshll.u32 v4, $0x10;
	[tilespmem:s18+$0x30] =	vst v1  }
0x104: {  	[tilespmem:s18+$0x20] =	vst v3;
	v1 =	vand.u32 $0xFFFF0000, v2  }
0x105: {  	v2 =	vshll.u32 v2, $0x10;
	[tilespmem:s12+$0x30] =	vst v1  }
0x106: {  	[tilespmem:s12+$0x20] =	vst v2  }
0x107: {  	_ =	swait.ge [sflag:s25], $0x50  }
0x108: {  	[sflag:s25] =	ssyncset.done $0x0  }
0x109: {  	[sflag:s25] =	ssyncadd.s32 $0xFFFFFFB0  }
0x10a: {  	[spmem:s5] =	stream.indirect.scatter.add.f32 [tilespmem:s26], [sflag:$0x7], $0x90, s23, s20, $0xb8;
	[tilespmem:$0x1E2D0] =	vst v63  }
0x10b: {  	_ =	swait.ge [sflag:s28], $0x50  }
0x10c: {  	[sflag:s28] =	ssyncset.done $0x0  }
0x10d: {  	s0 =	simm.s32 $0x140;
	[sflag:s28] =	ssyncadd.s32 $0xFFFFFFB0  }
0x10e: {  	[tilespmem:s0], [sflag:$0x1] =	stream.indirect.gather [hbm4b:s1+s20], $0x40, s6, s20, $0xb8;
	[tilespmem:$0x1E2D0] =	vst v63  }
0x10f: {  	s0 =	simm.s32 @!p0 $0x8  }
0x110: {  	s21 =	sadd.s32 s16, s9;
	_ =	swait.ge @!p0 [sflag:s0], $0x2D00  }
0x111: {  	s3 =	sshrl.u32 s21, $0x3;
	[sflag:s0] =	ssyncset.done @!p0 $0x0  }
0x112: {  	s22 =	sadd.s32 s4, s3;
	[sflag:s0] =	ssyncadd.s32 @!p0 $0xFFFFD300;
	p0 =	seq.s32 s15, $0x3D  }
0x113: {  	[tilespmem:s29], [sflag:$0x6] =	stream.linear.gather [hbm4b:s22+s6], $0x50, $0x38;
	[tilespmem:$0x1E2D0] =	vst v63  }
0x114: {  	s18 =	simm.s32 $0x0;
	s0 =	sadd.s32 @!p0 s16, s14;
	_ =	swait.ge [sflag:s30], $0x1400  }
0x115: {  	s3 =	simm.s32 @!p0 $0x0;
	s0 =	sshrl.u32 @!p0 s0, $0x3;
	[sflag:s30] =	ssyncset.done $0x0  }
0x116: {  	s8 =	simm.s32 @!p0 $0x50;
	s0 =	sadd.s32 @!p0 s2, s0;
	[sflag:s30] =	ssyncadd.s32 $0xFFFFEC00  }
0x117: {  	[tilespmem:s8], [sflag:$0x4] =	stream.linear.gather @!p0 [hbm4b:s0+s3], $0x50, $0x38;
	[tilespmem:$0x1E2D0] =	vst v63  }
0x118: {  	v1 =	vld [tilespmem:s18+$0x1540];
	_ =	sdelay $0x4  }
0x119: {  	s10 =	simm.s32 $0x40;
	s16 =	simm.s32 $0x5680;
	v2 =	vshll.u32 v1, $0x10  }
0x11a: {  	v1 =	vand.u32 $0xFFFF0000, v1;
	[tilespmem:s16+$0xFFFFFFC0] =	vst v2;
	v2 =	vld [tilespmem:s10+$0x1540]  }
0x11b: {  	[tilespmem:s16+$0xFFFFFFD0] =	vst v1  }
0x11c: {  	v1 =	vld [tilespmem:s18+$0x1550];
	_ =	sdelay $0x2  }
0x11d: {  	s8 =	simm.s32 $0x5710;
	s3 =	simm.s32 $0x80;
	v3 =	vshll.u32 v2, $0x10  }
0x11e: {  	v2 =	vand.u32 $0xFFFF0000, v2;
	[tilespmem:s8+$0xFFFFFFC0] =	vst v3;
	v3 =	vld [tilespmem:s3+$0x1540]  }
0x11f: {  	[tilespmem:s8+$0xFFFFFFD0] =	vst v2;
	v2 =	vand.u32 $0xFFFF0000, v1  }
0x120: {  	v1 =	vshll.u32 v1, $0x10;
	[tilespmem:s16+$0xFFFFFFF0] =	vst v2;
	v2 =	vld [tilespmem:s10+$0x1550]  }
0x121: {  	[tilespmem:s16+$0xFFFFFFE0] =	vst v1  }
0x122: {  	v1 =	vld [tilespmem:s18+$0x1560]  }
0x123: {  	s19 =	simm.s32 $0xC0;
	s17 =	simm.s32 $0x57A0;
	v4 =	vshll.u32 v3, $0x10  }
0x124: {  	v3 =	vand.u32 $0xFFFF0000, v3;
	[tilespmem:s17+$0xFFFFFFC0] =	vst v4;
	v4 =	vld [tilespmem:s19+$0x1540]  }
0x125: {  	[tilespmem:s17+$0xFFFFFFD0] =	vst v3;
	v3 =	vand.u32 $0xFFFF0000, v2;
	v2 =	vshll.u32 v2, $0x10  }
0x126: {  	[tilespmem:s8+$0xFFFFFFE0] =	vst v2;
	v2 =	vld [tilespmem:s3+$0x1550]  }
0x127: {  	[tilespmem:s8+$0xFFFFFFF0] =	vst v3;
	v3 =	vshll.u32 v1, $0x10;
	v1 =	vand.u32 $0xFFFF0000, v1  }
0x128: {  	[tilespmem:s16+$0x10] =	vst v1;
	v1 =	vld [tilespmem:s10+$0x1560]  }
0x129: {  	s12 =	simm.s32 $0x5830;
	s0 =	simm.s32 $0x400;
	[tilespmem:s16+$0x0] =	vst v3;
	v3 =	vshll.u32 v4, $0x10;
	v4 =	vand.u32 $0xFFFF0000, v4  }
.LBB2_5:
0x12a: {  	s21 =	sshra.s32 s0, $0x2;
	p1 =	sne.s32 s0, $0x4F00;
	s0 =	sadd.s32 $0x100, s0;
	[tilespmem:s12+$0xFFFFFFC0] =	vst v3;
	v3 =	vld [tilespmem:s18+$0x1570]  }
0x12b: {  	s18 =	smov.u32 s10;
	s10 =	smov.u32 s3;
	s3 =	smov.u32 s19;
	v5 =	vld [tilespmem:s21+$0x1540];
	[tilespmem:s12+$0xFFFFFFD0] =	vst v4;
	v4 =	vand.u32 $0xFFFF0000, v2  }
0x12c: {  	v2 =	vshll.u32 v2, $0x10;
	s19 =	smov.u32 s21;
	s21 =	smov.u32 s12;
	[tilespmem:s17+$0xFFFFFFF0] =	vst v4  }
.Ltmp1:
0x12d: {  	[tilespmem:s17+$0xFFFFFFE0] =	vst v2;
	v4 =	vshll.u32 v1, $0x10;
	v1 =	vand.u32 $0xFFFF0000, v1;
	(pc) =	sbr.rel @p1 .LBB2_5-.Ltmp1, $4  }
0x12e: {  	v2 =	vld [tilespmem:s3+$0x1550];
	[tilespmem:s8+$0x0] =	vst v4  }
0x12f: {  	[tilespmem:s8+$0x10] =	vst v1;
	v6 =	vshll.u32 v3, $0x10;
	v4 =	vand.u32 $0xFFFF0000, v3  }
0x130: {  	s12 =	sadd.s32 $0x90, s12;
	v3 =	vshll.u32 v5, $0x10;
	v1 =	vld [tilespmem:s10+$0x1560];
	[tilespmem:s16+$0x30] =	vst v4  }
0x131: {  	v4 =	vand.u32 $0xFFFF0000, v5;
	[tilespmem:s16+$0x20] =	vst v6;
	s16 =	smov.u32 s8;
	s8 =	smov.u32 s17;
	s17 =	smov.u32 s21  }
0x132: {  	[tilespmem:s12+$0xFFFFFFC0] =	vst v3  }
0x133: {  	[tilespmem:s12+$0xFFFFFFD0] =	vst v4  }
0x134: {  	v3 =	vld [tilespmem:s19+$0x1550];
	_ =	sdelay $0x2  }
0x135: {  	v61 =	vand.u32 $0xFFFF0000, v2  }
0x136: {  	v2 =	vshll.u32 v2, $0x10;
	[tilespmem:s17+$0xFFFFFFF0] =	vst v61  }
0x137: {  	[tilespmem:s17+$0xFFFFFFE0] =	vst v2;
	v2 =	vand.u32 $0xFFFF0000, v3  }
0x138: {  	v4 =	vld [tilespmem:s3+$0x1560];
	v3 =	vshll.u32 v3, $0x10;
	[tilespmem:s12+$0xFFFFFFF0] =	vst v2  }
0x139: {  	[tilespmem:s12+$0xFFFFFFE0] =	vst v3  }
0x13a: {  	v2 =	vld [tilespmem:s19+$0x1560]  }
0x13b: {  	v3 =	vshll.u32 v1, $0x10  }
0x13c: {  	v1 =	vand.u32 $0xFFFF0000, v1;
	[tilespmem:s8+$0x0] =	vst v3;
	v3 =	vld [tilespmem:s18+$0x1570]  }
0x13d: {  	[tilespmem:s8+$0x10] =	vst v1;
	v1 =	vshll.u32 v4, $0x10  }
0x13e: {  	v4 =	vand.u32 $0xFFFF0000, v4;
	[tilespmem:s17+$0x0] =	vst v1;
	v1 =	vld [tilespmem:s10+$0x1570]  }
0x13f: {  	[tilespmem:s17+$0x10] =	vst v4;
	v62 =	vshll.u32 v2, $0x10  }
0x140: {  	v63 =	vld [tilespmem:s3+$0x1570];
	v2 =	vand.u32 $0xFFFF0000, v2;
	[tilespmem:s12+$0x0] =	vst v62  }
0x141: {  	[tilespmem:s12+$0x10] =	vst v2;
	v2 =	vand.u32 $0xFFFF0000, v3  }
0x142: {  	v3 =	vshll.u32 v3, $0x10;
	[tilespmem:s16+$0x30] =	vst v2;
	v2 =	vld [tilespmem:s19+$0x1570]  }
0x143: {  	[tilespmem:s16+$0x20] =	vst v3;
	v3 =	vand.u32 $0xFFFF0000, v1  }
0x144: {  	v1 =	vshll.u32 v1, $0x10;
	[tilespmem:s8+$0x30] =	vst v3  }
0x145: {  	[tilespmem:s8+$0x20] =	vst v1;
	v1 =	vand.u32 $0xFFFF0000, v63  }
0x146: {  	v3 =	vshll.u32 v63, $0x10;
	[tilespmem:s17+$0x30] =	vst v1  }
0x147: {  	[tilespmem:s17+$0x20] =	vst v3;
	v1 =	vand.u32 $0xFFFF0000, v2  }
0x148: {  	v2 =	vshll.u32 v2, $0x10;
	[tilespmem:s12+$0x30] =	vst v1  }
.Ltmp2:
0x149: {  	[tilespmem:s12+$0x20] =	vst v2;
	(pc) =	sbr.rel @p0 .LBB2_8-.Ltmp2, $4  }
0x14a: {  	_ =	swait.ge [sflag:s31], $0x50  }
0x14b: {  	[sflag:s31] =	ssyncset.done $0x0  }
0x14c: {  	s0 =	simm.s32 $0x5640;
	[sflag:s31] =	ssyncadd.s32 $0xFFFFFFB0  }
0x14d: {  	[spmem:s5] =	stream.indirect.scatter.add.f32 [tilespmem:s0], [sflag:$0x8], $0x90, s29, s20, $0xb8;
	[tilespmem:$0x1E2D0] =	vst v63  }
.Ltmp3:
0x14e: {  	(pc) =	sbr.rel .LBB2_2-.Ltmp3, $4  }
0x14f: {  	_ =	swait.ge [sflag:s11], $0x50  }
0x150: {  	[sflag:s11] =	ssyncset.done $0x0  }
0x151: {  	s0 =	simm.s32 $0x1540;
	s15 =	sadd.s32 $0x1, s15;
	[sflag:s11] =	ssyncadd.s32 $0xFFFFFFB0  }
0x152: {  	[tilespmem:s0], [sflag:$0x2] =	stream.indirect.gather [hbm4b:s1+s20], $0x40, s20, s20, $0xb8;
	[tilespmem:$0x1E2D0] =	vst v63  }
.LBB2_8:
0x153: {  	s0 =	simm.s32 $0x7  }
0x154: {  	_ =	swait.ge [sflag:s0], $0x2D00  }
0x155: {  	[sflag:s0] =	ssyncset.done $0x0  }
0x156: {  	s22 =	simm.s32 $0x0;
	s3 =	rddreg [dreg:$0xa];
	[sflag:s0] =	ssyncadd.s32 $0xFFFFD300  }
0x157: {  	[tilespmem:s23], [sflag:$0x5] =	stream.linear.gather [hbm4b:s3+s22], $0x50, $0x38;
	[tilespmem:$0x1E2D0] =	vst v63  }
0x158: {  	_ =	swait.ge [sflag:s24], $0x1400  }
0x159: {  	[sflag:s24] =	ssyncset.done $0x0  }
0x15a: {  	s17 =	simm.s32 $0x0;
	[sflag:s24] =	ssyncadd.s32 $0xFFFFEC00  }
0x15b: {  	v1 =	vld [tilespmem:s17+$0x140];
	_ =	sdelay $0x4  }
0x15c: {  	s15 =	simm.s32 $0x2980;
	s10 =	simm.s32 $0x40;
	v2 =	vshll.u32 v1, $0x10  }
0x15d: {  	v1 =	vand.u32 $0xFFFF0000, v1;
	[tilespmem:s15+$0xFFFFFFC0] =	vst v2;
	v2 =	vld [tilespmem:s10+$0x140]  }
0x15e: {  	[tilespmem:s15+$0xFFFFFFD0] =	vst v1  }
0x15f: {  	v1 =	vld [tilespmem:s17+$0x150];
	_ =	sdelay $0x2  }
0x160: {  	s8 =	simm.s32 $0x2A10;
	s3 =	simm.s32 $0x80;
	v3 =	vshll.u32 v2, $0x10  }
0x161: {  	v2 =	vand.u32 $0xFFFF0000, v2;
	[tilespmem:s8+$0xFFFFFFC0] =	vst v3;
	v3 =	vld [tilespmem:s3+$0x140]  }
0x162: {  	[tilespmem:s8+$0xFFFFFFD0] =	vst v2;
	v2 =	vand.u32 $0xFFFF0000, v1  }
0x163: {  	v1 =	vshll.u32 v1, $0x10;
	[tilespmem:s15+$0xFFFFFFF0] =	vst v2;
	v2 =	vld [tilespmem:s10+$0x150]  }
0x164: {  	[tilespmem:s15+$0xFFFFFFE0] =	vst v1  }
0x165: {  	v1 =	vld [tilespmem:s17+$0x160]  }
0x166: {  	s16 =	simm.s32 $0x2AA0;
	s18 =	simm.s32 $0xC0;
	v4 =	vshll.u32 v3, $0x10  }
0x167: {  	v3 =	vand.u32 $0xFFFF0000, v3;
	[tilespmem:s16+$0xFFFFFFC0] =	vst v4;
	v4 =	vld [tilespmem:s18+$0x140]  }
0x168: {  	[tilespmem:s16+$0xFFFFFFD0] =	vst v3;
	v3 =	vand.u32 $0xFFFF0000, v2;
	v2 =	vshll.u32 v2, $0x10  }
0x169: {  	[tilespmem:s8+$0xFFFFFFE0] =	vst v2;
	v2 =	vld [tilespmem:s3+$0x150]  }
0x16a: {  	[tilespmem:s8+$0xFFFFFFF0] =	vst v3;
	v3 =	vshll.u32 v1, $0x10;
	v1 =	vand.u32 $0xFFFF0000, v1  }
0x16b: {  	[tilespmem:s15+$0x10] =	vst v1;
	v1 =	vld [tilespmem:s10+$0x160]  }
0x16c: {  	s12 =	simm.s32 $0x2B30;
	s0 =	simm.s32 $0x400;
	[tilespmem:s15+$0x0] =	vst v3;
	v3 =	vshll.u32 v4, $0x10;
	v4 =	vand.u32 $0xFFFF0000, v4  }
.LBB2_9:
0x16d: {  	s19 =	sshra.s32 s0, $0x2;
	p0 =	sne.s32 s0, $0x4F00;
	s0 =	sadd.s32 $0x100, s0;
	[tilespmem:s12+$0xFFFFFFC0] =	vst v3;
	v3 =	vld [tilespmem:s17+$0x170]  }
0x16e: {  	s17 =	smov.u32 s10;
	s10 =	smov.u32 s3;
	s3 =	smov.u32 s18;
	v5 =	vld [tilespmem:s19+$0x140];
	[tilespmem:s12+$0xFFFFFFD0] =	vst v4;
	v4 =	vand.u32 $0xFFFF0000, v2  }
0x16f: {  	v2 =	vshll.u32 v2, $0x10;
	s18 =	smov.u32 s19;
	s19 =	smov.u32 s12;
	[tilespmem:s16+$0xFFFFFFF0] =	vst v4  }
.Ltmp4:
0x170: {  	[tilespmem:s16+$0xFFFFFFE0] =	vst v2;
	v4 =	vshll.u32 v1, $0x10;
	v1 =	vand.u32 $0xFFFF0000, v1;
	(pc) =	sbr.rel @p0 .LBB2_9-.Ltmp4, $4  }
0x171: {  	v2 =	vld [tilespmem:s3+$0x150];
	[tilespmem:s8+$0x0] =	vst v4  }
0x172: {  	[tilespmem:s8+$0x10] =	vst v1;
	v6 =	vshll.u32 v3, $0x10;
	v4 =	vand.u32 $0xFFFF0000, v3  }
0x173: {  	s12 =	sadd.s32 $0x90, s12;
	v3 =	vshll.u32 v5, $0x10;
	v1 =	vld [tilespmem:s10+$0x160];
	[tilespmem:s15+$0x30] =	vst v4  }
0x174: {  	v4 =	vand.u32 $0xFFFF0000, v5;
	[tilespmem:s15+$0x20] =	vst v6;
	s15 =	smov.u32 s8;
	s8 =	smov.u32 s16;
	s16 =	smov.u32 s19  }
0x175: {  	[tilespmem:s12+$0xFFFFFFC0] =	vst v3  }
0x176: {  	[tilespmem:s12+$0xFFFFFFD0] =	vst v4  }
0x177: {  	v3 =	vld [tilespmem:s18+$0x150];
	_ =	sdelay $0x2  }
0x178: {  	v61 =	vand.u32 $0xFFFF0000, v2  }
0x179: {  	v2 =	vshll.u32 v2, $0x10;
	[tilespmem:s16+$0xFFFFFFF0] =	vst v61  }
0x17a: {  	[tilespmem:s16+$0xFFFFFFE0] =	vst v2;
	v2 =	vand.u32 $0xFFFF0000, v3  }
0x17b: {  	v4 =	vld [tilespmem:s3+$0x160];
	v3 =	vshll.u32 v3, $0x10;
	[tilespmem:s12+$0xFFFFFFF0] =	vst v2  }
0x17c: {  	[tilespmem:s12+$0xFFFFFFE0] =	vst v3  }
0x17d: {  	v2 =	vld [tilespmem:s18+$0x160]  }
0x17e: {  	v3 =	vshll.u32 v1, $0x10  }
0x17f: {  	v1 =	vand.u32 $0xFFFF0000, v1;
	[tilespmem:s8+$0x0] =	vst v3;
	v3 =	vld [tilespmem:s17+$0x170]  }
0x180: {  	[tilespmem:s8+$0x10] =	vst v1;
	v1 =	vshll.u32 v4, $0x10  }
0x181: {  	v4 =	vand.u32 $0xFFFF0000, v4;
	[tilespmem:s16+$0x0] =	vst v1;
	v1 =	vld [tilespmem:s10+$0x170]  }
0x182: {  	[tilespmem:s16+$0x10] =	vst v4;
	v62 =	vshll.u32 v2, $0x10  }
0x183: {  	v63 =	vld [tilespmem:s3+$0x170];
	v2 =	vand.u32 $0xFFFF0000, v2;
	[tilespmem:s12+$0x0] =	vst v62  }
0x184: {  	[tilespmem:s12+$0x10] =	vst v2;
	v2 =	vand.u32 $0xFFFF0000, v3  }
0x185: {  	v3 =	vshll.u32 v3, $0x10;
	[tilespmem:s15+$0x30] =	vst v2;
	v2 =	vld [tilespmem:s18+$0x170]  }
0x186: {  	[tilespmem:s15+$0x20] =	vst v3;
	v3 =	vand.u32 $0xFFFF0000, v1  }
0x187: {  	v1 =	vshll.u32 v1, $0x10;
	[tilespmem:s8+$0x30] =	vst v3  }
0x188: {  	[tilespmem:s8+$0x20] =	vst v1;
	v1 =	vand.u32 $0xFFFF0000, v63  }
0x189: {  	v3 =	vshll.u32 v63, $0x10;
	[tilespmem:s16+$0x30] =	vst v1  }
0x18a: {  	[tilespmem:s16+$0x20] =	vst v3;
	v1 =	vand.u32 $0xFFFF0000, v2  }
0x18b: {  	v2 =	vshll.u32 v2, $0x10;
	[tilespmem:s12+$0x30] =	vst v1  }
0x18c: {  	[tilespmem:s12+$0x20] =	vst v2  }
0x18d: {  	_ =	swait.ge [sflag:s25], $0x50  }
0x18e: {  	[sflag:s25] =	ssyncset.done $0x0  }
0x18f: {  	s0 =	simm.s32 $0x7;
	[sflag:s25] =	ssyncadd.s32 $0xFFFFFFB0  }
0x190: {  	[spmem:s5] =	stream.indirect.scatter.add.f32 [tilespmem:s26], [sflag:$0x7], $0x90, s23, s20, $0xb8;
	[tilespmem:$0x1E2D0] =	vst v63  }
0x191: {  	_ =	swait.ge [sflag:s0], $0x2D00  }
0x192: {  	[sflag:s0] =	ssyncset.done $0x0  }
0x193: {  	s18 =	simm.s32 $0x8;
	[sflag:s0] =	ssyncadd.s32 $0xFFFFD300  }
0x194: {  	_ =	swait.ge [sflag:s18], $0x2D00  }
0x195: {  	[sflag:s18] =	ssyncset.done $0x0  }
0x196: {  	[sflag:s18] =	ssyncadd.s32 $0xFFFFD300  }
0x197: {  	[bflag:$0x0] =	sbarrier.arrive $0xFFFF  }
0x198: {  	s15 =	rddreg [dreg:$0x7]  }
0x199: {  	s19 =	rddreg [dreg:$0xb]  }
0x19a: {  	s8 =	simm.s32 $0x9;
	s3 =	rddreg [dreg:$0xd]  }
0x19b: {  	[hbm:s19], [sflag:s15] =	dma.local [spmem:s3], $0x2BF2  }
0x19c: {  	_ =	swait.ge [sflag:s8], $0x2BF2  }
0x19d: {  	s21 =	rddreg [dreg:$0xe]  }
0x19e: {  	s22 =	rddreg [dreg:$0xc];
	s10 =	sadd.s32 $0x1, s21  }
0x19f: {  	p0 =	sne.s32 s10, s22  }
.Ltmp5:
0x1a0: {  	_ = 	snop;
	(pc) =	sbr.rel @p0 .LBB2_1-.Ltmp5, $3  }
0x1a1: {  	_ =	sdelay $0x1  }
0x1a2: {  	[sflag:s8] =	ssyncset.done $0x0  }
0x1a3: {  	[sflag:s8] =	ssyncadd.s32 $0xFFFFD40E  }
0x1a4: {  	_ =	sfence.sel $0x180000  }
0x1a5: {  	[bflag:$0x0] =	sbarrier.arrive $0xFFFF  }
0x1a6: {  	_ =	strace $0x90000047  }
0x1a7: {  	s0 =	stileid.u32;
	[bflag:$0x2] =	sbarrier.arrive $0xFFFF  }
0x1a8: {  	p0 =	sne.s32 s0, $0x0;
	s0 =	rddreg [dreg:$0x5]  }
0x1a9: {  	s0 =	sadd.s32 @!p0 $0x100000, s0  }
0x1aa: {  	[sflag:s0] =	ssyncadd.tile.s32 @!p0 $0x1;
	_ =	shalt  }
.Lfunc_end2:
_tile_overlayer_lowered:
.L_overlay_start_2:
0x1ab: {  	(tag) =	ssettag $0x2  }
0x1ac: {  	s0 =	rddreg [dreg:$0x0];
	s2 =	stileid.u32  }
0x1ad: {  	s1 =	rddreg [dreg:$0x1];
	p0 =	sne.s32 s2, $0x0  }
0x1ae: {  	s3 =	rddreg [dreg:$0x2];
	[bflag:$0x3] =	sbarrier.arrive $0xFFFF;
	s2 =	simm.s32 @!p0 $0x1C09  }
0x1af: {  	[timem:s3], [sflag:s2] =	dma.local @!p0 [hbm:s0], s1  }
0x1b0: {  	s0 =	simm.s32 @!p0 $0x9  }
0x1b1: {  	_ =	swait.ge @!p0 [sflag:s0], s1  }
0x1b2: {  	s1 =	ssub.s32 @!p0 $0x0, s1;
	[sflag:s0] =	ssyncset.done @!p0 $0x0  }
0x1b3: {  	[sflag:s0] =	ssyncadd.s32 @!p0 s1  }
0x1b4: {  	[bflag:$0x3] =	sbarrier.arrive $0xFFFF  }
0x1b5: {  	_ =	shalt  }

</sc_bundles>
